<compile_context>
chip_gen: v7x
topology: tpu7x:2x2x1
jax: 0.10.2.dev20260603
libtpu: 0.0.44.dev20260713+nightly
codegen_flags: <defaults>
</compile_context>

<pallas_src>
import functools

import jax
import jax.numpy as jnp
from jax import lax
from jax.experimental import pallas as pl
from jax.experimental.pallas import tpu as pltpu
from jax.experimental.pallas import tpu_sc as plsc

N = 10000
E = 320000
D = 128
H = 16
C = 2
G = 64

NC = 2
NS = 16
NW = NC * NS
CHUNK = 128
NCHUNK = 80
EPWP = NCHUNK * CHUNK
EP = NW * EPWP
NPAD = 10240
ROWS_PT = NPAD // NS
NP8 = NPAD // 8
E2 = 2 * E

_MESH = plsc.VectorSubcoreMesh(core_axis_name="c", subcore_axis_name="s")
_SC_PARAMS = pltpu.CompilerParams(
    use_tc_tiling_on_sc=False, needs_layout_passes=False
)


def _rsqrt16(d):
    bits = plsc.bitcast(d, jnp.int32)
    y = plsc.bitcast(jnp.int32(0x5F3759DF) - (bits >> 1), jnp.float32)
    for _ in range(3):
        y = y * (1.5 - 0.5 * d * y * y)
    return y


@functools.partial(
    pl.kernel,
    out_type=jax.ShapeDtypeStruct((NC, NP8, 128), jnp.float32),
    mesh=_MESH,
    compiler_params=_SC_PARAMS,
    scratch_types=[
        pltpu.VMEM((NCHUNK, CHUNK), jnp.int32),
        pltpu.VMEM((NCHUNK, CHUNK), jnp.int32),
        pltpu.VMEM((NCHUNK, CHUNK), jnp.int32),
        pltpu.VMEM((ROWS_PT, H), jnp.float32),
        pltpu.VMEM((ROWS_PT // 8, 128), jnp.float32),
        pltpu.VMEM((ROWS_PT,), jnp.float32),
        pltpu.VMEM((CHUNK,), jnp.float32),
        [pltpu.VMEM((CHUNK, H), jnp.float32)] * 8,
        pltpu.SemaphoreType.DMA,
        [pltpu.SemaphoreType.DMA] * 8,
        [pltpu.SemaphoreType.DMA] * 8,
        pltpu.VMEM_SHARED((NPAD,), jnp.float32),
        pltpu.VMEM_SHARED((NPAD, H), jnp.float32),
        pltpu.VMEM_SHARED((NPAD, H), jnp.float32),
    ],
)
def _gcn_sc(edge_hbm, h_hbm, ones_hbm, zrow_hbm, zrows_hbm, t_hbm,
            src_v, dst_v, dstb_v, hrows_v, h8rows_v, dinv_v, ones_v, rows,
            semd, gsems, ssems,
            shared_deg, shared_hp, shared_t):
    cid = lax.axis_index("c")
    sid = lax.axis_index("s")
    wid = sid * NC + cid
    myrows = pl.ds(sid * ROWS_PT, ROWS_PT)

    my8rows = pl.ds(sid * (ROWS_PT // 8), ROWS_PT // 8)

    lda = pltpu.async_copy(edge_hbm.at[1, wid], dst_v, gsems[0])
    ldb = pltpu.async_copy(edge_hbm.at[1, sid * NC + (1 - cid)], dstb_v,
                           gsems[1])
    lds = pltpu.async_copy(edge_hbm.at[0, wid], src_v, gsems[2])
    ldh = pltpu.async_copy(h_hbm.at[my8rows], h8rows_v, gsems[3])
    pltpu.sync_copy(ones_hbm, ones_v)
    pltpu.sync_copy(zrow_hbm, shared_deg.at[myrows])
    lda.wait()
    ldb.wait()
    plsc.subcore_barrier()

    DEG_DEPTH = 8

    for j in range(DEG_DEPTH):
        pltpu.async_copy(ones_v, shared_deg.at[dst_v.at[j]], semd, add=True)

    def deg_body1(j, carry):
        pltpu.make_async_copy(ones_v, shared_deg.at[dst_v.at[0]],
                              semd).wait()
        pltpu.async_copy(ones_v, shared_deg.at[dst_v.at[j]], semd, add=True)
        return carry

    lax.fori_loop(DEG_DEPTH, NCHUNK, deg_body1, 0)

    def deg_body2(j, carry):
        pltpu.make_async_copy(ones_v, shared_deg.at[dstb_v.at[0]],
                              semd).wait()
        pltpu.async_copy(ones_v, shared_deg.at[dstb_v.at[j]], semd, add=True)
        return carry

    lax.fori_loop(0, NCHUNK, deg_body2, 0)
    for _ in range(DEG_DEPTH):
        pltpu.make_async_copy(ones_v, shared_deg.at[dstb_v.at[0]],
                              semd).wait()
    lds.wait()
    ldh.wait()
    plsc.subcore_barrier()

    pltpu.sync_copy(shared_deg.at[myrows], dinv_v)

    def dinv_body(k, carry):
        d = dinv_v[pl.ds(k * 16, 16)] + 1.0
        dinv_v[pl.ds(k * 16, 16)] = _rsqrt16(d)
        return carry

    lax.fori_loop(0, ROWS_PT // 16, dinv_body, 0)

    def scale_body(k, carry):
        dv = dinv_v[pl.ds(k * 16, 16)]
        for i in range(16):
            r = k * 16 + i
            hrows_v[r, :] = (
                h8rows_v[2 * k + i // 8, pl.ds((i % 8) * H, H)] * dv[i]
            )
        return carry

    lax.fori_loop(0, ROWS_PT // 16, scale_body, 0)

    pltpu.sync_copy(hrows_v, shared_hp.at[myrows])

    @pl.when(cid == 0)
    def _():
        pltpu.sync_copy(hrows_v, shared_t.at[myrows])

    @pl.when(cid != 0)
    def _():
        pltpu.sync_copy(zrows_hbm, shared_t.at[myrows])

    plsc.subcore_barrier()

    RING = 8
    for b in range(RING):
        pltpu.async_copy(shared_hp.at[src_v.at[b]], rows[b], gsems[b])

    def edge_body(i, carry):
        j = RING * i
        for b in range(RING):
            pltpu.make_async_copy(shared_hp.at[src_v.at[j + b]], rows[b],
                                  gsems[b]).wait()
            pltpu.async_copy(rows[b], shared_t.at[dst_v.at[j + b]], ssems[b],
                             add=True)
        for b in range(RING):
            pltpu.make_async_copy(rows[b], shared_t.at[dst_v.at[j + b]],
                                  ssems[b]).wait()

            @pl.when(j + RING + b < NCHUNK)
            def _():
                pltpu.async_copy(shared_hp.at[src_v.at[j + RING + b]],
                                 rows[b], gsems[b])
        return carry

    lax.fori_loop(0, NCHUNK // RING, edge_body, 0)
    plsc.subcore_barrier()

    pltpu.sync_copy(shared_t.at[myrows], hrows_v)

    def scale_t_body(k, carry):
        dv = dinv_v[pl.ds(k * 16, 16)]
        for i in range(16):
            r = k * 16 + i
            h8rows_v[2 * k + i // 8, pl.ds((i % 8) * H, H)] = (
                hrows_v[r, :] * dv[i]
            )
        return carry

    lax.fori_loop(0, ROWS_PT // 16, scale_t_body, 0)
    pltpu.sync_copy(h8rows_v, t_hbm.at[cid, my8rows])


def _mm_tc(x8_ref, w_ref, h8_ref):
    w = w_ref[...]
    wt = jnp.tile(w, (8, 8))
    rowblk = lax.broadcasted_iota(jnp.int32, (8 * D, 128), 0) // D
    colblk = lax.broadcasted_iota(jnp.int32, (8 * D, 128), 1) // H
    w8 = jnp.where(rowblk == colblk, wt, 0.0)
    h8_ref[...] = jnp.dot(x8_ref[...], w8,
                          preferred_element_type=jnp.float32)


_mm_call = pl.pallas_call(
    _mm_tc,
    out_shape=jax.ShapeDtypeStruct((NP8, 128), jnp.float32),
)


def _final_tc(t_ref, b8_ref, batch8_ref, wc_ref, bc_ref, out_ref):
    r8 = jnp.maximum(t_ref[0] + t_ref[1] + b8_ref[...], 0.0)
    gids = lax.broadcasted_iota(jnp.int32, (G, NP8), 0)
    sums = jnp.zeros((G, H), jnp.float32)
    counts = jnp.zeros((G, 1), jnp.float32)
    for i in range(8):
        oh = (batch8_ref[i:i + 1, :] == gids).astype(jnp.float32)
        ri = r8[:, i * H:(i + 1) * H]
        sums = sums + jnp.dot(oh, ri, preferred_element_type=jnp.float32)
        counts = counts + jnp.sum(oh, axis=1, keepdims=True)
    pooled = sums / jnp.maximum(counts, 1.0)
    out_ref[...] = (
        jnp.dot(pooled, wc_ref[...], preferred_element_type=jnp.float32)
        + bc_ref[...]
    )


_final_call = pl.pallas_call(
    _final_tc,
    out_shape=jax.ShapeDtypeStruct((G, C), jnp.float32),
)


def kernel(x, edge_index, batch, W, b, Wc, bc):
    padidx = N + jax.lax.iota(jnp.int32, EP - E) % (NPAD - N)
    pade = jnp.broadcast_to(padidx, (2, EP - E))
    e1 = jnp.concatenate([edge_index, pade], axis=1)
    e1 = e1.reshape(2, NW, NCHUNK, CHUNK)
    ones = jnp.ones((CHUNK,), jnp.float32)
    zrow = jnp.zeros((ROWS_PT,), jnp.float32)
    zrows = jnp.zeros((ROWS_PT, H), jnp.float32)

    x8 = jnp.pad(x, ((0, NPAD - N), (0, 0))).reshape(NP8, 8 * D)
    h = _mm_call(x8, W)
    t = _gcn_sc(e1, h, ones, zrow, zrows)

    b8 = jnp.tile(b, 8).reshape(1, 128)
    batch8 = jnp.pad(batch, (0, NPAD - N), constant_values=G)
    batch8 = batch8.reshape(NP8, 8).T
    logits = _final_call(t, b8, batch8, Wc, bc.reshape(1, C))
    return logits

# --- scband reference (transcript-rebuilt; emitter-appended) ---
"""Pipeline reference for scband-graph-discriminator-18391049961795 (READ-ONLY COPY).

The authoritative reference and input builder live on the scoring server;
editing this copy changes nothing except your own understanding.
"""

import jax, jax.numpy as jnp
import numpy as np

N = 10000
E = 320000
D = 128
H = 16
C = 2
G = 64


def setup_inputs(seed: int = 0) -> dict:
    key = jax.random.key(seed)
    k1, k2, k3, k4, k5 = jax.random.split(key, 5)
    x = jax.random.normal(k1, (N, D), dtype=jnp.float32)
    edge_index = jax.random.randint(k2, (2, E), 0, N, dtype=jnp.int32)
    batch = jnp.sort(jax.random.randint(k3, (N,), 0, G, dtype=jnp.int32))
    # GCNConv weight (lin: input_dim -> hidden_dim, bias added after aggregation)
    W = jax.random.normal(k4, (D, H), dtype=jnp.float32) * (1.0 / np.sqrt(D))
    b = jnp.zeros((H,), dtype=jnp.float32)
    # classifier Linear(hidden_dim -> num_classes)
    Wc = jax.random.normal(k5, (H, C), dtype=jnp.float32) * (1.0 / np.sqrt(H))
    bc = jnp.zeros((C,), dtype=jnp.float32)
    return {"x": x, "edge_index": edge_index, "batch": batch, "W": W, "b": b, "Wc": Wc, "bc": bc}


def reference(x, edge_index, batch, W, b, Wc, bc):
    n = x.shape[0]
    src = edge_index[0]
    dst = edge_index[1]
    # GCNConv: add self-loops, symmetric normalization D^{-1/2}(A+I)D^{-1/2}
    loop = jnp.arange(n, dtype=src.dtype)
    src = jnp.concatenate([src, loop])
    dst = jnp.concatenate([dst, loop])
    deg = jnp.zeros((n,), x.dtype).at[dst].add(1.0)
    dinv = jnp.where(deg > 0, deg ** -0.5, 0.0)
    norm = dinv[src] * dinv[dst]
    h = x @ W
    agg = jnp.zeros((n, h.shape[1]), h.dtype).at[dst].add(h[src] * norm[:, None])
    agg = agg + b
    h = jax.nn.relu(agg)
    # dropout p=0.2 is identity in eval mode
    # global_mean_pool over batch vector
    sums = jax.ops.segment_sum(h, batch, num_segments=G)
    counts = jax.ops.segment_sum(jnp.ones((n, 1), h.dtype), batch, num_segments=G)
    pooled = sums / jnp.clip(counts, 1.0)
    logits = pooled @ Wc + bc
    return logits

if __name__ == "__main__":
    import jax
    _d = setup_inputs()
    print(jax.jit(kernel)(*tuple(_d.values())))

</pallas_src>

<mosaic_0001>
#map = affine_map<(d0, d1) -> (0, 0, 0, 0)>
#map1 = affine_map<(d0, d1) -> (0, 0)>
#map2 = affine_map<(d0, d1) -> (0)>
#map3 = affine_map<(d0, d1) -> (0, 0, 0)>
module attributes {stable_mosaic.version = 14 : i64} {
  func.func @_gcn_sc(%arg0: i32, %arg1: i32, %arg2: memref<2x32x80x128xi32, #tpu.memory_space<hbm>>, %arg3: memref<1280x128xf32, #tpu.memory_space<hbm>>, %arg4: memref<128xf32, #tpu.memory_space<hbm>>, %arg5: memref<640xf32, #tpu.memory_space<hbm>>, %arg6: memref<640x16xf32, #tpu.memory_space<hbm>>, %arg7: memref<2x1280x128xf32, #tpu.memory_space<hbm>>, %arg8: memref<80x128xi32, #tpu.memory_space<vmem>>, %arg9: memref<80x128xi32, #tpu.memory_space<vmem>>, %arg10: memref<80x128xi32, #tpu.memory_space<vmem>>, %arg11: memref<640x16xf32, #tpu.memory_space<vmem>>, %arg12: memref<80x128xf32, #tpu.memory_space<vmem>>, %arg13: memref<640xf32, #tpu.memory_space<vmem>>, %arg14: memref<128xf32, #tpu.memory_space<vmem>>, %arg15: memref<128x16xf32, #tpu.memory_space<vmem>>, %arg16: memref<128x16xf32, #tpu.memory_space<vmem>>, %arg17: memref<128x16xf32, #tpu.memory_space<vmem>>, %arg18: memref<128x16xf32, #tpu.memory_space<vmem>>, %arg19: memref<128x16xf32, #tpu.memory_space<vmem>>, %arg20: memref<128x16xf32, #tpu.memory_space<vmem>>, %arg21: memref<128x16xf32, #tpu.memory_space<vmem>>, %arg22: memref<128x16xf32, #tpu.memory_space<vmem>>, %arg23: memref<!tpu.dma_semaphore, #tpu.memory_space<semaphore_mem>>, %arg24: memref<!tpu.dma_semaphore, #tpu.memory_space<semaphore_mem>>, %arg25: memref<!tpu.dma_semaphore, #tpu.memory_space<semaphore_mem>>, %arg26: memref<!tpu.dma_semaphore, #tpu.memory_space<semaphore_mem>>, %arg27: memref<!tpu.dma_semaphore, #tpu.memory_space<semaphore_mem>>, %arg28: memref<!tpu.dma_semaphore, #tpu.memory_space<semaphore_mem>>, %arg29: memref<!tpu.dma_semaphore, #tpu.memory_space<semaphore_mem>>, %arg30: memref<!tpu.dma_semaphore, #tpu.memory_space<semaphore_mem>>, %arg31: memref<!tpu.dma_semaphore, #tpu.memory_space<semaphore_mem>>, %arg32: memref<!tpu.dma_semaphore, #tpu.memory_space<semaphore_mem>>, %arg33: memref<!tpu.dma_semaphore, #tpu.memory_space<semaphore_mem>>, %arg34: memref<!tpu.dma_semaphore, #tpu.memory_space<semaphore_mem>>, %arg35: memref<!tpu.dma_semaphore, #tpu.memory_space<semaphore_mem>>, %arg36: memref<!tpu.dma_semaphore, #tpu.memory_space<semaphore_mem>>, %arg37: memref<!tpu.dma_semaphore, #tpu.memory_space<semaphore_mem>>, %arg38: memref<!tpu.dma_semaphore, #tpu.memory_space<semaphore_mem>>, %arg39: memref<!tpu.dma_semaphore, #tpu.memory_space<semaphore_mem>>, %arg40: memref<10240xf32, #tpu.memory_space<vmem_shared>>, %arg41: memref<10240x16xf32, #tpu.memory_space<vmem_shared>>, %arg42: memref<10240x16xf32, #tpu.memory_space<vmem_shared>>) attributes {dimension_semantics = [#tpu.dimension_semantics<core_parallel>, #tpu.dimension_semantics<subcore_parallel>], iteration_bounds = array<i64: 2, 16>, scalar_prefetch = 0 : i64, scratch_operands = 35 : i64, tpu.core_type = #tpu.core_type<sc_vector_subcore>, window_params = [{transform_indices = #map}, {transform_indices = #map1}, {transform_indices = #map2}, {transform_indices = #map2}, {transform_indices = #map1}, {transform_indices = #map3}]} {
    %mul3A = arith.constant 2 : i32
    %mul3A_0 = arith.muli %arg1, %mul3A : i32
    %add3A = arith.addi %mul3A_0, %arg0 : i32
    %mul3A_1 = arith.constant 640 : i32
    %mul3A_2 = arith.muli %arg1, %mul3A_1 : i32
    %mul3A_3 = arith.constant 80 : i32
    %mul3A_4 = arith.muli %arg1, %mul3A_3 : i32
    %dma_start3A = arith.constant 1 : i32
    %dma_start3A_5 = arith.constant 0 : i32
    %dma_start3A_6 = arith.constant 0 : i32
    %dma_start3A_7 = tpu.memref_slice %arg2[%dma_start3A, %add3A, %dma_start3A_5, %dma_start3A_6] : memref<2x32x80x128xi32, #tpu.memory_space<hbm>> -> memref<1x1x80x128xi32, #tpu.memory_space<hbm>>
    %dma_start3A_8 = tpu.memref_squeeze %dma_start3A_7 : memref<1x1x80x128xi32, #tpu.memory_space<hbm>> -> memref<80x128xi32, #tpu.memory_space<hbm>>
    %dma_start3A_9 = arith.constant 0 : i32
    %dma_start3A_10 = arith.constant 0 : i32
    %dma_start3A_11 = tpu.memref_slice %arg2[%dma_start3A, %add3A, %dma_start3A_9, %dma_start3A_10] : memref<2x32x80x128xi32, #tpu.memory_space<hbm>> -> memref<1x1x80x128xi32, #tpu.memory_space<hbm>>
    %dma_start3A_12 = tpu.memref_squeeze %dma_start3A_11 : memref<1x1x80x128xi32, #tpu.memory_space<hbm>> -> memref<80x128xi32, #tpu.memory_space<hbm>>
    tpu.enqueue_dma source(%dma_start3A_12 : memref<80x128xi32, #tpu.memory_space<hbm>>) target(%arg9 : memref<80x128xi32, #tpu.memory_space<vmem>>) target_semaphore(%arg24 : memref<!tpu.dma_semaphore, #tpu.memory_space<semaphore_mem>>)
    %mul3A_13 = arith.constant 2 : i32
    %mul3A_14 = arith.muli %arg1, %mul3A_13 : i32
    %sub3A = arith.constant 1 : i32
    %sub3A_15 = arith.subi %sub3A, %arg0 : i32
    %add3A_16 = arith.addi %mul3A_14, %sub3A_15 : i32
    %dma_start3A_17 = arith.constant 1 : i32
    %dma_start3A_18 = arith.constant 0 : i32
    %dma_start3A_19 = arith.constant 0 : i32
    %dma_start3A_20 = tpu.memref_slice %arg2[%dma_start3A_17, %add3A_16, %dma_start3A_18, %dma_start3A_19] : memref<2x32x80x128xi32, #tpu.memory_space<hbm>> -> memref<1x1x80x128xi32, #tpu.memory_space<hbm>>
    %dma_start3A_21 = tpu.memref_squeeze %dma_start3A_20 : memref<1x1x80x128xi32, #tpu.memory_space<hbm>> -> memref<80x128xi32, #tpu.memory_space<hbm>>
    %dma_start3A_22 = arith.constant 0 : i32
    %dma_start3A_23 = arith.constant 0 : i32
    %dma_start3A_24 = tpu.memref_slice %arg2[%dma_start3A_17, %add3A_16, %dma_start3A_22, %dma_start3A_23] : memref<2x32x80x128xi32, #tpu.memory_space<hbm>> -> memref<1x1x80x128xi32, #tpu.memory_space<hbm>>
    %dma_start3A_25 = tpu.memref_squeeze %dma_start3A_24 : memref<1x1x80x128xi32, #tpu.memory_space<hbm>> -> memref<80x128xi32, #tpu.memory_space<hbm>>
    tpu.enqueue_dma source(%dma_start3A_25 : memref<80x128xi32, #tpu.memory_space<hbm>>) target(%arg10 : memref<80x128xi32, #tpu.memory_space<vmem>>) target_semaphore(%arg25 : memref<!tpu.dma_semaphore, #tpu.memory_space<semaphore_mem>>)
    %dma_start3A_26 = arith.constant 0 : i32
    %dma_start3A_27 = arith.constant 0 : i32
    %dma_start3A_28 = arith.constant 0 : i32
    %dma_start3A_29 = tpu.memref_slice %arg2[%dma_start3A_26, %add3A, %dma_start3A_27, %dma_start3A_28] : memref<2x32x80x128xi32, #tpu.memory_space<hbm>> -> memref<1x1x80x128xi32, #tpu.memory_space<hbm>>
    %dma_start3A_30 = tpu.memref_squeeze %dma_start3A_29 : memref<1x1x80x128xi32, #tpu.memory_space<hbm>> -> memref<80x128xi32, #tpu.memory_space<hbm>>
    %dma_start3A_31 = arith.constant 0 : i32
    %dma_start3A_32 = arith.constant 0 : i32
    %dma_start3A_33 = tpu.memref_slice %arg2[%dma_start3A_26, %add3A, %dma_start3A_31, %dma_start3A_32] : memref<2x32x80x128xi32, #tpu.memory_space<hbm>> -> memref<1x1x80x128xi32, #tpu.memory_space<hbm>>
    %dma_start3A_34 = tpu.memref_squeeze %dma_start3A_33 : memref<1x1x80x128xi32, #tpu.memory_space<hbm>> -> memref<80x128xi32, #tpu.memory_space<hbm>>
    tpu.enqueue_dma source(%dma_start3A_34 : memref<80x128xi32, #tpu.memory_space<hbm>>) target(%arg8 : memref<80x128xi32, #tpu.memory_space<vmem>>) target_semaphore(%arg26 : memref<!tpu.dma_semaphore, #tpu.memory_space<semaphore_mem>>)
    %dma_start3A_35 = arith.constant 0 : i32
    %dma_start3A_36 = tpu.memref_slice %arg3[%mul3A_4, %dma_start3A_35] : memref<1280x128xf32, #tpu.memory_space<hbm>> -> memref<80x128xf32, #tpu.memory_space<hbm>>
    %dma_start3A_37 = arith.constant 0 : i32
    %dma_start3A_38 = tpu.memref_slice %arg3[%mul3A_4, %dma_start3A_37] : memref<1280x128xf32, #tpu.memory_space<hbm>> -> memref<80x128xf32, #tpu.memory_space<hbm>>
    tpu.enqueue_dma source(%dma_start3A_38 : memref<80x128xf32, #tpu.memory_space<hbm>>) target(%arg12 : memref<80x128xf32, #tpu.memory_space<vmem>>) target_semaphore(%arg27 : memref<!tpu.dma_semaphore, #tpu.memory_space<semaphore_mem>>)
    "tpu.region"() ({
      %run_scoped3A = tpu.sem_alloc : memref<!tpu.dma_semaphore, #tpu.memory_space<semaphore_mem>>
      tpu.enqueue_dma source(%arg4 : memref<128xf32, #tpu.memory_space<hbm>>) target(%arg14 : memref<128xf32, #tpu.memory_space<vmem>>) target_semaphore(%run_scoped3A : memref<!tpu.dma_semaphore, #tpu.memory_space<semaphore_mem>>)
      tpu.wait_dma2 semaphore(%run_scoped3A : memref<!tpu.dma_semaphore, #tpu.memory_space<semaphore_mem>>) src(%arg4 : memref<128xf32, #tpu.memory_space<hbm>>) dst(%arg14 : memref<128xf32, #tpu.memory_space<vmem>>)
      tpu.yield
    }) : () -> ()
    "tpu.region"() ({
      %run_scoped3A = tpu.sem_alloc : memref<!tpu.dma_semaphore, #tpu.memory_space<semaphore_mem>>
      %dma_start3A_265 = tpu.memref_slice %arg40[%mul3A_2] : memref<10240xf32, #tpu.memory_space<vmem_shared>> -> memref<640xf32, #tpu.memory_space<vmem_shared>>
      tpu.enqueue_dma source(%arg5 : memref<640xf32, #tpu.memory_space<hbm>>) target(%dma_start3A_265 : memref<640xf32, #tpu.memory_space<vmem_shared>>) target_semaphore(%run_scoped3A : memref<!tpu.dma_semaphore, #tpu.memory_space<semaphore_mem>>)
      %dma_wait3A_266 = tpu.memref_slice %arg40[%mul3A_2] : memref<10240xf32, #tpu.memory_space<vmem_shared>> -> memref<640xf32, #tpu.memory_space<vmem_shared>>
      tpu.wait_dma2 semaphore(%run_scoped3A : memref<!tpu.dma_semaphore, #tpu.memory_space<semaphore_mem>>) src(%arg5 : memref<640xf32, #tpu.memory_space<hbm>>) dst(%dma_wait3A_266 : memref<640xf32, #tpu.memory_space<vmem_shared>>)
      tpu.yield
    }) : () -> ()
    %dma_wait3A = arith.constant 1 : i32
    %dma_wait3A_39 = arith.constant 0 : i32
    %dma_wait3A_40 = arith.constant 0 : i32
    %dma_wait3A_41 = tpu.memref_slice %arg2[%dma_wait3A, %add3A, %dma_wait3A_39, %dma_wait3A_40] : memref<2x32x80x128xi32, #tpu.memory_space<hbm>> -> memref<1x1x80x128xi32, #tpu.memory_space<hbm>>
    %dma_wait3A_42 = tpu.memref_squeeze %dma_wait3A_41 : memref<1x1x80x128xi32, #tpu.memory_space<hbm>> -> memref<80x128xi32, #tpu.memory_space<hbm>>
    %dma_wait3A_43 = arith.constant 0 : i32
    %dma_wait3A_44 = arith.constant 0 : i32
    %dma_wait3A_45 = tpu.memref_slice %arg2[%dma_wait3A, %add3A, %dma_wait3A_43, %dma_wait3A_44] : memref<2x32x80x128xi32, #tpu.memory_space<hbm>> -> memref<1x1x80x128xi32, #tpu.memory_space<hbm>>
    %dma_wait3A_46 = tpu.memref_squeeze %dma_wait3A_45 : memref<1x1x80x128xi32, #tpu.memory_space<hbm>> -> memref<80x128xi32, #tpu.memory_space<hbm>>
    tpu.wait_dma2 semaphore(%arg24 : memref<!tpu.dma_semaphore, #tpu.memory_space<semaphore_mem>>) src(%dma_wait3A_46 : memref<80x128xi32, #tpu.memory_space<hbm>>) dst(%arg9 : memref<80x128xi32, #tpu.memory_space<vmem>>)
    %dma_wait3A_47 = arith.constant 1 : i32
    %dma_wait3A_48 = arith.constant 0 : i32
    %dma_wait3A_49 = arith.constant 0 : i32
    %dma_wait3A_50 = tpu.memref_slice %arg2[%dma_wait3A_47, %add3A_16, %dma_wait3A_48, %dma_wait3A_49] : memref<2x32x80x128xi32, #tpu.memory_space<hbm>> -> memref<1x1x80x128xi32, #tpu.memory_space<hbm>>
    %dma_wait3A_51 = tpu.memref_squeeze %dma_wait3A_50 : memref<1x1x80x128xi32, #tpu.memory_space<hbm>> -> memref<80x128xi32, #tpu.memory_space<hbm>>
    %dma_wait3A_52 = arith.constant 0 : i32
    %dma_wait3A_53 = arith.constant 0 : i32
    %dma_wait3A_54 = tpu.memref_slice %arg2[%dma_wait3A_47, %add3A_16, %dma_wait3A_52, %dma_wait3A_53] : memref<2x32x80x128xi32, #tpu.memory_space<hbm>> -> memref<1x1x80x128xi32, #tpu.memory_space<hbm>>
    %dma_wait3A_55 = tpu.memref_squeeze %dma_wait3A_54 : memref<1x1x80x128xi32, #tpu.memory_space<hbm>> -> memref<80x128xi32, #tpu.memory_space<hbm>>
    tpu.wait_dma2 semaphore(%arg25 : memref<!tpu.dma_semaphore, #tpu.memory_space<semaphore_mem>>) src(%dma_wait3A_55 : memref<80x128xi32, #tpu.memory_space<hbm>>) dst(%arg10 : memref<80x128xi32, #tpu.memory_space<vmem>>)
    %barrier3A = arith.constant 0 : index
    tpu.barrier barrier_id(%barrier3A)
    %dma_start3A_56 = arith.constant 0 : i32
    %dma_start3A_57 = arith.constant 0 : i32
    %dma_start3A_58 = tpu.memref_slice %arg9[%dma_start3A_56, %dma_start3A_57] : memref<80x128xi32, #tpu.memory_space<vmem>> -> memref<1x128xi32, #tpu.memory_space<vmem>>
    %dma_start3A_59 = tpu.memref_squeeze %dma_start3A_58 : memref<1x128xi32, #tpu.memory_space<vmem>> -> memref<128xi32, #tpu.memory_space<vmem>>
    %dma_start3A_60 = arith.constant 0 : i32
    %dma_start3A_61 = tpu.memref_slice %arg40[%dma_start3A_60] : memref<10240xf32, #tpu.memory_space<vmem_shared>> -> memref<10240xf32, #tpu.memory_space<vmem_shared>>
    tpu.enqueue_indirect_dma source(%arg14 : memref<128xf32, #tpu.memory_space<vmem>>) target(%dma_start3A_61 : memref<10240xf32, #tpu.memory_space<vmem_shared>>) offsets(%dma_start3A_59 : memref<128xi32, #tpu.memory_space<vmem>>) semaphore(%arg23 : memref<!tpu.dma_semaphore, #tpu.memory_space<semaphore_mem>>) {add = true}
    %dma_start3A_62 = arith.constant 1 : i32
    %dma_start3A_63 = arith.constant 0 : i32
    %dma_start3A_64 = tpu.memref_slice %arg9[%dma_start3A_62, %dma_start3A_63] : memref<80x128xi32, #tpu.memory_space<vmem>> -> memref<1x128xi32, #tpu.memory_space<vmem>>
    %dma_start3A_65 = tpu.memref_squeeze %dma_start3A_64 : memref<1x128xi32, #tpu.memory_space<vmem>> -> memref<128xi32, #tpu.memory_space<vmem>>
    %dma_start3A_66 = arith.constant 0 : i32
    %dma_start3A_67 = tpu.memref_slice %arg40[%dma_start3A_66] : memref<10240xf32, #tpu.memory_space<vmem_shared>> -> memref<10240xf32, #tpu.memory_space<vmem_shared>>
    tpu.enqueue_indirect_dma source(%arg14 : memref<128xf32, #tpu.memory_space<vmem>>) target(%dma_start3A_67 : memref<10240xf32, #tpu.memory_space<vmem_shared>>) offsets(%dma_start3A_65 : memref<128xi32, #tpu.memory_space<vmem>>) semaphore(%arg23 : memref<!tpu.dma_semaphore, #tpu.memory_space<semaphore_mem>>) {add = true}
    %dma_start3A_68 = arith.constant 2 : i32
    %dma_start3A_69 = arith.constant 0 : i32
    %dma_start3A_70 = tpu.memref_slice %arg9[%dma_start3A_68, %dma_start3A_69] : memref<80x128xi32, #tpu.memory_space<vmem>> -> memref<1x128xi32, #tpu.memory_space<vmem>>
    %dma_start3A_71 = tpu.memref_squeeze %dma_start3A_70 : memref<1x128xi32, #tpu.memory_space<vmem>> -> memref<128xi32, #tpu.memory_space<vmem>>
    %dma_start3A_72 = arith.constant 0 : i32
    %dma_start3A_73 = tpu.memref_slice %arg40[%dma_start3A_72] : memref<10240xf32, #tpu.memory_space<vmem_shared>> -> memref<10240xf32, #tpu.memory_space<vmem_shared>>
    tpu.enqueue_indirect_dma source(%arg14 : memref<128xf32, #tpu.memory_space<vmem>>) target(%dma_start3A_73 : memref<10240xf32, #tpu.memory_space<vmem_shared>>) offsets(%dma_start3A_71 : memref<128xi32, #tpu.memory_space<vmem>>) semaphore(%arg23 : memref<!tpu.dma_semaphore, #tpu.memory_space<semaphore_mem>>) {add = true}
    %dma_start3A_74 = arith.constant 3 : i32
    %dma_start3A_75 = arith.constant 0 : i32
    %dma_start3A_76 = tpu.memref_slice %arg9[%dma_start3A_74, %dma_start3A_75] : memref<80x128xi32, #tpu.memory_space<vmem>> -> memref<1x128xi32, #tpu.memory_space<vmem>>
    %dma_start3A_77 = tpu.memref_squeeze %dma_start3A_76 : memref<1x128xi32, #tpu.memory_space<vmem>> -> memref<128xi32, #tpu.memory_space<vmem>>
    %dma_start3A_78 = arith.constant 0 : i32
    %dma_start3A_79 = tpu.memref_slice %arg40[%dma_start3A_78] : memref<10240xf32, #tpu.memory_space<vmem_shared>> -> memref<10240xf32, #tpu.memory_space<vmem_shared>>
    tpu.enqueue_indirect_dma source(%arg14 : memref<128xf32, #tpu.memory_space<vmem>>) target(%dma_start3A_79 : memref<10240xf32, #tpu.memory_space<vmem_shared>>) offsets(%dma_start3A_77 : memref<128xi32, #tpu.memory_space<vmem>>) semaphore(%arg23 : memref<!tpu.dma_semaphore, #tpu.memory_space<semaphore_mem>>) {add = true}
    %dma_start3A_80 = arith.constant 4 : i32
    %dma_start3A_81 = arith.constant 0 : i32
    %dma_start3A_82 = tpu.memref_slice %arg9[%dma_start3A_80, %dma_start3A_81] : memref<80x128xi32, #tpu.memory_space<vmem>> -> memref<1x128xi32, #tpu.memory_space<vmem>>
    %dma_start3A_83 = tpu.memref_squeeze %dma_start3A_82 : memref<1x128xi32, #tpu.memory_space<vmem>> -> memref<128xi32, #tpu.memory_space<vmem>>
    %dma_start3A_84 = arith.constant 0 : i32
    %dma_start3A_85 = tpu.memref_slice %arg40[%dma_start3A_84] : memref<10240xf32, #tpu.memory_space<vmem_shared>> -> memref<10240xf32, #tpu.memory_space<vmem_shared>>
    tpu.enqueue_indirect_dma source(%arg14 : memref<128xf32, #tpu.memory_space<vmem>>) target(%dma_start3A_85 : memref<10240xf32, #tpu.memory_space<vmem_shared>>) offsets(%dma_start3A_83 : memref<128xi32, #tpu.memory_space<vmem>>) semaphore(%arg23 : memref<!tpu.dma_semaphore, #tpu.memory_space<semaphore_mem>>) {add = true}
    %dma_start3A_86 = arith.constant 5 : i32
    %dma_start3A_87 = arith.constant 0 : i32
    %dma_start3A_88 = tpu.memref_slice %arg9[%dma_start3A_86, %dma_start3A_87] : memref<80x128xi32, #tpu.memory_space<vmem>> -> memref<1x128xi32, #tpu.memory_space<vmem>>
    %dma_start3A_89 = tpu.memref_squeeze %dma_start3A_88 : memref<1x128xi32, #tpu.memory_space<vmem>> -> memref<128xi32, #tpu.memory_space<vmem>>
    %dma_start3A_90 = arith.constant 0 : i32
    %dma_start3A_91 = tpu.memref_slice %arg40[%dma_start3A_90] : memref<10240xf32, #tpu.memory_space<vmem_shared>> -> memref<10240xf32, #tpu.memory_space<vmem_shared>>
    tpu.enqueue_indirect_dma source(%arg14 : memref<128xf32, #tpu.memory_space<vmem>>) target(%dma_start3A_91 : memref<10240xf32, #tpu.memory_space<vmem_shared>>) offsets(%dma_start3A_89 : memref<128xi32, #tpu.memory_space<vmem>>) semaphore(%arg23 : memref<!tpu.dma_semaphore, #tpu.memory_space<semaphore_mem>>) {add = true}
    %dma_start3A_92 = arith.constant 6 : i32
    %dma_start3A_93 = arith.constant 0 : i32
    %dma_start3A_94 = tpu.memref_slice %arg9[%dma_start3A_92, %dma_start3A_93] : memref<80x128xi32, #tpu.memory_space<vmem>> -> memref<1x128xi32, #tpu.memory_space<vmem>>
    %dma_start3A_95 = tpu.memref_squeeze %dma_start3A_94 : memref<1x128xi32, #tpu.memory_space<vmem>> -> memref<128xi32, #tpu.memory_space<vmem>>
    %dma_start3A_96 = arith.constant 0 : i32
    %dma_start3A_97 = tpu.memref_slice %arg40[%dma_start3A_96] : memref<10240xf32, #tpu.memory_space<vmem_shared>> -> memref<10240xf32, #tpu.memory_space<vmem_shared>>
    tpu.enqueue_indirect_dma source(%arg14 : memref<128xf32, #tpu.memory_space<vmem>>) target(%dma_start3A_97 : memref<10240xf32, #tpu.memory_space<vmem_shared>>) offsets(%dma_start3A_95 : memref<128xi32, #tpu.memory_space<vmem>>) semaphore(%arg23 : memref<!tpu.dma_semaphore, #tpu.memory_space<semaphore_mem>>) {add = true}
    %dma_start3A_98 = arith.constant 7 : i32
    %dma_start3A_99 = arith.constant 0 : i32
    %dma_start3A_100 = tpu.memref_slice %arg9[%dma_start3A_98, %dma_start3A_99] : memref<80x128xi32, #tpu.memory_space<vmem>> -> memref<1x128xi32, #tpu.memory_space<vmem>>
    %dma_start3A_101 = tpu.memref_squeeze %dma_start3A_100 : memref<1x128xi32, #tpu.memory_space<vmem>> -> memref<128xi32, #tpu.memory_space<vmem>>
    %dma_start3A_102 = arith.constant 0 : i32
    %dma_start3A_103 = tpu.memref_slice %arg40[%dma_start3A_102] : memref<10240xf32, #tpu.memory_space<vmem_shared>> -> memref<10240xf32, #tpu.memory_space<vmem_shared>>
    tpu.enqueue_indirect_dma source(%arg14 : memref<128xf32, #tpu.memory_space<vmem>>) target(%dma_start3A_103 : memref<10240xf32, #tpu.memory_space<vmem_shared>>) offsets(%dma_start3A_101 : memref<128xi32, #tpu.memory_space<vmem>>) semaphore(%arg23 : memref<!tpu.dma_semaphore, #tpu.memory_space<semaphore_mem>>) {add = true}
    %scan3A = arith.constant 0 : i32
    %scan3A_104 = arith.constant 8 : i32
    %scan3A_105 = arith.constant 72 : i32
    %scan3A_106 = arith.addi %scan3A_104, %scan3A_105 : i32
    %scan3A_107 = arith.constant 1 : i32
    scf.for %scan3A_265 = %scan3A_104 to %scan3A_106 step %scan3A_107  : i32 {
      %dma_wait3A_266 = arith.constant 0 : i32
      %dma_wait3A_267 = arith.constant 0 : i32
      %dma_wait3A_268 = tpu.memref_slice %arg9[%dma_wait3A_266, %dma_wait3A_267] : memref<80x128xi32, #tpu.memory_space<vmem>> -> memref<1x128xi32, #tpu.memory_space<vmem>>
      %dma_wait3A_269 = tpu.memref_squeeze %dma_wait3A_268 : memref<1x128xi32, #tpu.memory_space<vmem>> -> memref<128xi32, #tpu.memory_space<vmem>>
      %dma_wait3A_270 = arith.constant 0 : i32
      %dma_wait3A_271 = tpu.memref_slice %arg40[%dma_wait3A_270] : memref<10240xf32, #tpu.memory_space<vmem_shared>> -> memref<10240xf32, #tpu.memory_space<vmem_shared>>
      tpu.wait_indirect_dma semaphore(%arg23 : memref<!tpu.dma_semaphore, #tpu.memory_space<semaphore_mem>>) src(%arg14 : memref<128xf32, #tpu.memory_space<vmem>>) dst(%dma_wait3A_271 : memref<10240xf32, #tpu.memory_space<vmem_shared>>)
      %dma_start3A_272 = arith.constant 0 : i32
      %dma_start3A_273 = tpu.memref_slice %arg9[%scan3A_265, %dma_start3A_272] : memref<80x128xi32, #tpu.memory_space<vmem>> -> memref<1x128xi32, #tpu.memory_space<vmem>>
      %dma_start3A_274 = tpu.memref_squeeze %dma_start3A_273 : memref<1x128xi32, #tpu.memory_space<vmem>> -> memref<128xi32, #tpu.memory_space<vmem>>
      %dma_start3A_275 = arith.constant 0 : i32
      %dma_start3A_276 = tpu.memref_slice %arg40[%dma_start3A_275] : memref<10240xf32, #tpu.memory_space<vmem_shared>> -> memref<10240xf32, #tpu.memory_space<vmem_shared>>
      tpu.enqueue_indirect_dma source(%arg14 : memref<128xf32, #tpu.memory_space<vmem>>) target(%dma_start3A_276 : memref<10240xf32, #tpu.memory_space<vmem_shared>>) offsets(%dma_start3A_274 : memref<128xi32, #tpu.memory_space<vmem>>) semaphore(%arg23 : memref<!tpu.dma_semaphore, #tpu.memory_space<semaphore_mem>>) {add = true}
    }
    %scan3A_108 = arith.constant 72 : i32
    %scan3A_109 = arith.constant 0 : i32
    %scan3A_110 = arith.constant 0 : i32
    %scan3A_111 = arith.constant 80 : i32
    %scan3A_112 = arith.addi %scan3A_110, %scan3A_111 : i32
    %scan3A_113 = arith.constant 1 : i32
    scf.for %scan3A_265 = %scan3A_110 to %scan3A_112 step %scan3A_113  : i32 {
      %dma_wait3A_266 = arith.constant 0 : i32
      %dma_wait3A_267 = arith.constant 0 : i32
      %dma_wait3A_268 = tpu.memref_slice %arg10[%dma_wait3A_266, %dma_wait3A_267] : memref<80x128xi32, #tpu.memory_space<vmem>> -> memref<1x128xi32, #tpu.memory_space<vmem>>
      %dma_wait3A_269 = tpu.memref_squeeze %dma_wait3A_268 : memref<1x128xi32, #tpu.memory_space<vmem>> -> memref<128xi32, #tpu.memory_space<vmem>>
      %dma_wait3A_270 = arith.constant 0 : i32
      %dma_wait3A_271 = tpu.memref_slice %arg40[%dma_wait3A_270] : memref<10240xf32, #tpu.memory_space<vmem_shared>> -> memref<10240xf32, #tpu.memory_space<vmem_shared>>
      tpu.wait_indirect_dma semaphore(%arg23 : memref<!tpu.dma_semaphore, #tpu.memory_space<semaphore_mem>>) src(%arg14 : memref<128xf32, #tpu.memory_space<vmem>>) dst(%dma_wait3A_271 : memref<10240xf32, #tpu.memory_space<vmem_shared>>)
      %dma_start3A_272 = arith.constant 0 : i32
      %dma_start3A_273 = tpu.memref_slice %arg10[%scan3A_265, %dma_start3A_272] : memref<80x128xi32, #tpu.memory_space<vmem>> -> memref<1x128xi32, #tpu.memory_space<vmem>>
      %dma_start3A_274 = tpu.memref_squeeze %dma_start3A_273 : memref<1x128xi32, #tpu.memory_space<vmem>> -> memref<128xi32, #tpu.memory_space<vmem>>
      %dma_start3A_275 = arith.constant 0 : i32
      %dma_start3A_276 = tpu.memref_slice %arg40[%dma_start3A_275] : memref<10240xf32, #tpu.memory_space<vmem_shared>> -> memref<10240xf32, #tpu.memory_space<vmem_shared>>
      tpu.enqueue_indirect_dma source(%arg14 : memref<128xf32, #tpu.memory_space<vmem>>) target(%dma_start3A_276 : memref<10240xf32, #tpu.memory_space<vmem_shared>>) offsets(%dma_start3A_274 : memref<128xi32, #tpu.memory_space<vmem>>) semaphore(%arg23 : memref<!tpu.dma_semaphore, #tpu.memory_space<semaphore_mem>>) {add = true}
    }
    %scan3A_114 = arith.constant 80 : i32
    %dma_wait3A_115 = arith.constant 0 : i32
    %dma_wait3A_116 = arith.constant 0 : i32
    %dma_wait3A_117 = tpu.memref_slice %arg10[%dma_wait3A_115, %dma_wait3A_116] : memref<80x128xi32, #tpu.memory_space<vmem>> -> memref<1x128xi32, #tpu.memory_space<vmem>>
    %dma_wait3A_118 = tpu.memref_squeeze %dma_wait3A_117 : memref<1x128xi32, #tpu.memory_space<vmem>> -> memref<128xi32, #tpu.memory_space<vmem>>
    %dma_wait3A_119 = arith.constant 0 : i32
    %dma_wait3A_120 = tpu.memref_slice %arg40[%dma_wait3A_119] : memref<10240xf32, #tpu.memory_space<vmem_shared>> -> memref<10240xf32, #tpu.memory_space<vmem_shared>>
    tpu.wait_indirect_dma semaphore(%arg23 : memref<!tpu.dma_semaphore, #tpu.memory_space<semaphore_mem>>) src(%arg14 : memref<128xf32, #tpu.memory_space<vmem>>) dst(%dma_wait3A_120 : memref<10240xf32, #tpu.memory_space<vmem_shared>>)
    %dma_wait3A_121 = arith.constant 0 : i32
    %dma_wait3A_122 = arith.constant 0 : i32
    %dma_wait3A_123 = tpu.memref_slice %arg10[%dma_wait3A_121, %dma_wait3A_122] : memref<80x128xi32, #tpu.memory_space<vmem>> -> memref<1x128xi32, #tpu.memory_space<vmem>>
    %dma_wait3A_124 = tpu.memref_squeeze %dma_wait3A_123 : memref<1x128xi32, #tpu.memory_space<vmem>> -> memref<128xi32, #tpu.memory_space<vmem>>
    %dma_wait3A_125 = arith.constant 0 : i32
    %dma_wait3A_126 = tpu.memref_slice %arg40[%dma_wait3A_125] : memref<10240xf32, #tpu.memory_space<vmem_shared>> -> memref<10240xf32, #tpu.memory_space<vmem_shared>>
    tpu.wait_indirect_dma semaphore(%arg23 : memref<!tpu.dma_semaphore, #tpu.memory_space<semaphore_mem>>) src(%arg14 : memref<128xf32, #tpu.memory_space<vmem>>) dst(%dma_wait3A_126 : memref<10240xf32, #tpu.memory_space<vmem_shared>>)
    %dma_wait3A_127 = arith.constant 0 : i32
    %dma_wait3A_128 = arith.constant 0 : i32
    %dma_wait3A_129 = tpu.memref_slice %arg10[%dma_wait3A_127, %dma_wait3A_128] : memref<80x128xi32, #tpu.memory_space<vmem>> -> memref<1x128xi32, #tpu.memory_space<vmem>>
    %dma_wait3A_130 = tpu.memref_squeeze %dma_wait3A_129 : memref<1x128xi32, #tpu.memory_space<vmem>> -> memref<128xi32, #tpu.memory_space<vmem>>
    %dma_wait3A_131 = arith.constant 0 : i32
    %dma_wait3A_132 = tpu.memref_slice %arg40[%dma_wait3A_131] : memref<10240xf32, #tpu.memory_space<vmem_shared>> -> memref<10240xf32, #tpu.memory_space<vmem_shared>>
    tpu.wait_indirect_dma semaphore(%arg23 : memref<!tpu.dma_semaphore, #tpu.memory_space<semaphore_mem>>) src(%arg14 : memref<128xf32, #tpu.memory_space<vmem>>) dst(%dma_wait3A_132 : memref<10240xf32, #tpu.memory_space<vmem_shared>>)
    %dma_wait3A_133 = arith.constant 0 : i32
    %dma_wait3A_134 = arith.constant 0 : i32
    %dma_wait3A_135 = tpu.memref_slice %arg10[%dma_wait3A_133, %dma_wait3A_134] : memref<80x128xi32, #tpu.memory_space<vmem>> -> memref<1x128xi32, #tpu.memory_space<vmem>>
    %dma_wait3A_136 = tpu.memref_squeeze %dma_wait3A_135 : memref<1x128xi32, #tpu.memory_space<vmem>> -> memref<128xi32, #tpu.memory_space<vmem>>
    %dma_wait3A_137 = arith.constant 0 : i32
    %dma_wait3A_138 = tpu.memref_slice %arg40[%dma_wait3A_137] : memref<10240xf32, #tpu.memory_space<vmem_shared>> -> memref<10240xf32, #tpu.memory_space<vmem_shared>>
    tpu.wait_indirect_dma semaphore(%arg23 : memref<!tpu.dma_semaphore, #tpu.memory_space<semaphore_mem>>) src(%arg14 : memref<128xf32, #tpu.memory_space<vmem>>) dst(%dma_wait3A_138 : memref<10240xf32, #tpu.memory_space<vmem_shared>>)
    %dma_wait3A_139 = arith.constant 0 : i32
    %dma_wait3A_140 = arith.constant 0 : i32
    %dma_wait3A_141 = tpu.memref_slice %arg10[%dma_wait3A_139, %dma_wait3A_140] : memref<80x128xi32, #tpu.memory_space<vmem>> -> memref<1x128xi32, #tpu.memory_space<vmem>>
    %dma_wait3A_142 = tpu.memref_squeeze %dma_wait3A_141 : memref<1x128xi32, #tpu.memory_space<vmem>> -> memref<128xi32, #tpu.memory_space<vmem>>
    %dma_wait3A_143 = arith.constant 0 : i32
    %dma_wait3A_144 = tpu.memref_slice %arg40[%dma_wait3A_143] : memref<10240xf32, #tpu.memory_space<vmem_shared>> -> memref<10240xf32, #tpu.memory_space<vmem_shared>>
    tpu.wait_indirect_dma semaphore(%arg23 : memref<!tpu.dma_semaphore, #tpu.memory_space<semaphore_mem>>) src(%arg14 : memref<128xf32, #tpu.memory_space<vmem>>) dst(%dma_wait3A_144 : memref<10240xf32, #tpu.memory_space<vmem_shared>>)
    %dma_wait3A_145 = arith.constant 0 : i32
    %dma_wait3A_146 = arith.constant 0 : i32
    %dma_wait3A_147 = tpu.memref_slice %arg10[%dma_wait3A_145, %dma_wait3A_146] : memref<80x128xi32, #tpu.memory_space<vmem>> -> memref<1x128xi32, #tpu.memory_space<vmem>>
    %dma_wait3A_148 = tpu.memref_squeeze %dma_wait3A_147 : memref<1x128xi32, #tpu.memory_space<vmem>> -> memref<128xi32, #tpu.memory_space<vmem>>
    %dma_wait3A_149 = arith.constant 0 : i32
    %dma_wait3A_150 = tpu.memref_slice %arg40[%dma_wait3A_149] : memref<10240xf32, #tpu.memory_space<vmem_shared>> -> memref<10240xf32, #tpu.memory_space<vmem_shared>>
    tpu.wait_indirect_dma semaphore(%arg23 : memref<!tpu.dma_semaphore, #tpu.memory_space<semaphore_mem>>) src(%arg14 : memref<128xf32, #tpu.memory_space<vmem>>) dst(%dma_wait3A_150 : memref<10240xf32, #tpu.memory_space<vmem_shared>>)
    %dma_wait3A_151 = arith.constant 0 : i32
    %dma_wait3A_152 = arith.constant 0 : i32
    %dma_wait3A_153 = tpu.memref_slice %arg10[%dma_wait3A_151, %dma_wait3A_152] : memref<80x128xi32, #tpu.memory_space<vmem>> -> memref<1x128xi32, #tpu.memory_space<vmem>>
    %dma_wait3A_154 = tpu.memref_squeeze %dma_wait3A_153 : memref<1x128xi32, #tpu.memory_space<vmem>> -> memref<128xi32, #tpu.memory_space<vmem>>
    %dma_wait3A_155 = arith.constant 0 : i32
    %dma_wait3A_156 = tpu.memref_slice %arg40[%dma_wait3A_155] : memref<10240xf32, #tpu.memory_space<vmem_shared>> -> memref<10240xf32, #tpu.memory_space<vmem_shared>>
    tpu.wait_indirect_dma semaphore(%arg23 : memref<!tpu.dma_semaphore, #tpu.memory_space<semaphore_mem>>) src(%arg14 : memref<128xf32, #tpu.memory_space<vmem>>) dst(%dma_wait3A_156 : memref<10240xf32, #tpu.memory_space<vmem_shared>>)
    %dma_wait3A_157 = arith.constant 0 : i32
    %dma_wait3A_158 = arith.constant 0 : i32
    %dma_wait3A_159 = tpu.memref_slice %arg10[%dma_wait3A_157, %dma_wait3A_158] : memref<80x128xi32, #tpu.memory_space<vmem>> -> memref<1x128xi32, #tpu.memory_space<vmem>>
    %dma_wait3A_160 = tpu.memref_squeeze %dma_wait3A_159 : memref<1x128xi32, #tpu.memory_space<vmem>> -> memref<128xi32, #tpu.memory_space<vmem>>
    %dma_wait3A_161 = arith.constant 0 : i32
    %dma_wait3A_162 = tpu.memref_slice %arg40[%dma_wait3A_161] : memref<10240xf32, #tpu.memory_space<vmem_shared>> -> memref<10240xf32, #tpu.memory_space<vmem_shared>>
    tpu.wait_indirect_dma semaphore(%arg23 : memref<!tpu.dma_semaphore, #tpu.memory_space<semaphore_mem>>) src(%arg14 : memref<128xf32, #tpu.memory_space<vmem>>) dst(%dma_wait3A_162 : memref<10240xf32, #tpu.memory_space<vmem_shared>>)
    %dma_wait3A_163 = arith.constant 0 : i32
    %dma_wait3A_164 = arith.constant 0 : i32
    %dma_wait3A_165 = arith.constant 0 : i32
    %dma_wait3A_166 = tpu.memref_slice %arg2[%dma_wait3A_163, %add3A, %dma_wait3A_164, %dma_wait3A_165] : memref<2x32x80x128xi32, #tpu.memory_space<hbm>> -> memref<1x1x80x128xi32, #tpu.memory_space<hbm>>
    %dma_wait3A_167 = tpu.memref_squeeze %dma_wait3A_166 : memref<1x1x80x128xi32, #tpu.memory_space<hbm>> -> memref<80x128xi32, #tpu.memory_space<hbm>>
    %dma_wait3A_168 = arith.constant 0 : i32
    %dma_wait3A_169 = arith.constant 0 : i32
    %dma_wait3A_170 = tpu.memref_slice %arg2[%dma_wait3A_163, %add3A, %dma_wait3A_168, %dma_wait3A_169] : memref<2x32x80x128xi32, #tpu.memory_space<hbm>> -> memref<1x1x80x128xi32, #tpu.memory_space<hbm>>
    %dma_wait3A_171 = tpu.memref_squeeze %dma_wait3A_170 : memref<1x1x80x128xi32, #tpu.memory_space<hbm>> -> memref<80x128xi32, #tpu.memory_space<hbm>>
    tpu.wait_dma2 semaphore(%arg26 : memref<!tpu.dma_semaphore, #tpu.memory_space<semaphore_mem>>) src(%dma_wait3A_171 : memref<80x128xi32, #tpu.memory_space<hbm>>) dst(%arg8 : memref<80x128xi32, #tpu.memory_space<vmem>>)
    %dma_wait3A_172 = arith.constant 0 : i32
    %dma_wait3A_173 = tpu.memref_slice %arg3[%mul3A_4, %dma_wait3A_172] : memref<1280x128xf32, #tpu.memory_space<hbm>> -> memref<80x128xf32, #tpu.memory_space<hbm>>
    %dma_wait3A_174 = arith.constant 0 : i32
    %dma_wait3A_175 = tpu.memref_slice %arg3[%mul3A_4, %dma_wait3A_174] : memref<1280x128xf32, #tpu.memory_space<hbm>> -> memref<80x128xf32, #tpu.memory_space<hbm>>
    tpu.wait_dma2 semaphore(%arg27 : memref<!tpu.dma_semaphore, #tpu.memory_space<semaphore_mem>>) src(%dma_wait3A_175 : memref<80x128xf32, #tpu.memory_space<hbm>>) dst(%arg12 : memref<80x128xf32, #tpu.memory_space<vmem>>)
    %barrier3A_176 = arith.constant 0 : index
    tpu.barrier barrier_id(%barrier3A_176)
    "tpu.region"() ({
      %run_scoped3A = tpu.sem_alloc : memref<!tpu.dma_semaphore, #tpu.memory_space<semaphore_mem>>
      %dma_start3A_265 = tpu.memref_slice %arg40[%mul3A_2] : memref<10240xf32, #tpu.memory_space<vmem_shared>> -> memref<640xf32, #tpu.memory_space<vmem_shared>>
      %dma_start3A_266 = tpu.memref_slice %arg40[%mul3A_2] : memref<10240xf32, #tpu.memory_space<vmem_shared>> -> memref<640xf32, #tpu.memory_space<vmem_shared>>
      tpu.enqueue_dma source(%dma_start3A_266 : memref<640xf32, #tpu.memory_space<vmem_shared>>) target(%arg13 : memref<640xf32, #tpu.memory_space<vmem>>) target_semaphore(%run_scoped3A : memref<!tpu.dma_semaphore, #tpu.memory_space<semaphore_mem>>)
      %dma_wait3A_267 = tpu.memref_slice %arg40[%mul3A_2] : memref<10240xf32, #tpu.memory_space<vmem_shared>> -> memref<640xf32, #tpu.memory_space<vmem_shared>>
      %dma_wait3A_268 = tpu.memref_slice %arg40[%mul3A_2] : memref<10240xf32, #tpu.memory_space<vmem_shared>> -> memref<640xf32, #tpu.memory_space<vmem_shared>>
      tpu.wait_dma2 semaphore(%run_scoped3A : memref<!tpu.dma_semaphore, #tpu.memory_space<semaphore_mem>>) src(%dma_wait3A_268 : memref<640xf32, #tpu.memory_space<vmem_shared>>) dst(%arg13 : memref<640xf32, #tpu.memory_space<vmem>>)
      tpu.yield
    }) : () -> ()
    %scan3A_177 = arith.constant 0 : i32
    %scan3A_178 = arith.constant 0 : i32
    %scan3A_179 = arith.constant 40 : i32
    %scan3A_180 = arith.addi %scan3A_178, %scan3A_179 : i32
    %scan3A_181 = arith.constant 1 : i32
    scf.for %scan3A_265 = %scan3A_178 to %scan3A_180 step %scan3A_181  : i32 {
      %mul3A_266 = arith.constant 16 : i32
      %mul3A_267 = arith.muli %scan3A_265, %mul3A_266 : i32
      %get3A = arith.index_cast %mul3A_267 : i32 to index
      %get3A_268 = tpu.vector_load %arg13[%get3A] {strides = array<i32>} : memref<640xf32, #tpu.memory_space<vmem>>, vector<16xf32>,
      %add3A_269 = arith.constant 1.000000e+00 : f32
      %add3A_270 = vector.broadcast %add3A_269 : f32 to vector<16xf32>
      %add3A_271 = arith.addf %get3A_268, %add3A_270 : vector<16xf32>
      %bitcast3A = vector.bitcast %add3A_271 : vector<16xf32> to vector<16xi32>
      %shift_right_arithmetic3A = arith.constant 1 : i32
      %shift_right_arithmetic3A_272 = vector.broadcast %shift_right_arithmetic3A : i32 to vector<16xi32>
      %shift_right_arithmetic3A_273 = arith.shrsi %bitcast3A, %shift_right_arithmetic3A_272 : vector<16xi32>
      %sub3A_274 = arith.constant 1597463007 : i32
      %sub3A_275 = vector.broadcast %sub3A_274 : i32 to vector<16xi32>
      %sub3A_276 = arith.subi %sub3A_275, %shift_right_arithmetic3A_273 : vector<16xi32>
      %bitcast3A_277 = vector.bitcast %sub3A_276 : vector<16xi32> to vector<16xf32>
      %mul3A_278 = arith.constant 5.000000e-01 : f32
      %mul3A_279 = vector.broadcast %mul3A_278 : f32 to vector<16xf32>
      %mul3A_280 = arith.mulf %mul3A_279, %add3A_271 : vector<16xf32>
      %mul3A_281 = arith.mulf %mul3A_280, %bitcast3A_277 : vector<16xf32>
      %mul3A_282 = arith.mulf %mul3A_281, %bitcast3A_277 : vector<16xf32>
      %sub3A_283 = arith.constant 1.500000e+00 : f32
      %sub3A_284 = vector.broadcast %sub3A_283 : f32 to vector<16xf32>
      %sub3A_285 = arith.subf %sub3A_284, %mul3A_282 : vector<16xf32>
      %mul3A_286 = arith.mulf %bitcast3A_277, %sub3A_285 : vector<16xf32>
      %mul3A_287 = arith.constant 5.000000e-01 : f32
      %mul3A_288 = vector.broadcast %mul3A_287 : f32 to vector<16xf32>
      %mul3A_289 = arith.mulf %mul3A_288, %add3A_271 : vector<16xf32>
      %mul3A_290 = arith.mulf %mul3A_289, %mul3A_286 : vector<16xf32>
      %mul3A_291 = arith.mulf %mul3A_290, %mul3A_286 : vector<16xf32>
      %sub3A_292 = arith.constant 1.500000e+00 : f32
      %sub3A_293 = vector.broadcast %sub3A_292 : f32 to vector<16xf32>
      %sub3A_294 = arith.subf %sub3A_293, %mul3A_291 : vector<16xf32>
      %mul3A_295 = arith.mulf %mul3A_286, %sub3A_294 : vector<16xf32>
      %mul3A_296 = arith.constant 5.000000e-01 : f32
      %mul3A_297 = vector.broadcast %mul3A_296 : f32 to vector<16xf32>
      %mul3A_298 = arith.mulf %mul3A_297, %add3A_271 : vector<16xf32>
      %mul3A_299 = arith.mulf %mul3A_298, %mul3A_295 : vector<16xf32>
      %mul3A_300 = arith.mulf %mul3A_299, %mul3A_295 : vector<16xf32>
      %sub3A_301 = arith.constant 1.500000e+00 : f32
      %sub3A_302 = vector.broadcast %sub3A_301 : f32 to vector<16xf32>
      %sub3A_303 = arith.subf %sub3A_302, %mul3A_300 : vector<16xf32>
      %mul3A_304 = arith.mulf %mul3A_295, %sub3A_303 : vector<16xf32>
      %mul3A_305 = arith.constant 16 : i32
      %mul3A_306 = arith.muli %scan3A_265, %mul3A_305 : i32
      %swap3A = arith.index_cast %mul3A_306 : i32 to index
      %swap3A_307 = tpu.vector_load %arg13[%swap3A] {strides = array<i32>} : memref<640xf32, #tpu.memory_space<vmem>>, vector<16xf32>,
      tpu.vector_store %arg13[%swap3A], %mul3A_304 {strides = array<i32>} : memref<640xf32, #tpu.memory_space<vmem>>, vector<16xf32>,
    }
    %scan3A_182 = arith.constant 40 : i32
    %scan3A_183 = arith.constant 0 : i32
    %scan3A_184 = arith.constant 0 : i32
    %scan3A_185 = arith.constant 40 : i32
    %scan3A_186 = arith.addi %scan3A_184, %scan3A_185 : i32
    %scan3A_187 = arith.constant 1 : i32
    scf.for %scan3A_265 = %scan3A_184 to %scan3A_186 step %scan3A_187  : i32 {
      %mul3A_266 = arith.constant 16 : i32
      %mul3A_267 = arith.muli %scan3A_265, %mul3A_266 : i32
      %get3A = arith.index_cast %mul3A_267 : i32 to index
      %get3A_268 = tpu.vector_load %arg13[%get3A] {strides = array<i32>} : memref<640xf32, #tpu.memory_space<vmem>>, vector<16xf32>,
      %mul3A_269 = arith.constant 16 : i32
      %mul3A_270 = arith.muli %scan3A_265, %mul3A_269 : i32
      %add3A_271 = arith.constant 0 : i32
      %add3A_272 = arith.addi %mul3A_270, %add3A_271 : i32
      %mul3A_273 = arith.constant 2 : i32
      %mul3A_274 = arith.muli %mul3A_273, %scan3A_265 : i32
      %add3A_275 = arith.constant 0 : i32
      %add3A_276 = arith.addi %mul3A_274, %add3A_275 : i32
      %get3A_277 = arith.index_cast %add3A_276 : i32 to index
      %get3A_278 = arith.constant 0 : index
      %get3A_279 = tpu.vector_load %arg12[%get3A_277, %get3A_278] {strides = array<i32>} : memref<80x128xf32, #tpu.memory_space<vmem>>, vector<16xf32>,
      %slice3A = vector.extract_strided_slice %get3A_268 {offsets = [0], sizes = [1], strides = [1]} : vector<16xf32> to vector<1xf32>
      %squeeze3A = vector.extract %slice3A[0] : f32 from vector<1xf32>
      %mul3A_280 = vector.broadcast %squeeze3A : f32 to vector<16xf32>
      %mul3A_281 = arith.mulf %get3A_279, %mul3A_280 : vector<16xf32>
      %swap3A = arith.index_cast %add3A_272 : i32 to index
      %swap3A_282 = arith.constant 0 : index
      %swap3A_283 = tpu.vector_load %arg11[%swap3A, %swap3A_282] {strides = array<i32>} : memref<640x16xf32, #tpu.memory_space<vmem>>, vector<16xf32>,
      tpu.vector_store %arg11[%swap3A, %swap3A_282], %mul3A_281 {strides = array<i32>} : memref<640x16xf32, #tpu.memory_space<vmem>>, vector<16xf32>,
      %mul3A_284 = arith.constant 16 : i32
      %mul3A_285 = arith.muli %scan3A_265, %mul3A_284 : i32
      %add3A_286 = arith.constant 1 : i32
      %add3A_287 = arith.addi %mul3A_285, %add3A_286 : i32
      %mul3A_288 = arith.constant 2 : i32
      %mul3A_289 = arith.muli %mul3A_288, %scan3A_265 : i32
      %add3A_290 = arith.constant 0 : i32
      %add3A_291 = arith.addi %mul3A_289, %add3A_290 : i32
      %get3A_292 = arith.index_cast %add3A_291 : i32 to index
      %get3A_293 = arith.constant 16 : index
      %get3A_294 = tpu.vector_load %arg12[%get3A_292, %get3A_293] {strides = array<i32>} : memref<80x128xf32, #tpu.memory_space<vmem>>, vector<16xf32>,
      %slice3A_295 = vector.extract_strided_slice %get3A_268 {offsets = [1], sizes = [1], strides = [1]} : vector<16xf32> to vector<1xf32>
      %squeeze3A_296 = vector.extract %slice3A_295[0] : f32 from vector<1xf32>
      %mul3A_297 = vector.broadcast %squeeze3A_296 : f32 to vector<16xf32>
      %mul3A_298 = arith.mulf %get3A_294, %mul3A_297 : vector<16xf32>
      %swap3A_299 = arith.index_cast %add3A_287 : i32 to index
      %swap3A_300 = arith.constant 0 : index
      %swap3A_301 = tpu.vector_load %arg11[%swap3A_299, %swap3A_300] {strides = array<i32>} : memref<640x16xf32, #tpu.memory_space<vmem>>, vector<16xf32>,
      tpu.vector_store %arg11[%swap3A_299, %swap3A_300], %mul3A_298 {strides = array<i32>} : memref<640x16xf32, #tpu.memory_space<vmem>>, vector<16xf32>,
      %mul3A_302 = arith.constant 16 : i32
      %mul3A_303 = arith.muli %scan3A_265, %mul3A_302 : i32
      %add3A_304 = arith.constant 2 : i32
      %add3A_305 = arith.addi %mul3A_303, %add3A_304 : i32
      %mul3A_306 = arith.constant 2 : i32
      %mul3A_307 = arith.muli %mul3A_306, %scan3A_265 : i32
      %add3A_308 = arith.constant 0 : i32
      %add3A_309 = arith.addi %mul3A_307, %add3A_308 : i32
      %get3A_310 = arith.index_cast %add3A_309 : i32 to index
      %get3A_311 = arith.constant 32 : index
      %get3A_312 = tpu.vector_load %arg12[%get3A_310, %get3A_311] {strides = array<i32>} : memref<80x128xf32, #tpu.memory_space<vmem>>, vector<16xf32>,
      %slice3A_313 = vector.extract_strided_slice %get3A_268 {offsets = [2], sizes = [1], strides = [1]} : vector<16xf32> to vector<1xf32>
      %squeeze3A_314 = vector.extract %slice3A_313[0] : f32 from vector<1xf32>
      %mul3A_315 = vector.broadcast %squeeze3A_314 : f32 to vector<16xf32>
      %mul3A_316 = arith.mulf %get3A_312, %mul3A_315 : vector<16xf32>
      %swap3A_317 = arith.index_cast %add3A_305 : i32 to index
      %swap3A_318 = arith.constant 0 : index
      %swap3A_319 = tpu.vector_load %arg11[%swap3A_317, %swap3A_318] {strides = array<i32>} : memref<640x16xf32, #tpu.memory_space<vmem>>, vector<16xf32>,
      tpu.vector_store %arg11[%swap3A_317, %swap3A_318], %mul3A_316 {strides = array<i32>} : memref<640x16xf32, #tpu.memory_space<vmem>>, vector<16xf32>,
      %mul3A_320 = arith.constant 16 : i32
      %mul3A_321 = arith.muli %scan3A_265, %mul3A_320 : i32
      %add3A_322 = arith.constant 3 : i32
      %add3A_323 = arith.addi %mul3A_321, %add3A_322 : i32
      %mul3A_324 = arith.constant 2 : i32
      %mul3A_325 = arith.muli %mul3A_324, %scan3A_265 : i32
      %add3A_326 = arith.constant 0 : i32
      %add3A_327 = arith.addi %mul3A_325, %add3A_326 : i32
      %get3A_328 = arith.index_cast %add3A_327 : i32 to index
      %get3A_329 = arith.constant 48 : index
      %get3A_330 = tpu.vector_load %arg12[%get3A_328, %get3A_329] {strides = array<i32>} : memref<80x128xf32, #tpu.memory_space<vmem>>, vector<16xf32>,
      %slice3A_331 = vector.extract_strided_slice %get3A_268 {offsets = [3], sizes = [1], strides = [1]} : vector<16xf32> to vector<1xf32>
      %squeeze3A_332 = vector.extract %slice3A_331[0] : f32 from vector<1xf32>
      %mul3A_333 = vector.broadcast %squeeze3A_332 : f32 to vector<16xf32>
      %mul3A_334 = arith.mulf %get3A_330, %mul3A_333 : vector<16xf32>
      %swap3A_335 = arith.index_cast %add3A_323 : i32 to index
      %swap3A_336 = arith.constant 0 : index
      %swap3A_337 = tpu.vector_load %arg11[%swap3A_335, %swap3A_336] {strides = array<i32>} : memref<640x16xf32, #tpu.memory_space<vmem>>, vector<16xf32>,
      tpu.vector_store %arg11[%swap3A_335, %swap3A_336], %mul3A_334 {strides = array<i32>} : memref<640x16xf32, #tpu.memory_space<vmem>>, vector<16xf32>,
      %mul3A_338 = arith.constant 16 : i32
      %mul3A_339 = arith.muli %scan3A_265, %mul3A_338 : i32
      %add3A_340 = arith.constant 4 : i32
      %add3A_341 = arith.addi %mul3A_339, %add3A_340 : i32
      %mul3A_342 = arith.constant 2 : i32
      %mul3A_343 = arith.muli %mul3A_342, %scan3A_265 : i32
      %add3A_344 = arith.constant 0 : i32
      %add3A_345 = arith.addi %mul3A_343, %add3A_344 : i32
      %get3A_346 = arith.index_cast %add3A_345 : i32 to index
      %get3A_347 = arith.constant 64 : index
      %get3A_348 = tpu.vector_load %arg12[%get3A_346, %get3A_347] {strides = array<i32>} : memref<80x128xf32, #tpu.memory_space<vmem>>, vector<16xf32>,
      %slice3A_349 = vector.extract_strided_slice %get3A_268 {offsets = [4], sizes = [1], strides = [1]} : vector<16xf32> to vector<1xf32>
      %squeeze3A_350 = vector.extract %slice3A_349[0] : f32 from vector<1xf32>
      %mul3A_351 = vector.broadcast %squeeze3A_350 : f32 to vector<16xf32>
      %mul3A_352 = arith.mulf %get3A_348, %mul3A_351 : vector<16xf32>
      %swap3A_353 = arith.index_cast %add3A_341 : i32 to index
      %swap3A_354 = arith.constant 0 : index
      %swap3A_355 = tpu.vector_load %arg11[%swap3A_353, %swap3A_354] {strides = array<i32>} : memref<640x16xf32, #tpu.memory_space<vmem>>, vector<16xf32>,
      tpu.vector_store %arg11[%swap3A_353, %swap3A_354], %mul3A_352 {strides = array<i32>} : memref<640x16xf32, #tpu.memory_space<vmem>>, vector<16xf32>,
      %mul3A_356 = arith.constant 16 : i32
      %mul3A_357 = arith.muli %scan3A_265, %mul3A_356 : i32
      %add3A_358 = arith.constant 5 : i32
      %add3A_359 = arith.addi %mul3A_357, %add3A_358 : i32
      %mul3A_360 = arith.constant 2 : i32
      %mul3A_361 = arith.muli %mul3A_360, %scan3A_265 : i32
      %add3A_362 = arith.constant 0 : i32
      %add3A_363 = arith.addi %mul3A_361, %add3A_362 : i32
      %get3A_364 = arith.index_cast %add3A_363 : i32 to index
      %get3A_365 = arith.constant 80 : index
      %get3A_366 = tpu.vector_load %arg12[%get3A_364, %get3A_365] {strides = array<i32>} : memref<80x128xf32, #tpu.memory_space<vmem>>, vector<16xf32>,
      %slice3A_367 = vector.extract_strided_slice %get3A_268 {offsets = [5], sizes = [1], strides = [1]} : vector<16xf32> to vector<1xf32>
      %squeeze3A_368 = vector.extract %slice3A_367[0] : f32 from vector<1xf32>
      %mul3A_369 = vector.broadcast %squeeze3A_368 : f32 to vector<16xf32>
      %mul3A_370 = arith.mulf %get3A_366, %mul3A_369 : vector<16xf32>
      %swap3A_371 = arith.index_cast %add3A_359 : i32 to index
      %swap3A_372 = arith.constant 0 : index
      %swap3A_373 = tpu.vector_load %arg11[%swap3A_371, %swap3A_372] {strides = array<i32>} : memref<640x16xf32, #tpu.memory_space<vmem>>, vector<16xf32>,
      tpu.vector_store %arg11[%swap3A_371, %swap3A_372], %mul3A_370 {strides = array<i32>} : memref<640x16xf32, #tpu.memory_space<vmem>>, vector<16xf32>,
      %mul3A_374 = arith.constant 16 : i32
      %mul3A_375 = arith.muli %scan3A_265, %mul3A_374 : i32
      %add3A_376 = arith.constant 6 : i32
      %add3A_377 = arith.addi %mul3A_375, %add3A_376 : i32
      %mul3A_378 = arith.constant 2 : i32
      %mul3A_379 = arith.muli %mul3A_378, %scan3A_265 : i32
      %add3A_380 = arith.constant 0 : i32
      %add3A_381 = arith.addi %mul3A_379, %add3A_380 : i32
      %get3A_382 = arith.index_cast %add3A_381 : i32 to index
      %get3A_383 = arith.constant 96 : index
      %get3A_384 = tpu.vector_load %arg12[%get3A_382, %get3A_383] {strides = array<i32>} : memref<80x128xf32, #tpu.memory_space<vmem>>, vector<16xf32>,
      %slice3A_385 = vector.extract_strided_slice %get3A_268 {offsets = [6], sizes = [1], strides = [1]} : vector<16xf32> to vector<1xf32>
      %squeeze3A_386 = vector.extract %slice3A_385[0] : f32 from vector<1xf32>
      %mul3A_387 = vector.broadcast %squeeze3A_386 : f32 to vector<16xf32>
      %mul3A_388 = arith.mulf %get3A_384, %mul3A_387 : vector<16xf32>
      %swap3A_389 = arith.index_cast %add3A_377 : i32 to index
      %swap3A_390 = arith.constant 0 : index
      %swap3A_391 = tpu.vector_load %arg11[%swap3A_389, %swap3A_390] {strides = array<i32>} : memref<640x16xf32, #tpu.memory_space<vmem>>, vector<16xf32>,
      tpu.vector_store %arg11[%swap3A_389, %swap3A_390], %mul3A_388 {strides = array<i32>} : memref<640x16xf32, #tpu.memory_space<vmem>>, vector<16xf32>,
      %mul3A_392 = arith.constant 16 : i32
      %mul3A_393 = arith.muli %scan3A_265, %mul3A_392 : i32
      %add3A_394 = arith.constant 7 : i32
      %add3A_395 = arith.addi %mul3A_393, %add3A_394 : i32
      %mul3A_396 = arith.constant 2 : i32
      %mul3A_397 = arith.muli %mul3A_396, %scan3A_265 : i32
      %add3A_398 = arith.constant 0 : i32
      %add3A_399 = arith.addi %mul3A_397, %add3A_398 : i32
      %get3A_400 = arith.index_cast %add3A_399 : i32 to index
      %get3A_401 = arith.constant 112 : index
      %get3A_402 = tpu.vector_load %arg12[%get3A_400, %get3A_401] {strides = array<i32>} : memref<80x128xf32, #tpu.memory_space<vmem>>, vector<16xf32>,
      %slice3A_403 = vector.extract_strided_slice %get3A_268 {offsets = [7], sizes = [1], strides = [1]} : vector<16xf32> to vector<1xf32>
      %squeeze3A_404 = vector.extract %slice3A_403[0] : f32 from vector<1xf32>
      %mul3A_405 = vector.broadcast %squeeze3A_404 : f32 to vector<16xf32>
      %mul3A_406 = arith.mulf %get3A_402, %mul3A_405 : vector<16xf32>
      %swap3A_407 = arith.index_cast %add3A_395 : i32 to index
      %swap3A_408 = arith.constant 0 : index
      %swap3A_409 = tpu.vector_load %arg11[%swap3A_407, %swap3A_408] {strides = array<i32>} : memref<640x16xf32, #tpu.memory_space<vmem>>, vector<16xf32>,
      tpu.vector_store %arg11[%swap3A_407, %swap3A_408], %mul3A_406 {strides = array<i32>} : memref<640x16xf32, #tpu.memory_space<vmem>>, vector<16xf32>,
      %mul3A_410 = arith.constant 16 : i32
      %mul3A_411 = arith.muli %scan3A_265, %mul3A_410 : i32
      %add3A_412 = arith.constant 8 : i32
      %add3A_413 = arith.addi %mul3A_411, %add3A_412 : i32
      %mul3A_414 = arith.constant 2 : i32
      %mul3A_415 = arith.muli %mul3A_414, %scan3A_265 : i32
      %add3A_416 = arith.constant 1 : i32
      %add3A_417 = arith.addi %mul3A_415, %add3A_416 : i32
      %get3A_418 = arith.index_cast %add3A_417 : i32 to index
      %get3A_419 = arith.constant 0 : index
      %get3A_420 = tpu.vector_load %arg12[%get3A_418, %get3A_419] {strides = array<i32>} : memref<80x128xf32, #tpu.memory_space<vmem>>, vector<16xf32>,
      %slice3A_421 = vector.extract_strided_slice %get3A_268 {offsets = [8], sizes = [1], strides = [1]} : vector<16xf32> to vector<1xf32>
      %squeeze3A_422 = vector.extract %slice3A_421[0] : f32 from vector<1xf32>
      %mul3A_423 = vector.broadcast %squeeze3A_422 : f32 to vector<16xf32>
      %mul3A_424 = arith.mulf %get3A_420, %mul3A_423 : vector<16xf32>
      %swap3A_425 = arith.index_cast %add3A_413 : i32 to index
      %swap3A_426 = arith.constant 0 : index
      %swap3A_427 = tpu.vector_load %arg11[%swap3A_425, %swap3A_426] {strides = array<i32>} : memref<640x16xf32, #tpu.memory_space<vmem>>, vector<16xf32>,
      tpu.vector_store %arg11[%swap3A_425, %swap3A_426], %mul3A_424 {strides = array<i32>} : memref<640x16xf32, #tpu.memory_space<vmem>>, vector<16xf32>,
      %mul3A_428 = arith.constant 16 : i32
      %mul3A_429 = arith.muli %scan3A_265, %mul3A_428 : i32
      %add3A_430 = arith.constant 9 : i32
      %add3A_431 = arith.addi %mul3A_429, %add3A_430 : i32
      %mul3A_432 = arith.constant 2 : i32
      %mul3A_433 = arith.muli %mul3A_432, %scan3A_265 : i32
      %add3A_434 = arith.constant 1 : i32
      %add3A_435 = arith.addi %mul3A_433, %add3A_434 : i32
      %get3A_436 = arith.index_cast %add3A_435 : i32 to index
      %get3A_437 = arith.constant 16 : index
      %get3A_438 = tpu.vector_load %arg12[%get3A_436, %get3A_437] {strides = array<i32>} : memref<80x128xf32, #tpu.memory_space<vmem>>, vector<16xf32>,
      %slice3A_439 = vector.extract_strided_slice %get3A_268 {offsets = [9], sizes = [1], strides = [1]} : vector<16xf32> to vector<1xf32>
      %squeeze3A_440 = vector.extract %slice3A_439[0] : f32 from vector<1xf32>
      %mul3A_441 = vector.broadcast %squeeze3A_440 : f32 to vector<16xf32>
      %mul3A_442 = arith.mulf %get3A_438, %mul3A_441 : vector<16xf32>
      %swap3A_443 = arith.index_cast %add3A_431 : i32 to index
      %swap3A_444 = arith.constant 0 : index
      %swap3A_445 = tpu.vector_load %arg11[%swap3A_443, %swap3A_444] {strides = array<i32>} : memref<640x16xf32, #tpu.memory_space<vmem>>, vector<16xf32>,
      tpu.vector_store %arg11[%swap3A_443, %swap3A_444], %mul3A_442 {strides = array<i32>} : memref<640x16xf32, #tpu.memory_space<vmem>>, vector<16xf32>,
      %mul3A_446 = arith.constant 16 : i32
      %mul3A_447 = arith.muli %scan3A_265, %mul3A_446 : i32
      %add3A_448 = arith.constant 10 : i32
      %add3A_449 = arith.addi %mul3A_447, %add3A_448 : i32
      %mul3A_450 = arith.constant 2 : i32
      %mul3A_451 = arith.muli %mul3A_450, %scan3A_265 : i32
      %add3A_452 = arith.constant 1 : i32
      %add3A_453 = arith.addi %mul3A_451, %add3A_452 : i32
      %get3A_454 = arith.index_cast %add3A_453 : i32 to index
      %get3A_455 = arith.constant 32 : index
      %get3A_456 = tpu.vector_load %arg12[%get3A_454, %get3A_455] {strides = array<i32>} : memref<80x128xf32, #tpu.memory_space<vmem>>, vector<16xf32>,
      %slice3A_457 = vector.extract_strided_slice %get3A_268 {offsets = [10], sizes = [1], strides = [1]} : vector<16xf32> to vector<1xf32>
      %squeeze3A_458 = vector.extract %slice3A_457[0] : f32 from vector<1xf32>
      %mul3A_459 = vector.broadcast %squeeze3A_458 : f32 to vector<16xf32>
      %mul3A_460 = arith.mulf %get3A_456, %mul3A_459 : vector<16xf32>
      %swap3A_461 = arith.index_cast %add3A_449 : i32 to index
      %swap3A_462 = arith.constant 0 : index
      %swap3A_463 = tpu.vector_load %arg11[%swap3A_461, %swap3A_462] {strides = array<i32>} : memref<640x16xf32, #tpu.memory_space<vmem>>, vector<16xf32>,
      tpu.vector_store %arg11[%swap3A_461, %swap3A_462], %mul3A_460 {strides = array<i32>} : memref<640x16xf32, #tpu.memory_space<vmem>>, vector<16xf32>,
      %mul3A_464 = arith.constant 16 : i32
      %mul3A_465 = arith.muli %scan3A_265, %mul3A_464 : i32
      %add3A_466 = arith.constant 11 : i32
      %add3A_467 = arith.addi %mul3A_465, %add3A_466 : i32
      %mul3A_468 = arith.constant 2 : i32
      %mul3A_469 = arith.muli %mul3A_468, %scan3A_265 : i32
      %add3A_470 = arith.constant 1 : i32
      %add3A_471 = arith.addi %mul3A_469, %add3A_470 : i32
      %get3A_472 = arith.index_cast %add3A_471 : i32 to index
      %get3A_473 = arith.constant 48 : index
      %get3A_474 = tpu.vector_load %arg12[%get3A_472, %get3A_473] {strides = array<i32>} : memref<80x128xf32, #tpu.memory_space<vmem>>, vector<16xf32>,
      %slice3A_475 = vector.extract_strided_slice %get3A_268 {offsets = [11], sizes = [1], strides = [1]} : vector<16xf32> to vector<1xf32>
      %squeeze3A_476 = vector.extract %slice3A_475[0] : f32 from vector<1xf32>
      %mul3A_477 = vector.broadcast %squeeze3A_476 : f32 to vector<16xf32>
      %mul3A_478 = arith.mulf %get3A_474, %mul3A_477 : vector<16xf32>
      %swap3A_479 = arith.index_cast %add3A_467 : i32 to index
      %swap3A_480 = arith.constant 0 : index
      %swap3A_481 = tpu.vector_load %arg11[%swap3A_479, %swap3A_480] {strides = array<i32>} : memref<640x16xf32, #tpu.memory_space<vmem>>, vector<16xf32>,
      tpu.vector_store %arg11[%swap3A_479, %swap3A_480], %mul3A_478 {strides = array<i32>} : memref<640x16xf32, #tpu.memory_space<vmem>>, vector<16xf32>,
      %mul3A_482 = arith.constant 16 : i32
      %mul3A_483 = arith.muli %scan3A_265, %mul3A_482 : i32
      %add3A_484 = arith.constant 12 : i32
      %add3A_485 = arith.addi %mul3A_483, %add3A_484 : i32
      %mul3A_486 = arith.constant 2 : i32
      %mul3A_487 = arith.muli %mul3A_486, %scan3A_265 : i32
      %add3A_488 = arith.constant 1 : i32
      %add3A_489 = arith.addi %mul3A_487, %add3A_488 : i32
      %get3A_490 = arith.index_cast %add3A_489 : i32 to index
      %get3A_491 = arith.constant 64 : index
      %get3A_492 = tpu.vector_load %arg12[%get3A_490, %get3A_491] {strides = array<i32>} : memref<80x128xf32, #tpu.memory_space<vmem>>, vector<16xf32>,
      %slice3A_493 = vector.extract_strided_slice %get3A_268 {offsets = [12], sizes = [1], strides = [1]} : vector<16xf32> to vector<1xf32>
      %squeeze3A_494 = vector.extract %slice3A_493[0] : f32 from vector<1xf32>
      %mul3A_495 = vector.broadcast %squeeze3A_494 : f32 to vector<16xf32>
      %mul3A_496 = arith.mulf %get3A_492, %mul3A_495 : vector<16xf32>
      %swap3A_497 = arith.index_cast %add3A_485 : i32 to index
      %swap3A_498 = arith.constant 0 : index
      %swap3A_499 = tpu.vector_load %arg11[%swap3A_497, %swap3A_498] {strides = array<i32>} : memref<640x16xf32, #tpu.memory_space<vmem>>, vector<16xf32>,
      tpu.vector_store %arg11[%swap3A_497, %swap3A_498], %mul3A_496 {strides = array<i32>} : memref<640x16xf32, #tpu.memory_space<vmem>>, vector<16xf32>,
      %mul3A_500 = arith.constant 16 : i32
      %mul3A_501 = arith.muli %scan3A_265, %mul3A_500 : i32
      %add3A_502 = arith.constant 13 : i32
      %add3A_503 = arith.addi %mul3A_501, %add3A_502 : i32
      %mul3A_504 = arith.constant 2 : i32
      %mul3A_505 = arith.muli %mul3A_504, %scan3A_265 : i32
      %add3A_506 = arith.constant 1 : i32
      %add3A_507 = arith.addi %mul3A_505, %add3A_506 : i32
      %get3A_508 = arith.index_cast %add3A_507 : i32 to index
      %get3A_509 = arith.constant 80 : index
      %get3A_510 = tpu.vector_load %arg12[%get3A_508, %get3A_509] {strides = array<i32>} : memref<80x128xf32, #tpu.memory_space<vmem>>, vector<16xf32>,
      %slice3A_511 = vector.extract_strided_slice %get3A_268 {offsets = [13], sizes = [1], strides = [1]} : vector<16xf32> to vector<1xf32>
      %squeeze3A_512 = vector.extract %slice3A_511[0] : f32 from vector<1xf32>
      %mul3A_513 = vector.broadcast %squeeze3A_512 : f32 to vector<16xf32>
      %mul3A_514 = arith.mulf %get3A_510, %mul3A_513 : vector<16xf32>
      %swap3A_515 = arith.index_cast %add3A_503 : i32 to index
      %swap3A_516 = arith.constant 0 : index
      %swap3A_517 = tpu.vector_load %arg11[%swap3A_515, %swap3A_516] {strides = array<i32>} : memref<640x16xf32, #tpu.memory_space<vmem>>, vector<16xf32>,
      tpu.vector_store %arg11[%swap3A_515, %swap3A_516], %mul3A_514 {strides = array<i32>} : memref<640x16xf32, #tpu.memory_space<vmem>>, vector<16xf32>,
      %mul3A_518 = arith.constant 16 : i32
      %mul3A_519 = arith.muli %scan3A_265, %mul3A_518 : i32
      %add3A_520 = arith.constant 14 : i32
      %add3A_521 = arith.addi %mul3A_519, %add3A_520 : i32
      %mul3A_522 = arith.constant 2 : i32
      %mul3A_523 = arith.muli %mul3A_522, %scan3A_265 : i32
      %add3A_524 = arith.constant 1 : i32
      %add3A_525 = arith.addi %mul3A_523, %add3A_524 : i32
      %get3A_526 = arith.index_cast %add3A_525 : i32 to index
      %get3A_527 = arith.constant 96 : index
      %get3A_528 = tpu.vector_load %arg12[%get3A_526, %get3A_527] {strides = array<i32>} : memref<80x128xf32, #tpu.memory_space<vmem>>, vector<16xf32>,
      %slice3A_529 = vector.extract_strided_slice %get3A_268 {offsets = [14], sizes = [1], strides = [1]} : vector<16xf32> to vector<1xf32>
      %squeeze3A_530 = vector.extract %slice3A_529[0] : f32 from vector<1xf32>
      %mul3A_531 = vector.broadcast %squeeze3A_530 : f32 to vector<16xf32>
      %mul3A_532 = arith.mulf %get3A_528, %mul3A_531 : vector<16xf32>
      %swap3A_533 = arith.index_cast %add3A_521 : i32 to index
      %swap3A_534 = arith.constant 0 : index
      %swap3A_535 = tpu.vector_load %arg11[%swap3A_533, %swap3A_534] {strides = array<i32>} : memref<640x16xf32, #tpu.memory_space<vmem>>, vector<16xf32>,
      tpu.vector_store %arg11[%swap3A_533, %swap3A_534], %mul3A_532 {strides = array<i32>} : memref<640x16xf32, #tpu.memory_space<vmem>>, vector<16xf32>,
      %mul3A_536 = arith.constant 16 : i32
      %mul3A_537 = arith.muli %scan3A_265, %mul3A_536 : i32
      %add3A_538 = arith.constant 15 : i32
      %add3A_539 = arith.addi %mul3A_537, %add3A_538 : i32
      %mul3A_540 = arith.constant 2 : i32
      %mul3A_541 = arith.muli %mul3A_540, %scan3A_265 : i32
      %add3A_542 = arith.constant 1 : i32
      %add3A_543 = arith.addi %mul3A_541, %add3A_542 : i32
      %get3A_544 = arith.index_cast %add3A_543 : i32 to index
      %get3A_545 = arith.constant 112 : index
      %get3A_546 = tpu.vector_load %arg12[%get3A_544, %get3A_545] {strides = array<i32>} : memref<80x128xf32, #tpu.memory_space<vmem>>, vector<16xf32>,
      %slice3A_547 = vector.extract_strided_slice %get3A_268 {offsets = [15], sizes = [1], strides = [1]} : vector<16xf32> to vector<1xf32>
      %squeeze3A_548 = vector.extract %slice3A_547[0] : f32 from vector<1xf32>
      %mul3A_549 = vector.broadcast %squeeze3A_548 : f32 to vector<16xf32>
      %mul3A_550 = arith.mulf %get3A_546, %mul3A_549 : vector<16xf32>
      %swap3A_551 = arith.index_cast %add3A_539 : i32 to index
      %swap3A_552 = arith.constant 0 : index
      %swap3A_553 = tpu.vector_load %arg11[%swap3A_551, %swap3A_552] {strides = array<i32>} : memref<640x16xf32, #tpu.memory_space<vmem>>, vector<16xf32>,
      tpu.vector_store %arg11[%swap3A_551, %swap3A_552], %mul3A_550 {strides = array<i32>} : memref<640x16xf32, #tpu.memory_space<vmem>>, vector<16xf32>,
    }
    %scan3A_188 = arith.constant 40 : i32
    "tpu.region"() ({
      %run_scoped3A = tpu.sem_alloc : memref<!tpu.dma_semaphore, #tpu.memory_space<semaphore_mem>>
      %dma_start3A_265 = arith.constant 0 : i32
      %dma_start3A_266 = tpu.memref_slice %arg41[%mul3A_2, %dma_start3A_265] : memref<10240x16xf32, #tpu.memory_space<vmem_shared>> -> memref<640x16xf32, #tpu.memory_space<vmem_shared>>
      %dma_start3A_267 = arith.constant 0 : i32
      %dma_start3A_268 = tpu.memref_slice %arg41[%mul3A_2, %dma_start3A_267] : memref<10240x16xf32, #tpu.memory_space<vmem_shared>> -> memref<640x16xf32, #tpu.memory_space<vmem_shared>>
      tpu.enqueue_dma source(%arg11 : memref<640x16xf32, #tpu.memory_space<vmem>>) target(%dma_start3A_268 : memref<640x16xf32, #tpu.memory_space<vmem_shared>>) target_semaphore(%run_scoped3A : memref<!tpu.dma_semaphore, #tpu.memory_space<semaphore_mem>>)
      %dma_wait3A_269 = arith.constant 0 : i32
      %dma_wait3A_270 = tpu.memref_slice %arg41[%mul3A_2, %dma_wait3A_269] : memref<10240x16xf32, #tpu.memory_space<vmem_shared>> -> memref<640x16xf32, #tpu.memory_space<vmem_shared>>
      %dma_wait3A_271 = arith.constant 0 : i32
      %dma_wait3A_272 = tpu.memref_slice %arg41[%mul3A_2, %dma_wait3A_271] : memref<10240x16xf32, #tpu.memory_space<vmem_shared>> -> memref<640x16xf32, #tpu.memory_space<vmem_shared>>
      tpu.wait_dma2 semaphore(%run_scoped3A : memref<!tpu.dma_semaphore, #tpu.memory_space<semaphore_mem>>) src(%arg11 : memref<640x16xf32, #tpu.memory_space<vmem>>) dst(%dma_wait3A_272 : memref<640x16xf32, #tpu.memory_space<vmem_shared>>)
      tpu.yield
    }) : () -> ()
    %eq3A = arith.constant 0 : i32
    %eq3A_189 = arith.cmpi eq, %arg0, %eq3A : i32
    %convert_element_type3A = arith.extui %eq3A_189 : i1 to i32
    %cond3A = arith.constant 0 : i32
    %cond3A_190 = arith.cmpi ne, %convert_element_type3A, %cond3A : i32
    scf.if %cond3A_190 {
      "tpu.region"() ({
        %run_scoped3A = tpu.sem_alloc : memref<!tpu.dma_semaphore, #tpu.memory_space<semaphore_mem>>
        %dma_start3A_265 = arith.constant 0 : i32
        %dma_start3A_266 = tpu.memref_slice %arg42[%mul3A_2, %dma_start3A_265] : memref<10240x16xf32, #tpu.memory_space<vmem_shared>> -> memref<640x16xf32, #tpu.memory_space<vmem_shared>>
        %dma_start3A_267 = arith.constant 0 : i32
        %dma_start3A_268 = tpu.memref_slice %arg42[%mul3A_2, %dma_start3A_267] : memref<10240x16xf32, #tpu.memory_space<vmem_shared>> -> memref<640x16xf32, #tpu.memory_space<vmem_shared>>
        tpu.enqueue_dma source(%arg11 : memref<640x16xf32, #tpu.memory_space<vmem>>) target(%dma_start3A_268 : memref<640x16xf32, #tpu.memory_space<vmem_shared>>) target_semaphore(%run_scoped3A : memref<!tpu.dma_semaphore, #tpu.memory_space<semaphore_mem>>)
        %dma_wait3A_269 = arith.constant 0 : i32
        %dma_wait3A_270 = tpu.memref_slice %arg42[%mul3A_2, %dma_wait3A_269] : memref<10240x16xf32, #tpu.memory_space<vmem_shared>> -> memref<640x16xf32, #tpu.memory_space<vmem_shared>>
        %dma_wait3A_271 = arith.constant 0 : i32
        %dma_wait3A_272 = tpu.memref_slice %arg42[%mul3A_2, %dma_wait3A_271] : memref<10240x16xf32, #tpu.memory_space<vmem_shared>> -> memref<640x16xf32, #tpu.memory_space<vmem_shared>>
        tpu.wait_dma2 semaphore(%run_scoped3A : memref<!tpu.dma_semaphore, #tpu.memory_space<semaphore_mem>>) src(%arg11 : memref<640x16xf32, #tpu.memory_space<vmem>>) dst(%dma_wait3A_272 : memref<640x16xf32, #tpu.memory_space<vmem_shared>>)
        tpu.yield
      }) : () -> ()
    } else {
    }
    %ne3A = arith.constant 0 : i32
    %ne3A_191 = arith.cmpi ne, %arg0, %ne3A : i32
    %convert_element_type3A_192 = arith.extui %ne3A_191 : i1 to i32
    %cond3A_193 = arith.constant 0 : i32
    %cond3A_194 = arith.cmpi ne, %convert_element_type3A_192, %cond3A_193 : i32
    scf.if %cond3A_194 {
      "tpu.region"() ({
        %run_scoped3A = tpu.sem_alloc : memref<!tpu.dma_semaphore, #tpu.memory_space<semaphore_mem>>
        %dma_start3A_265 = arith.constant 0 : i32
        %dma_start3A_266 = tpu.memref_slice %arg42[%mul3A_2, %dma_start3A_265] : memref<10240x16xf32, #tpu.memory_space<vmem_shared>> -> memref<640x16xf32, #tpu.memory_space<vmem_shared>>
        tpu.enqueue_dma source(%arg6 : memref<640x16xf32, #tpu.memory_space<hbm>>) target(%dma_start3A_266 : memref<640x16xf32, #tpu.memory_space<vmem_shared>>) target_semaphore(%run_scoped3A : memref<!tpu.dma_semaphore, #tpu.memory_space<semaphore_mem>>)
        %dma_wait3A_267 = arith.constant 0 : i32
        %dma_wait3A_268 = tpu.memref_slice %arg42[%mul3A_2, %dma_wait3A_267] : memref<10240x16xf32, #tpu.memory_space<vmem_shared>> -> memref<640x16xf32, #tpu.memory_space<vmem_shared>>
        tpu.wait_dma2 semaphore(%run_scoped3A : memref<!tpu.dma_semaphore, #tpu.memory_space<semaphore_mem>>) src(%arg6 : memref<640x16xf32, #tpu.memory_space<hbm>>) dst(%dma_wait3A_268 : memref<640x16xf32, #tpu.memory_space<vmem_shared>>)
        tpu.yield
      }) : () -> ()
    } else {
    }
    %barrier3A_195 = arith.constant 0 : index
    tpu.barrier barrier_id(%barrier3A_195)
    %dma_start3A_196 = arith.constant 0 : i32
    %dma_start3A_197 = arith.constant 0 : i32
    %dma_start3A_198 = tpu.memref_slice %arg8[%dma_start3A_196, %dma_start3A_197] : memref<80x128xi32, #tpu.memory_space<vmem>> -> memref<1x128xi32, #tpu.memory_space<vmem>>
    %dma_start3A_199 = tpu.memref_squeeze %dma_start3A_198 : memref<1x128xi32, #tpu.memory_space<vmem>> -> memref<128xi32, #tpu.memory_space<vmem>>
    %dma_start3A_200 = arith.constant 0 : i32
    %dma_start3A_201 = arith.constant 0 : i32
    %dma_start3A_202 = tpu.memref_slice %arg41[%dma_start3A_200, %dma_start3A_201] : memref<10240x16xf32, #tpu.memory_space<vmem_shared>> -> memref<10240x16xf32, #tpu.memory_space<vmem_shared>>
    tpu.enqueue_indirect_dma source(%dma_start3A_202 : memref<10240x16xf32, #tpu.memory_space<vmem_shared>>) target(%arg15 : memref<128x16xf32, #tpu.memory_space<vmem>>) offsets(%dma_start3A_199 : memref<128xi32, #tpu.memory_space<vmem>>) semaphore(%arg24 : memref<!tpu.dma_semaphore, #tpu.memory_space<semaphore_mem>>)
    %dma_start3A_203 = arith.constant 1 : i32
    %dma_start3A_204 = arith.constant 0 : i32
    %dma_start3A_205 = tpu.memref_slice %arg8[%dma_start3A_203, %dma_start3A_204] : memref<80x128xi32, #tpu.memory_space<vmem>> -> memref<1x128xi32, #tpu.memory_space<vmem>>
    %dma_start3A_206 = tpu.memref_squeeze %dma_start3A_205 : memref<1x128xi32, #tpu.memory_space<vmem>> -> memref<128xi32, #tpu.memory_space<vmem>>
    %dma_start3A_207 = arith.constant 0 : i32
    %dma_start3A_208 = arith.constant 0 : i32
    %dma_start3A_209 = tpu.memref_slice %arg41[%dma_start3A_207, %dma_start3A_208] : memref<10240x16xf32, #tpu.memory_space<vmem_shared>> -> memref<10240x16xf32, #tpu.memory_space<vmem_shared>>
    tpu.enqueue_indirect_dma source(%dma_start3A_209 : memref<10240x16xf32, #tpu.memory_space<vmem_shared>>) target(%arg16 : memref<128x16xf32, #tpu.memory_space<vmem>>) offsets(%dma_start3A_206 : memref<128xi32, #tpu.memory_space<vmem>>) semaphore(%arg25 : memref<!tpu.dma_semaphore, #tpu.memory_space<semaphore_mem>>)
    %dma_start3A_210 = arith.constant 2 : i32
    %dma_start3A_211 = arith.constant 0 : i32
    %dma_start3A_212 = tpu.memref_slice %arg8[%dma_start3A_210, %dma_start3A_211] : memref<80x128xi32, #tpu.memory_space<vmem>> -> memref<1x128xi32, #tpu.memory_space<vmem>>
    %dma_start3A_213 = tpu.memref_squeeze %dma_start3A_212 : memref<1x128xi32, #tpu.memory_space<vmem>> -> memref<128xi32, #tpu.memory_space<vmem>>
    %dma_start3A_214 = arith.constant 0 : i32
    %dma_start3A_215 = arith.constant 0 : i32
    %dma_start3A_216 = tpu.memref_slice %arg41[%dma_start3A_214, %dma_start3A_215] : memref<10240x16xf32, #tpu.memory_space<vmem_shared>> -> memref<10240x16xf32, #tpu.memory_space<vmem_shared>>
    tpu.enqueue_indirect_dma source(%dma_start3A_216 : memref<10240x16xf32, #tpu.memory_space<vmem_shared>>) target(%arg17 : memref<128x16xf32, #tpu.memory_space<vmem>>) offsets(%dma_start3A_213 : memref<128xi32, #tpu.memory_space<vmem>>) semaphore(%arg26 : memref<!tpu.dma_semaphore, #tpu.memory_space<semaphore_mem>>)
    %dma_start3A_217 = arith.constant 3 : i32
    %dma_start3A_218 = arith.constant 0 : i32
    %dma_start3A_219 = tpu.memref_slice %arg8[%dma_start3A_217, %dma_start3A_218] : memref<80x128xi32, #tpu.memory_space<vmem>> -> memref<1x128xi32, #tpu.memory_space<vmem>>
    %dma_start3A_220 = tpu.memref_squeeze %dma_start3A_219 : memref<1x128xi32, #tpu.memory_space<vmem>> -> memref<128xi32, #tpu.memory_space<vmem>>
    %dma_start3A_221 = arith.constant 0 : i32
    %dma_start3A_222 = arith.constant 0 : i32
    %dma_start3A_223 = tpu.memref_slice %arg41[%dma_start3A_221, %dma_start3A_222] : memref<10240x16xf32, #tpu.memory_space<vmem_shared>> -> memref<10240x16xf32, #tpu.memory_space<vmem_shared>>
    tpu.enqueue_indirect_dma source(%dma_start3A_223 : memref<10240x16xf32, #tpu.memory_space<vmem_shared>>) target(%arg18 : memref<128x16xf32, #tpu.memory_space<vmem>>) offsets(%dma_start3A_220 : memref<128xi32, #tpu.memory_space<vmem>>) semaphore(%arg27 : memref<!tpu.dma_semaphore, #tpu.memory_space<semaphore_mem>>)
    %dma_start3A_224 = arith.constant 4 : i32
    %dma_start3A_225 = arith.constant 0 : i32
    %dma_start3A_226 = tpu.memref_slice %arg8[%dma_start3A_224, %dma_start3A_225] : memref<80x128xi32, #tpu.memory_space<vmem>> -> memref<1x128xi32, #tpu.memory_space<vmem>>
    %dma_start3A_227 = tpu.memref_squeeze %dma_start3A_226 : memref<1x128xi32, #tpu.memory_space<vmem>> -> memref<128xi32, #tpu.memory_space<vmem>>
    %dma_start3A_228 = arith.constant 0 : i32
    %dma_start3A_229 = arith.constant 0 : i32
    %dma_start3A_230 = tpu.memref_slice %arg41[%dma_start3A_228, %dma_start3A_229] : memref<10240x16xf32, #tpu.memory_space<vmem_shared>> -> memref<10240x16xf32, #tpu.memory_space<vmem_shared>>
    tpu.enqueue_indirect_dma source(%dma_start3A_230 : memref<10240x16xf32, #tpu.memory_space<vmem_shared>>) target(%arg19 : memref<128x16xf32, #tpu.memory_space<vmem>>) offsets(%dma_start3A_227 : memref<128xi32, #tpu.memory_space<vmem>>) semaphore(%arg28 : memref<!tpu.dma_semaphore, #tpu.memory_space<semaphore_mem>>)
    %dma_start3A_231 = arith.constant 5 : i32
    %dma_start3A_232 = arith.constant 0 : i32
    %dma_start3A_233 = tpu.memref_slice %arg8[%dma_start3A_231, %dma_start3A_232] : memref<80x128xi32, #tpu.memory_space<vmem>> -> memref<1x128xi32, #tpu.memory_space<vmem>>
    %dma_start3A_234 = tpu.memref_squeeze %dma_start3A_233 : memref<1x128xi32, #tpu.memory_space<vmem>> -> memref<128xi32, #tpu.memory_space<vmem>>
    %dma_start3A_235 = arith.constant 0 : i32
    %dma_start3A_236 = arith.constant 0 : i32
    %dma_start3A_237 = tpu.memref_slice %arg41[%dma_start3A_235, %dma_start3A_236] : memref<10240x16xf32, #tpu.memory_space<vmem_shared>> -> memref<10240x16xf32, #tpu.memory_space<vmem_shared>>
    tpu.enqueue_indirect_dma source(%dma_start3A_237 : memref<10240x16xf32, #tpu.memory_space<vmem_shared>>) target(%arg20 : memref<128x16xf32, #tpu.memory_space<vmem>>) offsets(%dma_start3A_234 : memref<128xi32, #tpu.memory_space<vmem>>) semaphore(%arg29 : memref<!tpu.dma_semaphore, #tpu.memory_space<semaphore_mem>>)
    %dma_start3A_238 = arith.constant 6 : i32
    %dma_start3A_239 = arith.constant 0 : i32
    %dma_start3A_240 = tpu.memref_slice %arg8[%dma_start3A_238, %dma_start3A_239] : memref<80x128xi32, #tpu.memory_space<vmem>> -> memref<1x128xi32, #tpu.memory_space<vmem>>
    %dma_start3A_241 = tpu.memref_squeeze %dma_start3A_240 : memref<1x128xi32, #tpu.memory_space<vmem>> -> memref<128xi32, #tpu.memory_space<vmem>>
    %dma_start3A_242 = arith.constant 0 : i32
    %dma_start3A_243 = arith.constant 0 : i32
    %dma_start3A_244 = tpu.memref_slice %arg41[%dma_start3A_242, %dma_start3A_243] : memref<10240x16xf32, #tpu.memory_space<vmem_shared>> -> memref<10240x16xf32, #tpu.memory_space<vmem_shared>>
    tpu.enqueue_indirect_dma source(%dma_start3A_244 : memref<10240x16xf32, #tpu.memory_space<vmem_shared>>) target(%arg21 : memref<128x16xf32, #tpu.memory_space<vmem>>) offsets(%dma_start3A_241 : memref<128xi32, #tpu.memory_space<vmem>>) semaphore(%arg30 : memref<!tpu.dma_semaphore, #tpu.memory_space<semaphore_mem>>)
    %dma_start3A_245 = arith.constant 7 : i32
    %dma_start3A_246 = arith.constant 0 : i32
    %dma_start3A_247 = tpu.memref_slice %arg8[%dma_start3A_245, %dma_start3A_246] : memref<80x128xi32, #tpu.memory_space<vmem>> -> memref<1x128xi32, #tpu.memory_space<vmem>>
    %dma_start3A_248 = tpu.memref_squeeze %dma_start3A_247 : memref<1x128xi32, #tpu.memory_space<vmem>> -> memref<128xi32, #tpu.memory_space<vmem>>
    %dma_start3A_249 = arith.constant 0 : i32
    %dma_start3A_250 = arith.constant 0 : i32
    %dma_start3A_251 = tpu.memref_slice %arg41[%dma_start3A_249, %dma_start3A_250] : memref<10240x16xf32, #tpu.memory_space<vmem_shared>> -> memref<10240x16xf32, #tpu.memory_space<vmem_shared>>
    tpu.enqueue_indirect_dma source(%dma_start3A_251 : memref<10240x16xf32, #tpu.memory_space<vmem_shared>>) target(%arg22 : memref<128x16xf32, #tpu.memory_space<vmem>>) offsets(%dma_start3A_248 : memref<128xi32, #tpu.memory_space<vmem>>) semaphore(%arg31 : memref<!tpu.dma_semaphore, #tpu.memory_space<semaphore_mem>>)
    %scan3A_252 = arith.constant 0 : i32
    %scan3A_253 = arith.constant 0 : i32
    %scan3A_254 = arith.constant 10 : i32
    %scan3A_255 = arith.addi %scan3A_253, %scan3A_254 : i32
    %scan3A_256 = arith.constant 1 : i32
    scf.for %scan3A_265 = %scan3A_253 to %scan3A_255 step %scan3A_256  : i32 {
      %mul3A_266 = arith.constant 8 : i32
      %mul3A_267 = arith.muli %mul3A_266, %scan3A_265 : i32
      %add3A_268 = arith.constant 0 : i32
      %add3A_269 = arith.addi %mul3A_267, %add3A_268 : i32
      %dma_wait3A_270 = arith.constant 0 : i32
      %dma_wait3A_271 = tpu.memref_slice %arg8[%add3A_269, %dma_wait3A_270] : memref<80x128xi32, #tpu.memory_space<vmem>> -> memref<1x128xi32, #tpu.memory_space<vmem>>
      %dma_wait3A_272 = tpu.memref_squeeze %dma_wait3A_271 : memref<1x128xi32, #tpu.memory_space<vmem>> -> memref<128xi32, #tpu.memory_space<vmem>>
      %dma_wait3A_273 = arith.constant 0 : i32
      %dma_wait3A_274 = arith.constant 0 : i32
      %dma_wait3A_275 = tpu.memref_slice %arg41[%dma_wait3A_273, %dma_wait3A_274] : memref<10240x16xf32, #tpu.memory_space<vmem_shared>> -> memref<10240x16xf32, #tpu.memory_space<vmem_shared>>
      tpu.wait_indirect_dma semaphore(%arg24 : memref<!tpu.dma_semaphore, #tpu.memory_space<semaphore_mem>>) src(%dma_wait3A_275 : memref<10240x16xf32, #tpu.memory_space<vmem_shared>>) dst(%arg15 : memref<128x16xf32, #tpu.memory_space<vmem>>)
      %add3A_276 = arith.constant 0 : i32
      %add3A_277 = arith.addi %mul3A_267, %add3A_276 : i32
      %dma_start3A_278 = arith.constant 0 : i32
      %dma_start3A_279 = tpu.memref_slice %arg9[%add3A_277, %dma_start3A_278] : memref<80x128xi32, #tpu.memory_space<vmem>> -> memref<1x128xi32, #tpu.memory_space<vmem>>
      %dma_start3A_280 = tpu.memref_squeeze %dma_start3A_279 : memref<1x128xi32, #tpu.memory_space<vmem>> -> memref<128xi32, #tpu.memory_space<vmem>>
      %dma_start3A_281 = arith.constant 0 : i32
      %dma_start3A_282 = arith.constant 0 : i32
      %dma_start3A_283 = tpu.memref_slice %arg42[%dma_start3A_281, %dma_start3A_282] : memref<10240x16xf32, #tpu.memory_space<vmem_shared>> -> memref<10240x16xf32, #tpu.memory_space<vmem_shared>>
      tpu.enqueue_indirect_dma source(%arg15 : memref<128x16xf32, #tpu.memory_space<vmem>>) target(%dma_start3A_283 : memref<10240x16xf32, #tpu.memory_space<vmem_shared>>) offsets(%dma_start3A_280 : memref<128xi32, #tpu.memory_space<vmem>>) semaphore(%arg32 : memref<!tpu.dma_semaphore, #tpu.memory_space<semaphore_mem>>) {add = true}
      %add3A_284 = arith.constant 1 : i32
      %add3A_285 = arith.addi %mul3A_267, %add3A_284 : i32
      %dma_wait3A_286 = arith.constant 0 : i32
      %dma_wait3A_287 = tpu.memref_slice %arg8[%add3A_285, %dma_wait3A_286] : memref<80x128xi32, #tpu.memory_space<vmem>> -> memref<1x128xi32, #tpu.memory_space<vmem>>
      %dma_wait3A_288 = tpu.memref_squeeze %dma_wait3A_287 : memref<1x128xi32, #tpu.memory_space<vmem>> -> memref<128xi32, #tpu.memory_space<vmem>>
      %dma_wait3A_289 = arith.constant 0 : i32
      %dma_wait3A_290 = arith.constant 0 : i32
      %dma_wait3A_291 = tpu.memref_slice %arg41[%dma_wait3A_289, %dma_wait3A_290] : memref<10240x16xf32, #tpu.memory_space<vmem_shared>> -> memref<10240x16xf32, #tpu.memory_space<vmem_shared>>
      tpu.wait_indirect_dma semaphore(%arg25 : memref<!tpu.dma_semaphore, #tpu.memory_space<semaphore_mem>>) src(%dma_wait3A_291 : memref<10240x16xf32, #tpu.memory_space<vmem_shared>>) dst(%arg16 : memref<128x16xf32, #tpu.memory_space<vmem>>)
      %add3A_292 = arith.constant 1 : i32
      %add3A_293 = arith.addi %mul3A_267, %add3A_292 : i32
      %dma_start3A_294 = arith.constant 0 : i32
      %dma_start3A_295 = tpu.memref_slice %arg9[%add3A_293, %dma_start3A_294] : memref<80x128xi32, #tpu.memory_space<vmem>> -> memref<1x128xi32, #tpu.memory_space<vmem>>
      %dma_start3A_296 = tpu.memref_squeeze %dma_start3A_295 : memref<1x128xi32, #tpu.memory_space<vmem>> -> memref<128xi32, #tpu.memory_space<vmem>>
      %dma_start3A_297 = arith.constant 0 : i32
      %dma_start3A_298 = arith.constant 0 : i32
      %dma_start3A_299 = tpu.memref_slice %arg42[%dma_start3A_297, %dma_start3A_298] : memref<10240x16xf32, #tpu.memory_space<vmem_shared>> -> memref<10240x16xf32, #tpu.memory_space<vmem_shared>>
      tpu.enqueue_indirect_dma source(%arg16 : memref<128x16xf32, #tpu.memory_space<vmem>>) target(%dma_start3A_299 : memref<10240x16xf32, #tpu.memory_space<vmem_shared>>) offsets(%dma_start3A_296 : memref<128xi32, #tpu.memory_space<vmem>>) semaphore(%arg33 : memref<!tpu.dma_semaphore, #tpu.memory_space<semaphore_mem>>) {add = true}
      %add3A_300 = arith.constant 2 : i32
      %add3A_301 = arith.addi %mul3A_267, %add3A_300 : i32
      %dma_wait3A_302 = arith.constant 0 : i32
      %dma_wait3A_303 = tpu.memref_slice %arg8[%add3A_301, %dma_wait3A_302] : memref<80x128xi32, #tpu.memory_space<vmem>> -> memref<1x128xi32, #tpu.memory_space<vmem>>
      %dma_wait3A_304 = tpu.memref_squeeze %dma_wait3A_303 : memref<1x128xi32, #tpu.memory_space<vmem>> -> memref<128xi32, #tpu.memory_space<vmem>>
      %dma_wait3A_305 = arith.constant 0 : i32
      %dma_wait3A_306 = arith.constant 0 : i32
      %dma_wait3A_307 = tpu.memref_slice %arg41[%dma_wait3A_305, %dma_wait3A_306] : memref<10240x16xf32, #tpu.memory_space<vmem_shared>> -> memref<10240x16xf32, #tpu.memory_space<vmem_shared>>
      tpu.wait_indirect_dma semaphore(%arg26 : memref<!tpu.dma_semaphore, #tpu.memory_space<semaphore_mem>>) src(%dma_wait3A_307 : memref<10240x16xf32, #tpu.memory_space<vmem_shared>>) dst(%arg17 : memref<128x16xf32, #tpu.memory_space<vmem>>)
      %add3A_308 = arith.constant 2 : i32
      %add3A_309 = arith.addi %mul3A_267, %add3A_308 : i32
      %dma_start3A_310 = arith.constant 0 : i32
      %dma_start3A_311 = tpu.memref_slice %arg9[%add3A_309, %dma_start3A_310] : memref<80x128xi32, #tpu.memory_space<vmem>> -> memref<1x128xi32, #tpu.memory_space<vmem>>
      %dma_start3A_312 = tpu.memref_squeeze %dma_start3A_311 : memref<1x128xi32, #tpu.memory_space<vmem>> -> memref<128xi32, #tpu.memory_space<vmem>>
      %dma_start3A_313 = arith.constant 0 : i32
      %dma_start3A_314 = arith.constant 0 : i32
      %dma_start3A_315 = tpu.memref_slice %arg42[%dma_start3A_313, %dma_start3A_314] : memref<10240x16xf32, #tpu.memory_space<vmem_shared>> -> memref<10240x16xf32, #tpu.memory_space<vmem_shared>>
      tpu.enqueue_indirect_dma source(%arg17 : memref<128x16xf32, #tpu.memory_space<vmem>>) target(%dma_start3A_315 : memref<10240x16xf32, #tpu.memory_space<vmem_shared>>) offsets(%dma_start3A_312 : memref<128xi32, #tpu.memory_space<vmem>>) semaphore(%arg34 : memref<!tpu.dma_semaphore, #tpu.memory_space<semaphore_mem>>) {add = true}
      %add3A_316 = arith.constant 3 : i32
      %add3A_317 = arith.addi %mul3A_267, %add3A_316 : i32
      %dma_wait3A_318 = arith.constant 0 : i32
      %dma_wait3A_319 = tpu.memref_slice %arg8[%add3A_317, %dma_wait3A_318] : memref<80x128xi32, #tpu.memory_space<vmem>> -> memref<1x128xi32, #tpu.memory_space<vmem>>
      %dma_wait3A_320 = tpu.memref_squeeze %dma_wait3A_319 : memref<1x128xi32, #tpu.memory_space<vmem>> -> memref<128xi32, #tpu.memory_space<vmem>>
      %dma_wait3A_321 = arith.constant 0 : i32
      %dma_wait3A_322 = arith.constant 0 : i32
      %dma_wait3A_323 = tpu.memref_slice %arg41[%dma_wait3A_321, %dma_wait3A_322] : memref<10240x16xf32, #tpu.memory_space<vmem_shared>> -> memref<10240x16xf32, #tpu.memory_space<vmem_shared>>
      tpu.wait_indirect_dma semaphore(%arg27 : memref<!tpu.dma_semaphore, #tpu.memory_space<semaphore_mem>>) src(%dma_wait3A_323 : memref<10240x16xf32, #tpu.memory_space<vmem_shared>>) dst(%arg18 : memref<128x16xf32, #tpu.memory_space<vmem>>)
      %add3A_324 = arith.constant 3 : i32
      %add3A_325 = arith.addi %mul3A_267, %add3A_324 : i32
      %dma_start3A_326 = arith.constant 0 : i32
      %dma_start3A_327 = tpu.memref_slice %arg9[%add3A_325, %dma_start3A_326] : memref<80x128xi32, #tpu.memory_space<vmem>> -> memref<1x128xi32, #tpu.memory_space<vmem>>
      %dma_start3A_328 = tpu.memref_squeeze %dma_start3A_327 : memref<1x128xi32, #tpu.memory_space<vmem>> -> memref<128xi32, #tpu.memory_space<vmem>>
      %dma_start3A_329 = arith.constant 0 : i32
      %dma_start3A_330 = arith.constant 0 : i32
      %dma_start3A_331 = tpu.memref_slice %arg42[%dma_start3A_329, %dma_start3A_330] : memref<10240x16xf32, #tpu.memory_space<vmem_shared>> -> memref<10240x16xf32, #tpu.memory_space<vmem_shared>>
      tpu.enqueue_indirect_dma source(%arg18 : memref<128x16xf32, #tpu.memory_space<vmem>>) target(%dma_start3A_331 : memref<10240x16xf32, #tpu.memory_space<vmem_shared>>) offsets(%dma_start3A_328 : memref<128xi32, #tpu.memory_space<vmem>>) semaphore(%arg35 : memref<!tpu.dma_semaphore, #tpu.memory_space<semaphore_mem>>) {add = true}
      %add3A_332 = arith.constant 4 : i32
      %add3A_333 = arith.addi %mul3A_267, %add3A_332 : i32
      %dma_wait3A_334 = arith.constant 0 : i32
      %dma_wait3A_335 = tpu.memref_slice %arg8[%add3A_333, %dma_wait3A_334] : memref<80x128xi32, #tpu.memory_space<vmem>> -> memref<1x128xi32, #tpu.memory_space<vmem>>
      %dma_wait3A_336 = tpu.memref_squeeze %dma_wait3A_335 : memref<1x128xi32, #tpu.memory_space<vmem>> -> memref<128xi32, #tpu.memory_space<vmem>>
      %dma_wait3A_337 = arith.constant 0 : i32
      %dma_wait3A_338 = arith.constant 0 : i32
      %dma_wait3A_339 = tpu.memref_slice %arg41[%dma_wait3A_337, %dma_wait3A_338] : memref<10240x16xf32, #tpu.memory_space<vmem_shared>> -> memref<10240x16xf32, #tpu.memory_space<vmem_shared>>
      tpu.wait_indirect_dma semaphore(%arg28 : memref<!tpu.dma_semaphore, #tpu.memory_space<semaphore_mem>>) src(%dma_wait3A_339 : memref<10240x16xf32, #tpu.memory_space<vmem_shared>>) dst(%arg19 : memref<128x16xf32, #tpu.memory_space<vmem>>)
      %add3A_340 = arith.constant 4 : i32
      %add3A_341 = arith.addi %mul3A_267, %add3A_340 : i32
      %dma_start3A_342 = arith.constant 0 : i32
      %dma_start3A_343 = tpu.memref_slice %arg9[%add3A_341, %dma_start3A_342] : memref<80x128xi32, #tpu.memory_space<vmem>> -> memref<1x128xi32, #tpu.memory_space<vmem>>
      %dma_start3A_344 = tpu.memref_squeeze %dma_start3A_343 : memref<1x128xi32, #tpu.memory_space<vmem>> -> memref<128xi32, #tpu.memory_space<vmem>>
      %dma_start3A_345 = arith.constant 0 : i32
      %dma_start3A_346 = arith.constant 0 : i32
      %dma_start3A_347 = tpu.memref_slice %arg42[%dma_start3A_345, %dma_start3A_346] : memref<10240x16xf32, #tpu.memory_space<vmem_shared>> -> memref<10240x16xf32, #tpu.memory_space<vmem_shared>>
      tpu.enqueue_indirect_dma source(%arg19 : memref<128x16xf32, #tpu.memory_space<vmem>>) target(%dma_start3A_347 : memref<10240x16xf32, #tpu.memory_space<vmem_shared>>) offsets(%dma_start3A_344 : memref<128xi32, #tpu.memory_space<vmem>>) semaphore(%arg36 : memref<!tpu.dma_semaphore, #tpu.memory_space<semaphore_mem>>) {add = true}
      %add3A_348 = arith.constant 5 : i32
      %add3A_349 = arith.addi %mul3A_267, %add3A_348 : i32
      %dma_wait3A_350 = arith.constant 0 : i32
      %dma_wait3A_351 = tpu.memref_slice %arg8[%add3A_349, %dma_wait3A_350] : memref<80x128xi32, #tpu.memory_space<vmem>> -> memref<1x128xi32, #tpu.memory_space<vmem>>
      %dma_wait3A_352 = tpu.memref_squeeze %dma_wait3A_351 : memref<1x128xi32, #tpu.memory_space<vmem>> -> memref<128xi32, #tpu.memory_space<vmem>>
      %dma_wait3A_353 = arith.constant 0 : i32
      %dma_wait3A_354 = arith.constant 0 : i32
      %dma_wait3A_355 = tpu.memref_slice %arg41[%dma_wait3A_353, %dma_wait3A_354] : memref<10240x16xf32, #tpu.memory_space<vmem_shared>> -> memref<10240x16xf32, #tpu.memory_space<vmem_shared>>
      tpu.wait_indirect_dma semaphore(%arg29 : memref<!tpu.dma_semaphore, #tpu.memory_space<semaphore_mem>>) src(%dma_wait3A_355 : memref<10240x16xf32, #tpu.memory_space<vmem_shared>>) dst(%arg20 : memref<128x16xf32, #tpu.memory_space<vmem>>)
      %add3A_356 = arith.constant 5 : i32
      %add3A_357 = arith.addi %mul3A_267, %add3A_356 : i32
      %dma_start3A_358 = arith.constant 0 : i32
      %dma_start3A_359 = tpu.memref_slice %arg9[%add3A_357, %dma_start3A_358] : memref<80x128xi32, #tpu.memory_space<vmem>> -> memref<1x128xi32, #tpu.memory_space<vmem>>
      %dma_start3A_360 = tpu.memref_squeeze %dma_start3A_359 : memref<1x128xi32, #tpu.memory_space<vmem>> -> memref<128xi32, #tpu.memory_space<vmem>>
      %dma_start3A_361 = arith.constant 0 : i32
      %dma_start3A_362 = arith.constant 0 : i32
      %dma_start3A_363 = tpu.memref_slice %arg42[%dma_start3A_361, %dma_start3A_362] : memref<10240x16xf32, #tpu.memory_space<vmem_shared>> -> memref<10240x16xf32, #tpu.memory_space<vmem_shared>>
      tpu.enqueue_indirect_dma source(%arg20 : memref<128x16xf32, #tpu.memory_space<vmem>>) target(%dma_start3A_363 : memref<10240x16xf32, #tpu.memory_space<vmem_shared>>) offsets(%dma_start3A_360 : memref<128xi32, #tpu.memory_space<vmem>>) semaphore(%arg37 : memref<!tpu.dma_semaphore, #tpu.memory_space<semaphore_mem>>) {add = true}
      %add3A_364 = arith.constant 6 : i32
      %add3A_365 = arith.addi %mul3A_267, %add3A_364 : i32
      %dma_wait3A_366 = arith.constant 0 : i32
      %dma_wait3A_367 = tpu.memref_slice %arg8[%add3A_365, %dma_wait3A_366] : memref<80x128xi32, #tpu.memory_space<vmem>> -> memref<1x128xi32, #tpu.memory_space<vmem>>
      %dma_wait3A_368 = tpu.memref_squeeze %dma_wait3A_367 : memref<1x128xi32, #tpu.memory_space<vmem>> -> memref<128xi32, #tpu.memory_space<vmem>>
      %dma_wait3A_369 = arith.constant 0 : i32
      %dma_wait3A_370 = arith.constant 0 : i32
      %dma_wait3A_371 = tpu.memref_slice %arg41[%dma_wait3A_369, %dma_wait3A_370] : memref<10240x16xf32, #tpu.memory_space<vmem_shared>> -> memref<10240x16xf32, #tpu.memory_space<vmem_shared>>
      tpu.wait_indirect_dma semaphore(%arg30 : memref<!tpu.dma_semaphore, #tpu.memory_space<semaphore_mem>>) src(%dma_wait3A_371 : memref<10240x16xf32, #tpu.memory_space<vmem_shared>>) dst(%arg21 : memref<128x16xf32, #tpu.memory_space<vmem>>)
      %add3A_372 = arith.constant 6 : i32
      %add3A_373 = arith.addi %mul3A_267, %add3A_372 : i32
      %dma_start3A_374 = arith.constant 0 : i32
      %dma_start3A_375 = tpu.memref_slice %arg9[%add3A_373, %dma_start3A_374] : memref<80x128xi32, #tpu.memory_space<vmem>> -> memref<1x128xi32, #tpu.memory_space<vmem>>
      %dma_start3A_376 = tpu.memref_squeeze %dma_start3A_375 : memref<1x128xi32, #tpu.memory_space<vmem>> -> memref<128xi32, #tpu.memory_space<vmem>>
      %dma_start3A_377 = arith.constant 0 : i32
      %dma_start3A_378 = arith.constant 0 : i32
      %dma_start3A_379 = tpu.memref_slice %arg42[%dma_start3A_377, %dma_start3A_378] : memref<10240x16xf32, #tpu.memory_space<vmem_shared>> -> memref<10240x16xf32, #tpu.memory_space<vmem_shared>>
      tpu.enqueue_indirect_dma source(%arg21 : memref<128x16xf32, #tpu.memory_space<vmem>>) target(%dma_start3A_379 : memref<10240x16xf32, #tpu.memory_space<vmem_shared>>) offsets(%dma_start3A_376 : memref<128xi32, #tpu.memory_space<vmem>>) semaphore(%arg38 : memref<!tpu.dma_semaphore, #tpu.memory_space<semaphore_mem>>) {add = true}
      %add3A_380 = arith.constant 7 : i32
      %add3A_381 = arith.addi %mul3A_267, %add3A_380 : i32
      %dma_wait3A_382 = arith.constant 0 : i32
      %dma_wait3A_383 = tpu.memref_slice %arg8[%add3A_381, %dma_wait3A_382] : memref<80x128xi32, #tpu.memory_space<vmem>> -> memref<1x128xi32, #tpu.memory_space<vmem>>
      %dma_wait3A_384 = tpu.memref_squeeze %dma_wait3A_383 : memref<1x128xi32, #tpu.memory_space<vmem>> -> memref<128xi32, #tpu.memory_space<vmem>>
      %dma_wait3A_385 = arith.constant 0 : i32
      %dma_wait3A_386 = arith.constant 0 : i32
      %dma_wait3A_387 = tpu.memref_slice %arg41[%dma_wait3A_385, %dma_wait3A_386] : memref<10240x16xf32, #tpu.memory_space<vmem_shared>> -> memref<10240x16xf32, #tpu.memory_space<vmem_shared>>
      tpu.wait_indirect_dma semaphore(%arg31 : memref<!tpu.dma_semaphore, #tpu.memory_space<semaphore_mem>>) src(%dma_wait3A_387 : memref<10240x16xf32, #tpu.memory_space<vmem_shared>>) dst(%arg22 : memref<128x16xf32, #tpu.memory_space<vmem>>)
      %add3A_388 = arith.constant 7 : i32
      %add3A_389 = arith.addi %mul3A_267, %add3A_388 : i32
      %dma_start3A_390 = arith.constant 0 : i32
      %dma_start3A_391 = tpu.memref_slice %arg9[%add3A_389, %dma_start3A_390] : memref<80x128xi32, #tpu.memory_space<vmem>> -> memref<1x128xi32, #tpu.memory_space<vmem>>
      %dma_start3A_392 = tpu.memref_squeeze %dma_start3A_391 : memref<1x128xi32, #tpu.memory_space<vmem>> -> memref<128xi32, #tpu.memory_space<vmem>>
      %dma_start3A_393 = arith.constant 0 : i32
      %dma_start3A_394 = arith.constant 0 : i32
      %dma_start3A_395 = tpu.memref_slice %arg42[%dma_start3A_393, %dma_start3A_394] : memref<10240x16xf32, #tpu.memory_space<vmem_shared>> -> memref<10240x16xf32, #tpu.memory_space<vmem_shared>>
      tpu.enqueue_indirect_dma source(%arg22 : memref<128x16xf32, #tpu.memory_space<vmem>>) target(%dma_start3A_395 : memref<10240x16xf32, #tpu.memory_space<vmem_shared>>) offsets(%dma_start3A_392 : memref<128xi32, #tpu.memory_space<vmem>>) semaphore(%arg39 : memref<!tpu.dma_semaphore, #tpu.memory_space<semaphore_mem>>) {add = true}
      %add3A_396 = arith.constant 0 : i32
      %add3A_397 = arith.addi %mul3A_267, %add3A_396 : i32
      %dma_wait3A_398 = arith.constant 0 : i32
      %dma_wait3A_399 = tpu.memref_slice %arg9[%add3A_397, %dma_wait3A_398] : memref<80x128xi32, #tpu.memory_space<vmem>> -> memref<1x128xi32, #tpu.memory_space<vmem>>
      %dma_wait3A_400 = tpu.memref_squeeze %dma_wait3A_399 : memref<1x128xi32, #tpu.memory_space<vmem>> -> memref<128xi32, #tpu.memory_space<vmem>>
      %dma_wait3A_401 = arith.constant 0 : i32
      %dma_wait3A_402 = arith.constant 0 : i32
      %dma_wait3A_403 = tpu.memref_slice %arg42[%dma_wait3A_401, %dma_wait3A_402] : memref<10240x16xf32, #tpu.memory_space<vmem_shared>> -> memref<10240x16xf32, #tpu.memory_space<vmem_shared>>
      tpu.wait_indirect_dma semaphore(%arg32 : memref<!tpu.dma_semaphore, #tpu.memory_space<semaphore_mem>>) src(%arg15 : memref<128x16xf32, #tpu.memory_space<vmem>>) dst(%dma_wait3A_403 : memref<10240x16xf32, #tpu.memory_space<vmem_shared>>)
      %add3A_404 = arith.constant 8 : i32
      %add3A_405 = arith.addi %mul3A_267, %add3A_404 : i32
      %add3A_406 = arith.constant 0 : i32
      %add3A_407 = arith.addi %add3A_405, %add3A_406 : i32
      %lt3A = arith.constant 80 : i32
      %lt3A_408 = arith.cmpi slt, %add3A_407, %lt3A : i32
      %convert_element_type3A_409 = arith.extui %lt3A_408 : i1 to i32
      %cond3A_410 = arith.constant 0 : i32
      %cond3A_411 = arith.cmpi ne, %convert_element_type3A_409, %cond3A_410 : i32
      scf.if %cond3A_411 {
        %add3A_531 = arith.constant 8 : i32
        %add3A_532 = arith.addi %mul3A_267, %add3A_531 : i32
        %add3A_533 = arith.constant 0 : i32
        %add3A_534 = arith.addi %add3A_532, %add3A_533 : i32
        %dma_start3A_535 = arith.constant 0 : i32
        %dma_start3A_536 = tpu.memref_slice %arg8[%add3A_534, %dma_start3A_535] : memref<80x128xi32, #tpu.memory_space<vmem>> -> memref<1x128xi32, #tpu.memory_space<vmem>>
        %dma_start3A_537 = tpu.memref_squeeze %dma_start3A_536 : memref<1x128xi32, #tpu.memory_space<vmem>> -> memref<128xi32, #tpu.memory_space<vmem>>
        %dma_start3A_538 = arith.constant 0 : i32
        %dma_start3A_539 = arith.constant 0 : i32
        %dma_start3A_540 = tpu.memref_slice %arg41[%dma_start3A_538, %dma_start3A_539] : memref<10240x16xf32, #tpu.memory_space<vmem_shared>> -> memref<10240x16xf32, #tpu.memory_space<vmem_shared>>
        tpu.enqueue_indirect_dma source(%dma_start3A_540 : memref<10240x16xf32, #tpu.memory_space<vmem_shared>>) target(%arg15 : memref<128x16xf32, #tpu.memory_space<vmem>>) offsets(%dma_start3A_537 : memref<128xi32, #tpu.memory_space<vmem>>) semaphore(%arg24 : memref<!tpu.dma_semaphore, #tpu.memory_space<semaphore_mem>>)
      } else {
      }
      %add3A_412 = arith.constant 1 : i32
      %add3A_413 = arith.addi %mul3A_267, %add3A_412 : i32
      %dma_wait3A_414 = arith.constant 0 : i32
      %dma_wait3A_415 = tpu.memref_slice %arg9[%add3A_413, %dma_wait3A_414] : memref<80x128xi32, #tpu.memory_space<vmem>> -> memref<1x128xi32, #tpu.memory_space<vmem>>
      %dma_wait3A_416 = tpu.memref_squeeze %dma_wait3A_415 : memref<1x128xi32, #tpu.memory_space<vmem>> -> memref<128xi32, #tpu.memory_space<vmem>>
      %dma_wait3A_417 = arith.constant 0 : i32
      %dma_wait3A_418 = arith.constant 0 : i32
      %dma_wait3A_419 = tpu.memref_slice %arg42[%dma_wait3A_417, %dma_wait3A_418] : memref<10240x16xf32, #tpu.memory_space<vmem_shared>> -> memref<10240x16xf32, #tpu.memory_space<vmem_shared>>
      tpu.wait_indirect_dma semaphore(%arg33 : memref<!tpu.dma_semaphore, #tpu.memory_space<semaphore_mem>>) src(%arg16 : memref<128x16xf32, #tpu.memory_space<vmem>>) dst(%dma_wait3A_419 : memref<10240x16xf32, #tpu.memory_space<vmem_shared>>)
      %add3A_420 = arith.constant 8 : i32
      %add3A_421 = arith.addi %mul3A_267, %add3A_420 : i32
      %add3A_422 = arith.constant 1 : i32
      %add3A_423 = arith.addi %add3A_421, %add3A_422 : i32
      %lt3A_424 = arith.constant 80 : i32
      %lt3A_425 = arith.cmpi slt, %add3A_423, %lt3A_424 : i32
      %convert_element_type3A_426 = arith.extui %lt3A_425 : i1 to i32
      %cond3A_427 = arith.constant 0 : i32
      %cond3A_428 = arith.cmpi ne, %convert_element_type3A_426, %cond3A_427 : i32
      scf.if %cond3A_428 {
        %add3A_531 = arith.constant 8 : i32
        %add3A_532 = arith.addi %mul3A_267, %add3A_531 : i32
        %add3A_533 = arith.constant 1 : i32
        %add3A_534 = arith.addi %add3A_532, %add3A_533 : i32
        %dma_start3A_535 = arith.constant 0 : i32
        %dma_start3A_536 = tpu.memref_slice %arg8[%add3A_534, %dma_start3A_535] : memref<80x128xi32, #tpu.memory_space<vmem>> -> memref<1x128xi32, #tpu.memory_space<vmem>>
        %dma_start3A_537 = tpu.memref_squeeze %dma_start3A_536 : memref<1x128xi32, #tpu.memory_space<vmem>> -> memref<128xi32, #tpu.memory_space<vmem>>
        %dma_start3A_538 = arith.constant 0 : i32
        %dma_start3A_539 = arith.constant 0 : i32
        %dma_start3A_540 = tpu.memref_slice %arg41[%dma_start3A_538, %dma_start3A_539] : memref<10240x16xf32, #tpu.memory_space<vmem_shared>> -> memref<10240x16xf32, #tpu.memory_space<vmem_shared>>
        tpu.enqueue_indirect_dma source(%dma_start3A_540 : memref<10240x16xf32, #tpu.memory_space<vmem_shared>>) target(%arg16 : memref<128x16xf32, #tpu.memory_space<vmem>>) offsets(%dma_start3A_537 : memref<128xi32, #tpu.memory_space<vmem>>) semaphore(%arg25 : memref<!tpu.dma_semaphore, #tpu.memory_space<semaphore_mem>>)
      } else {
      }
      %add3A_429 = arith.constant 2 : i32
      %add3A_430 = arith.addi %mul3A_267, %add3A_429 : i32
      %dma_wait3A_431 = arith.constant 0 : i32
      %dma_wait3A_432 = tpu.memref_slice %arg9[%add3A_430, %dma_wait3A_431] : memref<80x128xi32, #tpu.memory_space<vmem>> -> memref<1x128xi32, #tpu.memory_space<vmem>>
      %dma_wait3A_433 = tpu.memref_squeeze %dma_wait3A_432 : memref<1x128xi32, #tpu.memory_space<vmem>> -> memref<128xi32, #tpu.memory_space<vmem>>
      %dma_wait3A_434 = arith.constant 0 : i32
      %dma_wait3A_435 = arith.constant 0 : i32
      %dma_wait3A_436 = tpu.memref_slice %arg42[%dma_wait3A_434, %dma_wait3A_435] : memref<10240x16xf32, #tpu.memory_space<vmem_shared>> -> memref<10240x16xf32, #tpu.memory_space<vmem_shared>>
      tpu.wait_indirect_dma semaphore(%arg34 : memref<!tpu.dma_semaphore, #tpu.memory_space<semaphore_mem>>) src(%arg17 : memref<128x16xf32, #tpu.memory_space<vmem>>) dst(%dma_wait3A_436 : memref<10240x16xf32, #tpu.memory_space<vmem_shared>>)
      %add3A_437 = arith.constant 8 : i32
      %add3A_438 = arith.addi %mul3A_267, %add3A_437 : i32
      %add3A_439 = arith.constant 2 : i32
      %add3A_440 = arith.addi %add3A_438, %add3A_439 : i32
      %lt3A_441 = arith.constant 80 : i32
      %lt3A_442 = arith.cmpi slt, %add3A_440, %lt3A_441 : i32
      %convert_element_type3A_443 = arith.extui %lt3A_442 : i1 to i32
      %cond3A_444 = arith.constant 0 : i32
      %cond3A_445 = arith.cmpi ne, %convert_element_type3A_443, %cond3A_444 : i32
      scf.if %cond3A_445 {
        %add3A_531 = arith.constant 8 : i32
        %add3A_532 = arith.addi %mul3A_267, %add3A_531 : i32
        %add3A_533 = arith.constant 2 : i32
        %add3A_534 = arith.addi %add3A_532, %add3A_533 : i32
        %dma_start3A_535 = arith.constant 0 : i32
        %dma_start3A_536 = tpu.memref_slice %arg8[%add3A_534, %dma_start3A_535] : memref<80x128xi32, #tpu.memory_space<vmem>> -> memref<1x128xi32, #tpu.memory_space<vmem>>
        %dma_start3A_537 = tpu.memref_squeeze %dma_start3A_536 : memref<1x128xi32, #tpu.memory_space<vmem>> -> memref<128xi32, #tpu.memory_space<vmem>>
        %dma_start3A_538 = arith.constant 0 : i32
        %dma_start3A_539 = arith.constant 0 : i32
        %dma_start3A_540 = tpu.memref_slice %arg41[%dma_start3A_538, %dma_start3A_539] : memref<10240x16xf32, #tpu.memory_space<vmem_shared>> -> memref<10240x16xf32, #tpu.memory_space<vmem_shared>>
        tpu.enqueue_indirect_dma source(%dma_start3A_540 : memref<10240x16xf32, #tpu.memory_space<vmem_shared>>) target(%arg17 : memref<128x16xf32, #tpu.memory_space<vmem>>) offsets(%dma_start3A_537 : memref<128xi32, #tpu.memory_space<vmem>>) semaphore(%arg26 : memref<!tpu.dma_semaphore, #tpu.memory_space<semaphore_mem>>)
      } else {
      }
      %add3A_446 = arith.constant 3 : i32
      %add3A_447 = arith.addi %mul3A_267, %add3A_446 : i32
      %dma_wait3A_448 = arith.constant 0 : i32
      %dma_wait3A_449 = tpu.memref_slice %arg9[%add3A_447, %dma_wait3A_448] : memref<80x128xi32, #tpu.memory_space<vmem>> -> memref<1x128xi32, #tpu.memory_space<vmem>>
      %dma_wait3A_450 = tpu.memref_squeeze %dma_wait3A_449 : memref<1x128xi32, #tpu.memory_space<vmem>> -> memref<128xi32, #tpu.memory_space<vmem>>
      %dma_wait3A_451 = arith.constant 0 : i32
      %dma_wait3A_452 = arith.constant 0 : i32
      %dma_wait3A_453 = tpu.memref_slice %arg42[%dma_wait3A_451, %dma_wait3A_452] : memref<10240x16xf32, #tpu.memory_space<vmem_shared>> -> memref<10240x16xf32, #tpu.memory_space<vmem_shared>>
      tpu.wait_indirect_dma semaphore(%arg35 : memref<!tpu.dma_semaphore, #tpu.memory_space<semaphore_mem>>) src(%arg18 : memref<128x16xf32, #tpu.memory_space<vmem>>) dst(%dma_wait3A_453 : memref<10240x16xf32, #tpu.memory_space<vmem_shared>>)
      %add3A_454 = arith.constant 8 : i32
      %add3A_455 = arith.addi %mul3A_267, %add3A_454 : i32
      %add3A_456 = arith.constant 3 : i32
      %add3A_457 = arith.addi %add3A_455, %add3A_456 : i32
      %lt3A_458 = arith.constant 80 : i32
      %lt3A_459 = arith.cmpi slt, %add3A_457, %lt3A_458 : i32
      %convert_element_type3A_460 = arith.extui %lt3A_459 : i1 to i32
      %cond3A_461 = arith.constant 0 : i32
      %cond3A_462 = arith.cmpi ne, %convert_element_type3A_460, %cond3A_461 : i32
      scf.if %cond3A_462 {
        %add3A_531 = arith.constant 8 : i32
        %add3A_532 = arith.addi %mul3A_267, %add3A_531 : i32
        %add3A_533 = arith.constant 3 : i32
        %add3A_534 = arith.addi %add3A_532, %add3A_533 : i32
        %dma_start3A_535 = arith.constant 0 : i32
        %dma_start3A_536 = tpu.memref_slice %arg8[%add3A_534, %dma_start3A_535] : memref<80x128xi32, #tpu.memory_space<vmem>> -> memref<1x128xi32, #tpu.memory_space<vmem>>
        %dma_start3A_537 = tpu.memref_squeeze %dma_start3A_536 : memref<1x128xi32, #tpu.memory_space<vmem>> -> memref<128xi32, #tpu.memory_space<vmem>>
        %dma_start3A_538 = arith.constant 0 : i32
        %dma_start3A_539 = arith.constant 0 : i32
        %dma_start3A_540 = tpu.memref_slice %arg41[%dma_start3A_538, %dma_start3A_539] : memref<10240x16xf32, #tpu.memory_space<vmem_shared>> -> memref<10240x16xf32, #tpu.memory_space<vmem_shared>>
        tpu.enqueue_indirect_dma source(%dma_start3A_540 : memref<10240x16xf32, #tpu.memory_space<vmem_shared>>) target(%arg18 : memref<128x16xf32, #tpu.memory_space<vmem>>) offsets(%dma_start3A_537 : memref<128xi32, #tpu.memory_space<vmem>>) semaphore(%arg27 : memref<!tpu.dma_semaphore, #tpu.memory_space<semaphore_mem>>)
      } else {
      }
      %add3A_463 = arith.constant 4 : i32
      %add3A_464 = arith.addi %mul3A_267, %add3A_463 : i32
      %dma_wait3A_465 = arith.constant 0 : i32
      %dma_wait3A_466 = tpu.memref_slice %arg9[%add3A_464, %dma_wait3A_465] : memref<80x128xi32, #tpu.memory_space<vmem>> -> memref<1x128xi32, #tpu.memory_space<vmem>>
      %dma_wait3A_467 = tpu.memref_squeeze %dma_wait3A_466 : memref<1x128xi32, #tpu.memory_space<vmem>> -> memref<128xi32, #tpu.memory_space<vmem>>
      %dma_wait3A_468 = arith.constant 0 : i32
      %dma_wait3A_469 = arith.constant 0 : i32
      %dma_wait3A_470 = tpu.memref_slice %arg42[%dma_wait3A_468, %dma_wait3A_469] : memref<10240x16xf32, #tpu.memory_space<vmem_shared>> -> memref<10240x16xf32, #tpu.memory_space<vmem_shared>>
      tpu.wait_indirect_dma semaphore(%arg36 : memref<!tpu.dma_semaphore, #tpu.memory_space<semaphore_mem>>) src(%arg19 : memref<128x16xf32, #tpu.memory_space<vmem>>) dst(%dma_wait3A_470 : memref<10240x16xf32, #tpu.memory_space<vmem_shared>>)
      %add3A_471 = arith.constant 8 : i32
      %add3A_472 = arith.addi %mul3A_267, %add3A_471 : i32
      %add3A_473 = arith.constant 4 : i32
      %add3A_474 = arith.addi %add3A_472, %add3A_473 : i32
      %lt3A_475 = arith.constant 80 : i32
      %lt3A_476 = arith.cmpi slt, %add3A_474, %lt3A_475 : i32
      %convert_element_type3A_477 = arith.extui %lt3A_476 : i1 to i32
      %cond3A_478 = arith.constant 0 : i32
      %cond3A_479 = arith.cmpi ne, %convert_element_type3A_477, %cond3A_478 : i32
      scf.if %cond3A_479 {
        %add3A_531 = arith.constant 8 : i32
        %add3A_532 = arith.addi %mul3A_267, %add3A_531 : i32
        %add3A_533 = arith.constant 4 : i32
        %add3A_534 = arith.addi %add3A_532, %add3A_533 : i32
        %dma_start3A_535 = arith.constant 0 : i32
        %dma_start3A_536 = tpu.memref_slice %arg8[%add3A_534, %dma_start3A_535] : memref<80x128xi32, #tpu.memory_space<vmem>> -> memref<1x128xi32, #tpu.memory_space<vmem>>
        %dma_start3A_537 = tpu.memref_squeeze %dma_start3A_536 : memref<1x128xi32, #tpu.memory_space<vmem>> -> memref<128xi32, #tpu.memory_space<vmem>>
        %dma_start3A_538 = arith.constant 0 : i32
        %dma_start3A_539 = arith.constant 0 : i32
        %dma_start3A_540 = tpu.memref_slice %arg41[%dma_start3A_538, %dma_start3A_539] : memref<10240x16xf32, #tpu.memory_space<vmem_shared>> -> memref<10240x16xf32, #tpu.memory_space<vmem_shared>>
        tpu.enqueue_indirect_dma source(%dma_start3A_540 : memref<10240x16xf32, #tpu.memory_space<vmem_shared>>) target(%arg19 : memref<128x16xf32, #tpu.memory_space<vmem>>) offsets(%dma_start3A_537 : memref<128xi32, #tpu.memory_space<vmem>>) semaphore(%arg28 : memref<!tpu.dma_semaphore, #tpu.memory_space<semaphore_mem>>)
      } else {
      }
      %add3A_480 = arith.constant 5 : i32
      %add3A_481 = arith.addi %mul3A_267, %add3A_480 : i32
      %dma_wait3A_482 = arith.constant 0 : i32
      %dma_wait3A_483 = tpu.memref_slice %arg9[%add3A_481, %dma_wait3A_482] : memref<80x128xi32, #tpu.memory_space<vmem>> -> memref<1x128xi32, #tpu.memory_space<vmem>>
      %dma_wait3A_484 = tpu.memref_squeeze %dma_wait3A_483 : memref<1x128xi32, #tpu.memory_space<vmem>> -> memref<128xi32, #tpu.memory_space<vmem>>
      %dma_wait3A_485 = arith.constant 0 : i32
      %dma_wait3A_486 = arith.constant 0 : i32
      %dma_wait3A_487 = tpu.memref_slice %arg42[%dma_wait3A_485, %dma_wait3A_486] : memref<10240x16xf32, #tpu.memory_space<vmem_shared>> -> memref<10240x16xf32, #tpu.memory_space<vmem_shared>>
      tpu.wait_indirect_dma semaphore(%arg37 : memref<!tpu.dma_semaphore, #tpu.memory_space<semaphore_mem>>) src(%arg20 : memref<128x16xf32, #tpu.memory_space<vmem>>) dst(%dma_wait3A_487 : memref<10240x16xf32, #tpu.memory_space<vmem_shared>>)
      %add3A_488 = arith.constant 8 : i32
      %add3A_489 = arith.addi %mul3A_267, %add3A_488 : i32
      %add3A_490 = arith.constant 5 : i32
      %add3A_491 = arith.addi %add3A_489, %add3A_490 : i32
      %lt3A_492 = arith.constant 80 : i32
      %lt3A_493 = arith.cmpi slt, %add3A_491, %lt3A_492 : i32
      %convert_element_type3A_494 = arith.extui %lt3A_493 : i1 to i32
      %cond3A_495 = arith.constant 0 : i32
      %cond3A_496 = arith.cmpi ne, %convert_element_type3A_494, %cond3A_495 : i32
      scf.if %cond3A_496 {
        %add3A_531 = arith.constant 8 : i32
        %add3A_532 = arith.addi %mul3A_267, %add3A_531 : i32
        %add3A_533 = arith.constant 5 : i32
        %add3A_534 = arith.addi %add3A_532, %add3A_533 : i32
        %dma_start3A_535 = arith.constant 0 : i32
        %dma_start3A_536 = tpu.memref_slice %arg8[%add3A_534, %dma_start3A_535] : memref<80x128xi32, #tpu.memory_space<vmem>> -> memref<1x128xi32, #tpu.memory_space<vmem>>
        %dma_start3A_537 = tpu.memref_squeeze %dma_start3A_536 : memref<1x128xi32, #tpu.memory_space<vmem>> -> memref<128xi32, #tpu.memory_space<vmem>>
        %dma_start3A_538 = arith.constant 0 : i32
        %dma_start3A_539 = arith.constant 0 : i32
        %dma_start3A_540 = tpu.memref_slice %arg41[%dma_start3A_538, %dma_start3A_539] : memref<10240x16xf32, #tpu.memory_space<vmem_shared>> -> memref<10240x16xf32, #tpu.memory_space<vmem_shared>>
        tpu.enqueue_indirect_dma source(%dma_start3A_540 : memref<10240x16xf32, #tpu.memory_space<vmem_shared>>) target(%arg20 : memref<128x16xf32, #tpu.memory_space<vmem>>) offsets(%dma_start3A_537 : memref<128xi32, #tpu.memory_space<vmem>>) semaphore(%arg29 : memref<!tpu.dma_semaphore, #tpu.memory_space<semaphore_mem>>)
      } else {
      }
      %add3A_497 = arith.constant 6 : i32
      %add3A_498 = arith.addi %mul3A_267, %add3A_497 : i32
      %dma_wait3A_499 = arith.constant 0 : i32
      %dma_wait3A_500 = tpu.memref_slice %arg9[%add3A_498, %dma_wait3A_499] : memref<80x128xi32, #tpu.memory_space<vmem>> -> memref<1x128xi32, #tpu.memory_space<vmem>>
      %dma_wait3A_501 = tpu.memref_squeeze %dma_wait3A_500 : memref<1x128xi32, #tpu.memory_space<vmem>> -> memref<128xi32, #tpu.memory_space<vmem>>
      %dma_wait3A_502 = arith.constant 0 : i32
      %dma_wait3A_503 = arith.constant 0 : i32
      %dma_wait3A_504 = tpu.memref_slice %arg42[%dma_wait3A_502, %dma_wait3A_503] : memref<10240x16xf32, #tpu.memory_space<vmem_shared>> -> memref<10240x16xf32, #tpu.memory_space<vmem_shared>>
      tpu.wait_indirect_dma semaphore(%arg38 : memref<!tpu.dma_semaphore, #tpu.memory_space<semaphore_mem>>) src(%arg21 : memref<128x16xf32, #tpu.memory_space<vmem>>) dst(%dma_wait3A_504 : memref<10240x16xf32, #tpu.memory_space<vmem_shared>>)
      %add3A_505 = arith.constant 8 : i32
      %add3A_506 = arith.addi %mul3A_267, %add3A_505 : i32
      %add3A_507 = arith.constant 6 : i32
      %add3A_508 = arith.addi %add3A_506, %add3A_507 : i32
      %lt3A_509 = arith.constant 80 : i32
      %lt3A_510 = arith.cmpi slt, %add3A_508, %lt3A_509 : i32
      %convert_element_type3A_511 = arith.extui %lt3A_510 : i1 to i32
      %cond3A_512 = arith.constant 0 : i32
      %cond3A_513 = arith.cmpi ne, %convert_element_type3A_511, %cond3A_512 : i32
      scf.if %cond3A_513 {
        %add3A_531 = arith.constant 8 : i32
        %add3A_532 = arith.addi %mul3A_267, %add3A_531 : i32
        %add3A_533 = arith.constant 6 : i32
        %add3A_534 = arith.addi %add3A_532, %add3A_533 : i32
        %dma_start3A_535 = arith.constant 0 : i32
        %dma_start3A_536 = tpu.memref_slice %arg8[%add3A_534, %dma_start3A_535] : memref<80x128xi32, #tpu.memory_space<vmem>> -> memref<1x128xi32, #tpu.memory_space<vmem>>
        %dma_start3A_537 = tpu.memref_squeeze %dma_start3A_536 : memref<1x128xi32, #tpu.memory_space<vmem>> -> memref<128xi32, #tpu.memory_space<vmem>>
        %dma_start3A_538 = arith.constant 0 : i32
        %dma_start3A_539 = arith.constant 0 : i32
        %dma_start3A_540 = tpu.memref_slice %arg41[%dma_start3A_538, %dma_start3A_539] : memref<10240x16xf32, #tpu.memory_space<vmem_shared>> -> memref<10240x16xf32, #tpu.memory_space<vmem_shared>>
        tpu.enqueue_indirect_dma source(%dma_start3A_540 : memref<10240x16xf32, #tpu.memory_space<vmem_shared>>) target(%arg21 : memref<128x16xf32, #tpu.memory_space<vmem>>) offsets(%dma_start3A_537 : memref<128xi32, #tpu.memory_space<vmem>>) semaphore(%arg30 : memref<!tpu.dma_semaphore, #tpu.memory_space<semaphore_mem>>)
      } else {
      }
      %add3A_514 = arith.constant 7 : i32
      %add3A_515 = arith.addi %mul3A_267, %add3A_514 : i32
      %dma_wait3A_516 = arith.constant 0 : i32
      %dma_wait3A_517 = tpu.memref_slice %arg9[%add3A_515, %dma_wait3A_516] : memref<80x128xi32, #tpu.memory_space<vmem>> -> memref<1x128xi32, #tpu.memory_space<vmem>>
      %dma_wait3A_518 = tpu.memref_squeeze %dma_wait3A_517 : memref<1x128xi32, #tpu.memory_space<vmem>> -> memref<128xi32, #tpu.memory_space<vmem>>
      %dma_wait3A_519 = arith.constant 0 : i32
      %dma_wait3A_520 = arith.constant 0 : i32
      %dma_wait3A_521 = tpu.memref_slice %arg42[%dma_wait3A_519, %dma_wait3A_520] : memref<10240x16xf32, #tpu.memory_space<vmem_shared>> -> memref<10240x16xf32, #tpu.memory_space<vmem_shared>>
      tpu.wait_indirect_dma semaphore(%arg39 : memref<!tpu.dma_semaphore, #tpu.memory_space<semaphore_mem>>) src(%arg22 : memref<128x16xf32, #tpu.memory_space<vmem>>) dst(%dma_wait3A_521 : memref<10240x16xf32, #tpu.memory_space<vmem_shared>>)
      %add3A_522 = arith.constant 8 : i32
      %add3A_523 = arith.addi %mul3A_267, %add3A_522 : i32
      %add3A_524 = arith.constant 7 : i32
      %add3A_525 = arith.addi %add3A_523, %add3A_524 : i32
      %lt3A_526 = arith.constant 80 : i32
      %lt3A_527 = arith.cmpi slt, %add3A_525, %lt3A_526 : i32
      %convert_element_type3A_528 = arith.extui %lt3A_527 : i1 to i32
      %cond3A_529 = arith.constant 0 : i32
      %cond3A_530 = arith.cmpi ne, %convert_element_type3A_528, %cond3A_529 : i32
      scf.if %cond3A_530 {
        %add3A_531 = arith.constant 8 : i32
        %add3A_532 = arith.addi %mul3A_267, %add3A_531 : i32
        %add3A_533 = arith.constant 7 : i32
        %add3A_534 = arith.addi %add3A_532, %add3A_533 : i32
        %dma_start3A_535 = arith.constant 0 : i32
        %dma_start3A_536 = tpu.memref_slice %arg8[%add3A_534, %dma_start3A_535] : memref<80x128xi32, #tpu.memory_space<vmem>> -> memref<1x128xi32, #tpu.memory_space<vmem>>
        %dma_start3A_537 = tpu.memref_squeeze %dma_start3A_536 : memref<1x128xi32, #tpu.memory_space<vmem>> -> memref<128xi32, #tpu.memory_space<vmem>>
        %dma_start3A_538 = arith.constant 0 : i32
        %dma_start3A_539 = arith.constant 0 : i32
        %dma_start3A_540 = tpu.memref_slice %arg41[%dma_start3A_538, %dma_start3A_539] : memref<10240x16xf32, #tpu.memory_space<vmem_shared>> -> memref<10240x16xf32, #tpu.memory_space<vmem_shared>>
        tpu.enqueue_indirect_dma source(%dma_start3A_540 : memref<10240x16xf32, #tpu.memory_space<vmem_shared>>) target(%arg22 : memref<128x16xf32, #tpu.memory_space<vmem>>) offsets(%dma_start3A_537 : memref<128xi32, #tpu.memory_space<vmem>>) semaphore(%arg31 : memref<!tpu.dma_semaphore, #tpu.memory_space<semaphore_mem>>)
      } else {
      }
    }
    %scan3A_257 = arith.constant 10 : i32
    %barrier3A_258 = arith.constant 0 : index
    tpu.barrier barrier_id(%barrier3A_258)
    "tpu.region"() ({
      %run_scoped3A = tpu.sem_alloc : memref<!tpu.dma_semaphore, #tpu.memory_space<semaphore_mem>>
      %dma_start3A_265 = arith.constant 0 : i32
      %dma_start3A_266 = tpu.memref_slice %arg42[%mul3A_2, %dma_start3A_265] : memref<10240x16xf32, #tpu.memory_space<vmem_shared>> -> memref<640x16xf32, #tpu.memory_space<vmem_shared>>
      %dma_start3A_267 = arith.constant 0 : i32
      %dma_start3A_268 = tpu.memref_slice %arg42[%mul3A_2, %dma_start3A_267] : memref<10240x16xf32, #tpu.memory_space<vmem_shared>> -> memref<640x16xf32, #tpu.memory_space<vmem_shared>>
      tpu.enqueue_dma source(%dma_start3A_268 : memref<640x16xf32, #tpu.memory_space<vmem_shared>>) target(%arg11 : memref<640x16xf32, #tpu.memory_space<vmem>>) target_semaphore(%run_scoped3A : memref<!tpu.dma_semaphore, #tpu.memory_space<semaphore_mem>>)
      %dma_wait3A_269 = arith.constant 0 : i32
      %dma_wait3A_270 = tpu.memref_slice %arg42[%mul3A_2, %dma_wait3A_269] : memref<10240x16xf32, #tpu.memory_space<vmem_shared>> -> memref<640x16xf32, #tpu.memory_space<vmem_shared>>
      %dma_wait3A_271 = arith.constant 0 : i32
      %dma_wait3A_272 = tpu.memref_slice %arg42[%mul3A_2, %dma_wait3A_271] : memref<10240x16xf32, #tpu.memory_space<vmem_shared>> -> memref<640x16xf32, #tpu.memory_space<vmem_shared>>
      tpu.wait_dma2 semaphore(%run_scoped3A : memref<!tpu.dma_semaphore, #tpu.memory_space<semaphore_mem>>) src(%dma_wait3A_272 : memref<640x16xf32, #tpu.memory_space<vmem_shared>>) dst(%arg11 : memref<640x16xf32, #tpu.memory_space<vmem>>)
      tpu.yield
    }) : () -> ()
    %scan3A_259 = arith.constant 0 : i32
    %scan3A_260 = arith.constant 0 : i32
    %scan3A_261 = arith.constant 40 : i32
    %scan3A_262 = arith.addi %scan3A_260, %scan3A_261 : i32
    %scan3A_263 = arith.constant 1 : i32
    scf.for %scan3A_265 = %scan3A_260 to %scan3A_262 step %scan3A_263  : i32 {
      %mul3A_266 = arith.constant 16 : i32
      %mul3A_267 = arith.muli %scan3A_265, %mul3A_266 : i32
      %get3A = arith.index_cast %mul3A_267 : i32 to index
      %get3A_268 = tpu.vector_load %arg13[%get3A] {strides = array<i32>} : memref<640xf32, #tpu.memory_space<vmem>>, vector<16xf32>,
      %mul3A_269 = arith.constant 16 : i32
      %mul3A_270 = arith.muli %scan3A_265, %mul3A_269 : i32
      %add3A_271 = arith.constant 0 : i32
      %add3A_272 = arith.addi %mul3A_270, %add3A_271 : i32
      %get3A_273 = arith.index_cast %add3A_272 : i32 to index
      %get3A_274 = arith.constant 0 : index
      %get3A_275 = tpu.vector_load %arg11[%get3A_273, %get3A_274] {strides = array<i32>} : memref<640x16xf32, #tpu.memory_space<vmem>>, vector<16xf32>,
      %slice3A = vector.extract_strided_slice %get3A_268 {offsets = [0], sizes = [1], strides = [1]} : vector<16xf32> to vector<1xf32>
      %squeeze3A = vector.extract %slice3A[0] : f32 from vector<1xf32>
      %mul3A_276 = vector.broadcast %squeeze3A : f32 to vector<16xf32>
      %mul3A_277 = arith.mulf %get3A_275, %mul3A_276 : vector<16xf32>
      %mul3A_278 = arith.constant 2 : i32
      %mul3A_279 = arith.muli %mul3A_278, %scan3A_265 : i32
      %add3A_280 = arith.constant 0 : i32
      %add3A_281 = arith.addi %mul3A_279, %add3A_280 : i32
      %swap3A = arith.index_cast %add3A_281 : i32 to index
      %swap3A_282 = arith.constant 0 : index
      %swap3A_283 = tpu.vector_load %arg12[%swap3A, %swap3A_282] {strides = array<i32>} : memref<80x128xf32, #tpu.memory_space<vmem>>, vector<16xf32>,
      tpu.vector_store %arg12[%swap3A, %swap3A_282], %mul3A_277 {strides = array<i32>} : memref<80x128xf32, #tpu.memory_space<vmem>>, vector<16xf32>,
      %mul3A_284 = arith.constant 16 : i32
      %mul3A_285 = arith.muli %scan3A_265, %mul3A_284 : i32
      %add3A_286 = arith.constant 1 : i32
      %add3A_287 = arith.addi %mul3A_285, %add3A_286 : i32
      %get3A_288 = arith.index_cast %add3A_287 : i32 to index
      %get3A_289 = arith.constant 0 : index
      %get3A_290 = tpu.vector_load %arg11[%get3A_288, %get3A_289] {strides = array<i32>} : memref<640x16xf32, #tpu.memory_space<vmem>>, vector<16xf32>,
      %slice3A_291 = vector.extract_strided_slice %get3A_268 {offsets = [1], sizes = [1], strides = [1]} : vector<16xf32> to vector<1xf32>
      %squeeze3A_292 = vector.extract %slice3A_291[0] : f32 from vector<1xf32>
      %mul3A_293 = vector.broadcast %squeeze3A_292 : f32 to vector<16xf32>
      %mul3A_294 = arith.mulf %get3A_290, %mul3A_293 : vector<16xf32>
      %mul3A_295 = arith.constant 2 : i32
      %mul3A_296 = arith.muli %mul3A_295, %scan3A_265 : i32
      %add3A_297 = arith.constant 0 : i32
      %add3A_298 = arith.addi %mul3A_296, %add3A_297 : i32
      %swap3A_299 = arith.index_cast %add3A_298 : i32 to index
      %swap3A_300 = arith.constant 16 : index
      %swap3A_301 = tpu.vector_load %arg12[%swap3A_299, %swap3A_300] {strides = array<i32>} : memref<80x128xf32, #tpu.memory_space<vmem>>, vector<16xf32>,
      tpu.vector_store %arg12[%swap3A_299, %swap3A_300], %mul3A_294 {strides = array<i32>} : memref<80x128xf32, #tpu.memory_space<vmem>>, vector<16xf32>,
      %mul3A_302 = arith.constant 16 : i32
      %mul3A_303 = arith.muli %scan3A_265, %mul3A_302 : i32
      %add3A_304 = arith.constant 2 : i32
      %add3A_305 = arith.addi %mul3A_303, %add3A_304 : i32
      %get3A_306 = arith.index_cast %add3A_305 : i32 to index
      %get3A_307 = arith.constant 0 : index
      %get3A_308 = tpu.vector_load %arg11[%get3A_306, %get3A_307] {strides = array<i32>} : memref<640x16xf32, #tpu.memory_space<vmem>>, vector<16xf32>,
      %slice3A_309 = vector.extract_strided_slice %get3A_268 {offsets = [2], sizes = [1], strides = [1]} : vector<16xf32> to vector<1xf32>
      %squeeze3A_310 = vector.extract %slice3A_309[0] : f32 from vector<1xf32>
      %mul3A_311 = vector.broadcast %squeeze3A_310 : f32 to vector<16xf32>
      %mul3A_312 = arith.mulf %get3A_308, %mul3A_311 : vector<16xf32>
      %mul3A_313 = arith.constant 2 : i32
      %mul3A_314 = arith.muli %mul3A_313, %scan3A_265 : i32
      %add3A_315 = arith.constant 0 : i32
      %add3A_316 = arith.addi %mul3A_314, %add3A_315 : i32
      %swap3A_317 = arith.index_cast %add3A_316 : i32 to index
      %swap3A_318 = arith.constant 32 : index
      %swap3A_319 = tpu.vector_load %arg12[%swap3A_317, %swap3A_318] {strides = array<i32>} : memref<80x128xf32, #tpu.memory_space<vmem>>, vector<16xf32>,
      tpu.vector_store %arg12[%swap3A_317, %swap3A_318], %mul3A_312 {strides = array<i32>} : memref<80x128xf32, #tpu.memory_space<vmem>>, vector<16xf32>,
      %mul3A_320 = arith.constant 16 : i32
      %mul3A_321 = arith.muli %scan3A_265, %mul3A_320 : i32
      %add3A_322 = arith.constant 3 : i32
      %add3A_323 = arith.addi %mul3A_321, %add3A_322 : i32
      %get3A_324 = arith.index_cast %add3A_323 : i32 to index
      %get3A_325 = arith.constant 0 : index
      %get3A_326 = tpu.vector_load %arg11[%get3A_324, %get3A_325] {strides = array<i32>} : memref<640x16xf32, #tpu.memory_space<vmem>>, vector<16xf32>,
      %slice3A_327 = vector.extract_strided_slice %get3A_268 {offsets = [3], sizes = [1], strides = [1]} : vector<16xf32> to vector<1xf32>
      %squeeze3A_328 = vector.extract %slice3A_327[0] : f32 from vector<1xf32>
      %mul3A_329 = vector.broadcast %squeeze3A_328 : f32 to vector<16xf32>
      %mul3A_330 = arith.mulf %get3A_326, %mul3A_329 : vector<16xf32>
      %mul3A_331 = arith.constant 2 : i32
      %mul3A_332 = arith.muli %mul3A_331, %scan3A_265 : i32
      %add3A_333 = arith.constant 0 : i32
      %add3A_334 = arith.addi %mul3A_332, %add3A_333 : i32
      %swap3A_335 = arith.index_cast %add3A_334 : i32 to index
      %swap3A_336 = arith.constant 48 : index
      %swap3A_337 = tpu.vector_load %arg12[%swap3A_335, %swap3A_336] {strides = array<i32>} : memref<80x128xf32, #tpu.memory_space<vmem>>, vector<16xf32>,
      tpu.vector_store %arg12[%swap3A_335, %swap3A_336], %mul3A_330 {strides = array<i32>} : memref<80x128xf32, #tpu.memory_space<vmem>>, vector<16xf32>,
      %mul3A_338 = arith.constant 16 : i32
      %mul3A_339 = arith.muli %scan3A_265, %mul3A_338 : i32
      %add3A_340 = arith.constant 4 : i32
      %add3A_341 = arith.addi %mul3A_339, %add3A_340 : i32
      %get3A_342 = arith.index_cast %add3A_341 : i32 to index
      %get3A_343 = arith.constant 0 : index
      %get3A_344 = tpu.vector_load %arg11[%get3A_342, %get3A_343] {strides = array<i32>} : memref<640x16xf32, #tpu.memory_space<vmem>>, vector<16xf32>,
      %slice3A_345 = vector.extract_strided_slice %get3A_268 {offsets = [4], sizes = [1], strides = [1]} : vector<16xf32> to vector<1xf32>
      %squeeze3A_346 = vector.extract %slice3A_345[0] : f32 from vector<1xf32>
      %mul3A_347 = vector.broadcast %squeeze3A_346 : f32 to vector<16xf32>
      %mul3A_348 = arith.mulf %get3A_344, %mul3A_347 : vector<16xf32>
      %mul3A_349 = arith.constant 2 : i32
      %mul3A_350 = arith.muli %mul3A_349, %scan3A_265 : i32
      %add3A_351 = arith.constant 0 : i32
      %add3A_352 = arith.addi %mul3A_350, %add3A_351 : i32
      %swap3A_353 = arith.index_cast %add3A_352 : i32 to index
      %swap3A_354 = arith.constant 64 : index
      %swap3A_355 = tpu.vector_load %arg12[%swap3A_353, %swap3A_354] {strides = array<i32>} : memref<80x128xf32, #tpu.memory_space<vmem>>, vector<16xf32>,
      tpu.vector_store %arg12[%swap3A_353, %swap3A_354], %mul3A_348 {strides = array<i32>} : memref<80x128xf32, #tpu.memory_space<vmem>>, vector<16xf32>,
      %mul3A_356 = arith.constant 16 : i32
      %mul3A_357 = arith.muli %scan3A_265, %mul3A_356 : i32
      %add3A_358 = arith.constant 5 : i32
      %add3A_359 = arith.addi %mul3A_357, %add3A_358 : i32
      %get3A_360 = arith.index_cast %add3A_359 : i32 to index
      %get3A_361 = arith.constant 0 : index
      %get3A_362 = tpu.vector_load %arg11[%get3A_360, %get3A_361] {strides = array<i32>} : memref<640x16xf32, #tpu.memory_space<vmem>>, vector<16xf32>,
      %slice3A_363 = vector.extract_strided_slice %get3A_268 {offsets = [5], sizes = [1], strides = [1]} : vector<16xf32> to vector<1xf32>
      %squeeze3A_364 = vector.extract %slice3A_363[0] : f32 from vector<1xf32>
      %mul3A_365 = vector.broadcast %squeeze3A_364 : f32 to vector<16xf32>
      %mul3A_366 = arith.mulf %get3A_362, %mul3A_365 : vector<16xf32>
      %mul3A_367 = arith.constant 2 : i32
      %mul3A_368 = arith.muli %mul3A_367, %scan3A_265 : i32
      %add3A_369 = arith.constant 0 : i32
      %add3A_370 = arith.addi %mul3A_368, %add3A_369 : i32
      %swap3A_371 = arith.index_cast %add3A_370 : i32 to index
      %swap3A_372 = arith.constant 80 : index
      %swap3A_373 = tpu.vector_load %arg12[%swap3A_371, %swap3A_372] {strides = array<i32>} : memref<80x128xf32, #tpu.memory_space<vmem>>, vector<16xf32>,
      tpu.vector_store %arg12[%swap3A_371, %swap3A_372], %mul3A_366 {strides = array<i32>} : memref<80x128xf32, #tpu.memory_space<vmem>>, vector<16xf32>,
      %mul3A_374 = arith.constant 16 : i32
      %mul3A_375 = arith.muli %scan3A_265, %mul3A_374 : i32
      %add3A_376 = arith.constant 6 : i32
      %add3A_377 = arith.addi %mul3A_375, %add3A_376 : i32
      %get3A_378 = arith.index_cast %add3A_377 : i32 to index
      %get3A_379 = arith.constant 0 : index
      %get3A_380 = tpu.vector_load %arg11[%get3A_378, %get3A_379] {strides = array<i32>} : memref<640x16xf32, #tpu.memory_space<vmem>>, vector<16xf32>,
      %slice3A_381 = vector.extract_strided_slice %get3A_268 {offsets = [6], sizes = [1], strides = [1]} : vector<16xf32> to vector<1xf32>
      %squeeze3A_382 = vector.extract %slice3A_381[0] : f32 from vector<1xf32>
      %mul3A_383 = vector.broadcast %squeeze3A_382 : f32 to vector<16xf32>
      %mul3A_384 = arith.mulf %get3A_380, %mul3A_383 : vector<16xf32>
      %mul3A_385 = arith.constant 2 : i32
      %mul3A_386 = arith.muli %mul3A_385, %scan3A_265 : i32
      %add3A_387 = arith.constant 0 : i32
      %add3A_388 = arith.addi %mul3A_386, %add3A_387 : i32
      %swap3A_389 = arith.index_cast %add3A_388 : i32 to index
      %swap3A_390 = arith.constant 96 : index
      %swap3A_391 = tpu.vector_load %arg12[%swap3A_389, %swap3A_390] {strides = array<i32>} : memref<80x128xf32, #tpu.memory_space<vmem>>, vector<16xf32>,
      tpu.vector_store %arg12[%swap3A_389, %swap3A_390], %mul3A_384 {strides = array<i32>} : memref<80x128xf32, #tpu.memory_space<vmem>>, vector<16xf32>,
      %mul3A_392 = arith.constant 16 : i32
      %mul3A_393 = arith.muli %scan3A_265, %mul3A_392 : i32
      %add3A_394 = arith.constant 7 : i32
      %add3A_395 = arith.addi %mul3A_393, %add3A_394 : i32
      %get3A_396 = arith.index_cast %add3A_395 : i32 to index
      %get3A_397 = arith.constant 0 : index
      %get3A_398 = tpu.vector_load %arg11[%get3A_396, %get3A_397] {strides = array<i32>} : memref<640x16xf32, #tpu.memory_space<vmem>>, vector<16xf32>,
      %slice3A_399 = vector.extract_strided_slice %get3A_268 {offsets = [7], sizes = [1], strides = [1]} : vector<16xf32> to vector<1xf32>
      %squeeze3A_400 = vector.extract %slice3A_399[0] : f32 from vector<1xf32>
      %mul3A_401 = vector.broadcast %squeeze3A_400 : f32 to vector<16xf32>
      %mul3A_402 = arith.mulf %get3A_398, %mul3A_401 : vector<16xf32>
      %mul3A_403 = arith.constant 2 : i32
      %mul3A_404 = arith.muli %mul3A_403, %scan3A_265 : i32
      %add3A_405 = arith.constant 0 : i32
      %add3A_406 = arith.addi %mul3A_404, %add3A_405 : i32
      %swap3A_407 = arith.index_cast %add3A_406 : i32 to index
      %swap3A_408 = arith.constant 112 : index
      %swap3A_409 = tpu.vector_load %arg12[%swap3A_407, %swap3A_408] {strides = array<i32>} : memref<80x128xf32, #tpu.memory_space<vmem>>, vector<16xf32>,
      tpu.vector_store %arg12[%swap3A_407, %swap3A_408], %mul3A_402 {strides = array<i32>} : memref<80x128xf32, #tpu.memory_space<vmem>>, vector<16xf32>,
      %mul3A_410 = arith.constant 16 : i32
      %mul3A_411 = arith.muli %scan3A_265, %mul3A_410 : i32
      %add3A_412 = arith.constant 8 : i32
      %add3A_413 = arith.addi %mul3A_411, %add3A_412 : i32
      %get3A_414 = arith.index_cast %add3A_413 : i32 to index
      %get3A_415 = arith.constant 0 : index
      %get3A_416 = tpu.vector_load %arg11[%get3A_414, %get3A_415] {strides = array<i32>} : memref<640x16xf32, #tpu.memory_space<vmem>>, vector<16xf32>,
      %slice3A_417 = vector.extract_strided_slice %get3A_268 {offsets = [8], sizes = [1], strides = [1]} : vector<16xf32> to vector<1xf32>
      %squeeze3A_418 = vector.extract %slice3A_417[0] : f32 from vector<1xf32>
      %mul3A_419 = vector.broadcast %squeeze3A_418 : f32 to vector<16xf32>
      %mul3A_420 = arith.mulf %get3A_416, %mul3A_419 : vector<16xf32>
      %mul3A_421 = arith.constant 2 : i32
      %mul3A_422 = arith.muli %mul3A_421, %scan3A_265 : i32
      %add3A_423 = arith.constant 1 : i32
      %add3A_424 = arith.addi %mul3A_422, %add3A_423 : i32
      %swap3A_425 = arith.index_cast %add3A_424 : i32 to index
      %swap3A_426 = arith.constant 0 : index
      %swap3A_427 = tpu.vector_load %arg12[%swap3A_425, %swap3A_426] {strides = array<i32>} : memref<80x128xf32, #tpu.memory_space<vmem>>, vector<16xf32>,
      tpu.vector_store %arg12[%swap3A_425, %swap3A_426], %mul3A_420 {strides = array<i32>} : memref<80x128xf32, #tpu.memory_space<vmem>>, vector<16xf32>,
      %mul3A_428 = arith.constant 16 : i32
      %mul3A_429 = arith.muli %scan3A_265, %mul3A_428 : i32
      %add3A_430 = arith.constant 9 : i32
      %add3A_431 = arith.addi %mul3A_429, %add3A_430 : i32
      %get3A_432 = arith.index_cast %add3A_431 : i32 to index
      %get3A_433 = arith.constant 0 : index
      %get3A_434 = tpu.vector_load %arg11[%get3A_432, %get3A_433] {strides = array<i32>} : memref<640x16xf32, #tpu.memory_space<vmem>>, vector<16xf32>,
      %slice3A_435 = vector.extract_strided_slice %get3A_268 {offsets = [9], sizes = [1], strides = [1]} : vector<16xf32> to vector<1xf32>
      %squeeze3A_436 = vector.extract %slice3A_435[0] : f32 from vector<1xf32>
      %mul3A_437 = vector.broadcast %squeeze3A_436 : f32 to vector<16xf32>
      %mul3A_438 = arith.mulf %get3A_434, %mul3A_437 : vector<16xf32>
      %mul3A_439 = arith.constant 2 : i32
      %mul3A_440 = arith.muli %mul3A_439, %scan3A_265 : i32
      %add3A_441 = arith.constant 1 : i32
      %add3A_442 = arith.addi %mul3A_440, %add3A_441 : i32
      %swap3A_443 = arith.index_cast %add3A_442 : i32 to index
      %swap3A_444 = arith.constant 16 : index
      %swap3A_445 = tpu.vector_load %arg12[%swap3A_443, %swap3A_444] {strides = array<i32>} : memref<80x128xf32, #tpu.memory_space<vmem>>, vector<16xf32>,
      tpu.vector_store %arg12[%swap3A_443, %swap3A_444], %mul3A_438 {strides = array<i32>} : memref<80x128xf32, #tpu.memory_space<vmem>>, vector<16xf32>,
      %mul3A_446 = arith.constant 16 : i32
      %mul3A_447 = arith.muli %scan3A_265, %mul3A_446 : i32
      %add3A_448 = arith.constant 10 : i32
      %add3A_449 = arith.addi %mul3A_447, %add3A_448 : i32
      %get3A_450 = arith.index_cast %add3A_449 : i32 to index
      %get3A_451 = arith.constant 0 : index
      %get3A_452 = tpu.vector_load %arg11[%get3A_450, %get3A_451] {strides = array<i32>} : memref<640x16xf32, #tpu.memory_space<vmem>>, vector<16xf32>,
      %slice3A_453 = vector.extract_strided_slice %get3A_268 {offsets = [10], sizes = [1], strides = [1]} : vector<16xf32> to vector<1xf32>
      %squeeze3A_454 = vector.extract %slice3A_453[0] : f32 from vector<1xf32>
      %mul3A_455 = vector.broadcast %squeeze3A_454 : f32 to vector<16xf32>
      %mul3A_456 = arith.mulf %get3A_452, %mul3A_455 : vector<16xf32>
      %mul3A_457 = arith.constant 2 : i32
      %mul3A_458 = arith.muli %mul3A_457, %scan3A_265 : i32
      %add3A_459 = arith.constant 1 : i32
      %add3A_460 = arith.addi %mul3A_458, %add3A_459 : i32
      %swap3A_461 = arith.index_cast %add3A_460 : i32 to index
      %swap3A_462 = arith.constant 32 : index
      %swap3A_463 = tpu.vector_load %arg12[%swap3A_461, %swap3A_462] {strides = array<i32>} : memref<80x128xf32, #tpu.memory_space<vmem>>, vector<16xf32>,
      tpu.vector_store %arg12[%swap3A_461, %swap3A_462], %mul3A_456 {strides = array<i32>} : memref<80x128xf32, #tpu.memory_space<vmem>>, vector<16xf32>,
      %mul3A_464 = arith.constant 16 : i32
      %mul3A_465 = arith.muli %scan3A_265, %mul3A_464 : i32
      %add3A_466 = arith.constant 11 : i32
      %add3A_467 = arith.addi %mul3A_465, %add3A_466 : i32
      %get3A_468 = arith.index_cast %add3A_467 : i32 to index
      %get3A_469 = arith.constant 0 : index
      %get3A_470 = tpu.vector_load %arg11[%get3A_468, %get3A_469] {strides = array<i32>} : memref<640x16xf32, #tpu.memory_space<vmem>>, vector<16xf32>,
      %slice3A_471 = vector.extract_strided_slice %get3A_268 {offsets = [11], sizes = [1], strides = [1]} : vector<16xf32> to vector<1xf32>
      %squeeze3A_472 = vector.extract %slice3A_471[0] : f32 from vector<1xf32>
      %mul3A_473 = vector.broadcast %squeeze3A_472 : f32 to vector<16xf32>
      %mul3A_474 = arith.mulf %get3A_470, %mul3A_473 : vector<16xf32>
      %mul3A_475 = arith.constant 2 : i32
      %mul3A_476 = arith.muli %mul3A_475, %scan3A_265 : i32
      %add3A_477 = arith.constant 1 : i32
      %add3A_478 = arith.addi %mul3A_476, %add3A_477 : i32
      %swap3A_479 = arith.index_cast %add3A_478 : i32 to index
      %swap3A_480 = arith.constant 48 : index
      %swap3A_481 = tpu.vector_load %arg12[%swap3A_479, %swap3A_480] {strides = array<i32>} : memref<80x128xf32, #tpu.memory_space<vmem>>, vector<16xf32>,
      tpu.vector_store %arg12[%swap3A_479, %swap3A_480], %mul3A_474 {strides = array<i32>} : memref<80x128xf32, #tpu.memory_space<vmem>>, vector<16xf32>,
      %mul3A_482 = arith.constant 16 : i32
      %mul3A_483 = arith.muli %scan3A_265, %mul3A_482 : i32
      %add3A_484 = arith.constant 12 : i32
      %add3A_485 = arith.addi %mul3A_483, %add3A_484 : i32
      %get3A_486 = arith.index_cast %add3A_485 : i32 to index
      %get3A_487 = arith.constant 0 : index
      %get3A_488 = tpu.vector_load %arg11[%get3A_486, %get3A_487] {strides = array<i32>} : memref<640x16xf32, #tpu.memory_space<vmem>>, vector<16xf32>,
      %slice3A_489 = vector.extract_strided_slice %get3A_268 {offsets = [12], sizes = [1], strides = [1]} : vector<16xf32> to vector<1xf32>
      %squeeze3A_490 = vector.extract %slice3A_489[0] : f32 from vector<1xf32>
      %mul3A_491 = vector.broadcast %squeeze3A_490 : f32 to vector<16xf32>
      %mul3A_492 = arith.mulf %get3A_488, %mul3A_491 : vector<16xf32>
      %mul3A_493 = arith.constant 2 : i32
      %mul3A_494 = arith.muli %mul3A_493, %scan3A_265 : i32
      %add3A_495 = arith.constant 1 : i32
      %add3A_496 = arith.addi %mul3A_494, %add3A_495 : i32
      %swap3A_497 = arith.index_cast %add3A_496 : i32 to index
      %swap3A_498 = arith.constant 64 : index
      %swap3A_499 = tpu.vector_load %arg12[%swap3A_497, %swap3A_498] {strides = array<i32>} : memref<80x128xf32, #tpu.memory_space<vmem>>, vector<16xf32>,
      tpu.vector_store %arg12[%swap3A_497, %swap3A_498], %mul3A_492 {strides = array<i32>} : memref<80x128xf32, #tpu.memory_space<vmem>>, vector<16xf32>,
      %mul3A_500 = arith.constant 16 : i32
      %mul3A_501 = arith.muli %scan3A_265, %mul3A_500 : i32
      %add3A_502 = arith.constant 13 : i32
      %add3A_503 = arith.addi %mul3A_501, %add3A_502 : i32
      %get3A_504 = arith.index_cast %add3A_503 : i32 to index
      %get3A_505 = arith.constant 0 : index
      %get3A_506 = tpu.vector_load %arg11[%get3A_504, %get3A_505] {strides = array<i32>} : memref<640x16xf32, #tpu.memory_space<vmem>>, vector<16xf32>,
      %slice3A_507 = vector.extract_strided_slice %get3A_268 {offsets = [13], sizes = [1], strides = [1]} : vector<16xf32> to vector<1xf32>
      %squeeze3A_508 = vector.extract %slice3A_507[0] : f32 from vector<1xf32>
      %mul3A_509 = vector.broadcast %squeeze3A_508 : f32 to vector<16xf32>
      %mul3A_510 = arith.mulf %get3A_506, %mul3A_509 : vector<16xf32>
      %mul3A_511 = arith.constant 2 : i32
      %mul3A_512 = arith.muli %mul3A_511, %scan3A_265 : i32
      %add3A_513 = arith.constant 1 : i32
      %add3A_514 = arith.addi %mul3A_512, %add3A_513 : i32
      %swap3A_515 = arith.index_cast %add3A_514 : i32 to index
      %swap3A_516 = arith.constant 80 : index
      %swap3A_517 = tpu.vector_load %arg12[%swap3A_515, %swap3A_516] {strides = array<i32>} : memref<80x128xf32, #tpu.memory_space<vmem>>, vector<16xf32>,
      tpu.vector_store %arg12[%swap3A_515, %swap3A_516], %mul3A_510 {strides = array<i32>} : memref<80x128xf32, #tpu.memory_space<vmem>>, vector<16xf32>,
      %mul3A_518 = arith.constant 16 : i32
      %mul3A_519 = arith.muli %scan3A_265, %mul3A_518 : i32
      %add3A_520 = arith.constant 14 : i32
      %add3A_521 = arith.addi %mul3A_519, %add3A_520 : i32
      %get3A_522 = arith.index_cast %add3A_521 : i32 to index
      %get3A_523 = arith.constant 0 : index
      %get3A_524 = tpu.vector_load %arg11[%get3A_522, %get3A_523] {strides = array<i32>} : memref<640x16xf32, #tpu.memory_space<vmem>>, vector<16xf32>,
      %slice3A_525 = vector.extract_strided_slice %get3A_268 {offsets = [14], sizes = [1], strides = [1]} : vector<16xf32> to vector<1xf32>
      %squeeze3A_526 = vector.extract %slice3A_525[0] : f32 from vector<1xf32>
      %mul3A_527 = vector.broadcast %squeeze3A_526 : f32 to vector<16xf32>
      %mul3A_528 = arith.mulf %get3A_524, %mul3A_527 : vector<16xf32>
      %mul3A_529 = arith.constant 2 : i32
      %mul3A_530 = arith.muli %mul3A_529, %scan3A_265 : i32
      %add3A_531 = arith.constant 1 : i32
      %add3A_532 = arith.addi %mul3A_530, %add3A_531 : i32
      %swap3A_533 = arith.index_cast %add3A_532 : i32 to index
      %swap3A_534 = arith.constant 96 : index
      %swap3A_535 = tpu.vector_load %arg12[%swap3A_533, %swap3A_534] {strides = array<i32>} : memref<80x128xf32, #tpu.memory_space<vmem>>, vector<16xf32>,
      tpu.vector_store %arg12[%swap3A_533, %swap3A_534], %mul3A_528 {strides = array<i32>} : memref<80x128xf32, #tpu.memory_space<vmem>>, vector<16xf32>,
      %mul3A_536 = arith.constant 16 : i32
      %mul3A_537 = arith.muli %scan3A_265, %mul3A_536 : i32
      %add3A_538 = arith.constant 15 : i32
      %add3A_539 = arith.addi %mul3A_537, %add3A_538 : i32
      %get3A_540 = arith.index_cast %add3A_539 : i32 to index
      %get3A_541 = arith.constant 0 : index
      %get3A_542 = tpu.vector_load %arg11[%get3A_540, %get3A_541] {strides = array<i32>} : memref<640x16xf32, #tpu.memory_space<vmem>>, vector<16xf32>,
      %slice3A_543 = vector.extract_strided_slice %get3A_268 {offsets = [15], sizes = [1], strides = [1]} : vector<16xf32> to vector<1xf32>
      %squeeze3A_544 = vector.extract %slice3A_543[0] : f32 from vector<1xf32>
      %mul3A_545 = vector.broadcast %squeeze3A_544 : f32 to vector<16xf32>
      %mul3A_546 = arith.mulf %get3A_542, %mul3A_545 : vector<16xf32>
      %mul3A_547 = arith.constant 2 : i32
      %mul3A_548 = arith.muli %mul3A_547, %scan3A_265 : i32
      %add3A_549 = arith.constant 1 : i32
      %add3A_550 = arith.addi %mul3A_548, %add3A_549 : i32
      %swap3A_551 = arith.index_cast %add3A_550 : i32 to index
      %swap3A_552 = arith.constant 112 : index
      %swap3A_553 = tpu.vector_load %arg12[%swap3A_551, %swap3A_552] {strides = array<i32>} : memref<80x128xf32, #tpu.memory_space<vmem>>, vector<16xf32>,
      tpu.vector_store %arg12[%swap3A_551, %swap3A_552], %mul3A_546 {strides = array<i32>} : memref<80x128xf32, #tpu.memory_space<vmem>>, vector<16xf32>,
    }
    %scan3A_264 = arith.constant 40 : i32
    "tpu.region"() ({
      %run_scoped3A = tpu.sem_alloc : memref<!tpu.dma_semaphore, #tpu.memory_space<semaphore_mem>>
      %dma_start3A_265 = arith.constant 0 : i32
      %dma_start3A_266 = tpu.memref_slice %arg7[%arg0, %mul3A_4, %dma_start3A_265] : memref<2x1280x128xf32, #tpu.memory_space<hbm>> -> memref<1x80x128xf32, #tpu.memory_space<hbm>>
      %dma_start3A_267 = tpu.memref_squeeze %dma_start3A_266 : memref<1x80x128xf32, #tpu.memory_space<hbm>> -> memref<80x128xf32, #tpu.memory_space<hbm>>
      %dma_start3A_268 = arith.constant 0 : i32
      %dma_start3A_269 = tpu.memref_slice %arg7[%arg0, %mul3A_4, %dma_start3A_268] : memref<2x1280x128xf32, #tpu.memory_space<hbm>> -> memref<1x80x128xf32, #tpu.memory_space<hbm>>
      %dma_start3A_270 = tpu.memref_squeeze %dma_start3A_269 : memref<1x80x128xf32, #tpu.memory_space<hbm>> -> memref<80x128xf32, #tpu.memory_space<hbm>>
      tpu.enqueue_dma source(%arg12 : memref<80x128xf32, #tpu.memory_space<vmem>>) target(%dma_start3A_270 : memref<80x128xf32, #tpu.memory_space<hbm>>) target_semaphore(%run_scoped3A : memref<!tpu.dma_semaphore, #tpu.memory_space<semaphore_mem>>)
      %dma_wait3A_271 = arith.constant 0 : i32
      %dma_wait3A_272 = tpu.memref_slice %arg7[%arg0, %mul3A_4, %dma_wait3A_271] : memref<2x1280x128xf32, #tpu.memory_space<hbm>> -> memref<1x80x128xf32, #tpu.memory_space<hbm>>
      %dma_wait3A_273 = tpu.memref_squeeze %dma_wait3A_272 : memref<1x80x128xf32, #tpu.memory_space<hbm>> -> memref<80x128xf32, #tpu.memory_space<hbm>>
      %dma_wait3A_274 = arith.constant 0 : i32
      %dma_wait3A_275 = tpu.memref_slice %arg7[%arg0, %mul3A_4, %dma_wait3A_274] : memref<2x1280x128xf32, #tpu.memory_space<hbm>> -> memref<1x80x128xf32, #tpu.memory_space<hbm>>
      %dma_wait3A_276 = tpu.memref_squeeze %dma_wait3A_275 : memref<1x80x128xf32, #tpu.memory_space<hbm>> -> memref<80x128xf32, #tpu.memory_space<hbm>>
      tpu.wait_dma2 semaphore(%run_scoped3A : memref<!tpu.dma_semaphore, #tpu.memory_space<semaphore_mem>>) src(%arg12 : memref<80x128xf32, #tpu.memory_space<vmem>>) dst(%dma_wait3A_276 : memref<80x128xf32, #tpu.memory_space<hbm>>)
      tpu.yield
    }) : () -> ()
    return
  }
}

module attributes {stable_mosaic.version = 14 : i64} {
  func.func @_mm_tc(%arg0: memref<1280x1024xf32, #tpu.memory_space<vmem>>, %arg1: memref<128x16xf32, #tpu.memory_space<vmem>>, %arg2: memref<1280x128xf32, #tpu.memory_space<vmem>>) attributes {dimension_semantics = [], scalar_prefetch = 0 : i64, scratch_operands = 0 : i64, tpu.core_type = #tpu.core_type<tc>} {
    %get3A = arith.constant 0 : index
    %get3A_0 = arith.constant 0 : index
    %get3A_1 = vector.load %arg1[%get3A, %get3A_0] : memref<128x16xf32, #tpu.memory_space<vmem>>, vector<128x16xf32>
    %tile3A = tpu.concatenate %get3A_1, %get3A_1, %get3A_1, %get3A_1, %get3A_1, %get3A_1, %get3A_1, %get3A_1 in 0 : vector<128x16xf32>, vector<128x16xf32>, vector<128x16xf32>, vector<128x16xf32>, vector<128x16xf32>, vector<128x16xf32>, vector<128x16xf32>, vector<128x16xf32> -> vector<1024x16xf32>
    %tile3A_2 = tpu.concatenate %tile3A, %tile3A, %tile3A, %tile3A, %tile3A, %tile3A, %tile3A, %tile3A in 1 : vector<1024x16xf32>, vector<1024x16xf32>, vector<1024x16xf32>, vector<1024x16xf32>, vector<1024x16xf32>, vector<1024x16xf32>, vector<1024x16xf32>, vector<1024x16xf32> -> vector<1024x128xf32>
    %iota3A = tpu.iota {dimensions = array<i32: 0>} : vector<1024x128xi32>
    %jit3A = arith.constant 128 : i32
    %div3A = vector.broadcast %jit3A : i32 to vector<1024x128xi32>
    %div3A_3 = arith.divsi %iota3A, %div3A : vector<1024x128xi32>
    %sign3A = arith.constant 0 : i32
    %sign3A_4 = vector.broadcast %sign3A : i32 to vector<1024x128xi32>
    %sign3A_5 = arith.cmpi sgt, %iota3A, %sign3A_4 : vector<1024x128xi32>
    %sign3A_6 = arith.extui %sign3A_5 : vector<1024x128xi1> to vector<1024x128xi32>
    %sign3A_7 = arith.constant 0 : i32
    %sign3A_8 = vector.broadcast %sign3A_7 : i32 to vector<1024x128xi32>
    %sign3A_9 = arith.cmpi slt, %iota3A, %sign3A_8 : vector<1024x128xi32>
    %sign3A_10 = arith.extui %sign3A_9 : vector<1024x128xi1> to vector<1024x128xi32>
    %sign3A_11 = arith.subi %sign3A_6, %sign3A_10 : vector<1024x128xi32>
    %sign3A_12 = arith.constant 0 : i32
    %sign3A_13 = arith.cmpi sgt, %jit3A, %sign3A_12 : i32
    %sign3A_14 = arith.extui %sign3A_13 : i1 to i32
    %sign3A_15 = arith.constant 0 : i32
    %sign3A_16 = arith.cmpi slt, %jit3A, %sign3A_15 : i32
    %sign3A_17 = arith.extui %sign3A_16 : i1 to i32
    %sign3A_18 = arith.subi %sign3A_14, %sign3A_17 : i32
    %ne3A = vector.broadcast %sign3A_18 : i32 to vector<1024x128xi32>
    %ne3A_19 = arith.cmpi ne, %sign3A_11, %ne3A : vector<1024x128xi32>
    %rem3A = vector.broadcast %jit3A : i32 to vector<1024x128xi32>
    %rem3A_20 = arith.remsi %iota3A, %rem3A : vector<1024x128xi32>
    %ne3A_21 = arith.constant 0 : i32
    %ne3A_22 = vector.broadcast %ne3A_21 : i32 to vector<1024x128xi32>
    %ne3A_23 = arith.cmpi ne, %rem3A_20, %ne3A_22 : vector<1024x128xi32>
    %and3A = arith.andi %ne3A_19, %ne3A_23 : vector<1024x128xi1>
    %sub3A = arith.constant 1 : i32
    %sub3A_24 = vector.broadcast %sub3A : i32 to vector<1024x128xi32>
    %sub3A_25 = arith.subi %div3A_3, %sub3A_24 : vector<1024x128xi32>
    %select_n3A = arith.select %and3A, %sub3A_25, %div3A_3 : vector<1024x128xi1>, vector<1024x128xi32>
    %iota3A_26 = tpu.iota {dimensions = array<i32: 1>} : vector<1024x128xi32>
    %jit3A_27 = arith.constant 16 : i32
    %div3A_28 = vector.broadcast %jit3A_27 : i32 to vector<1024x128xi32>
    %div3A_29 = arith.divsi %iota3A_26, %div3A_28 : vector<1024x128xi32>
    %sign3A_30 = arith.constant 0 : i32
    %sign3A_31 = vector.broadcast %sign3A_30 : i32 to vector<1024x128xi32>
    %sign3A_32 = arith.cmpi sgt, %iota3A_26, %sign3A_31 : vector<1024x128xi32>
    %sign3A_33 = arith.extui %sign3A_32 : vector<1024x128xi1> to vector<1024x128xi32>
    %sign3A_34 = arith.constant 0 : i32
    %sign3A_35 = vector.broadcast %sign3A_34 : i32 to vector<1024x128xi32>
    %sign3A_36 = arith.cmpi slt, %iota3A_26, %sign3A_35 : vector<1024x128xi32>
    %sign3A_37 = arith.extui %sign3A_36 : vector<1024x128xi1> to vector<1024x128xi32>
    %sign3A_38 = arith.subi %sign3A_33, %sign3A_37 : vector<1024x128xi32>
    %sign3A_39 = arith.constant 0 : i32
    %sign3A_40 = arith.cmpi sgt, %jit3A_27, %sign3A_39 : i32
    %sign3A_41 = arith.extui %sign3A_40 : i1 to i32
    %sign3A_42 = arith.constant 0 : i32
    %sign3A_43 = arith.cmpi slt, %jit3A_27, %sign3A_42 : i32
    %sign3A_44 = arith.extui %sign3A_43 : i1 to i32
    %sign3A_45 = arith.subi %sign3A_41, %sign3A_44 : i32
    %ne3A_46 = vector.broadcast %sign3A_45 : i32 to vector<1024x128xi32>
    %ne3A_47 = arith.cmpi ne, %sign3A_38, %ne3A_46 : vector<1024x128xi32>
    %rem3A_48 = vector.broadcast %jit3A_27 : i32 to vector<1024x128xi32>
    %rem3A_49 = arith.remsi %iota3A_26, %rem3A_48 : vector<1024x128xi32>
    %ne3A_50 = arith.constant 0 : i32
    %ne3A_51 = vector.broadcast %ne3A_50 : i32 to vector<1024x128xi32>
    %ne3A_52 = arith.cmpi ne, %rem3A_49, %ne3A_51 : vector<1024x128xi32>
    %and3A_53 = arith.andi %ne3A_47, %ne3A_52 : vector<1024x128xi1>
    %sub3A_54 = arith.constant 1 : i32
    %sub3A_55 = vector.broadcast %sub3A_54 : i32 to vector<1024x128xi32>
    %sub3A_56 = arith.subi %div3A_29, %sub3A_55 : vector<1024x128xi32>
    %select_n3A_57 = arith.select %and3A_53, %sub3A_56, %div3A_29 : vector<1024x128xi1>, vector<1024x128xi32>
    %eq3A = arith.cmpi eq, %select_n3A, %select_n3A_57 : vector<1024x128xi32>
    %jit3A_58 = arith.constant 0.000000e+00 : f32
    %broadcast_in_dim3A = vector.broadcast %jit3A_58 : f32 to vector<1024x128xf32>
    %select_n3A_59 = arith.select %eq3A, %tile3A_2, %broadcast_in_dim3A : vector<1024x128xi1>, vector<1024x128xf32>
    %get3A_60 = arith.constant 0 : index
    %get3A_61 = arith.constant 0 : index
    %get3A_62 = vector.load %arg0[%get3A_60, %get3A_61] : memref<1280x1024xf32, #tpu.memory_space<vmem>>, vector<1280x1024xf32>
    %dot_general3A = arith.constant dense<0.000000e+00> : vector<1280x128xf32>
    %dot_general3A_63 = tpu.matmul %get3A_62, %select_n3A_59, %dot_general3A {dimension_numbers = #tpu.dot_dimension_numbers<[1], [0], [0], [1], [0, 0, 1, 1], [], []>, transpose_lhs_hint = false} : vector<1280x1024xf32>, vector<1024x128xf32>, vector<1280x128xf32> -> vector<1280x128xf32>
    %swap3A = arith.constant 0 : index
    %swap3A_64 = arith.constant 0 : index
    %swap3A_65 = vector.load %arg2[%swap3A, %swap3A_64] : memref<1280x128xf32, #tpu.memory_space<vmem>>, vector<1280x128xf32>
    tpu.vector_store %arg2[%swap3A, %swap3A_64], %dot_general3A_63 {strides = array<i32>} : memref<1280x128xf32, #tpu.memory_space<vmem>>, vector<1280x128xf32>,
    return
  }
}

module attributes {stable_mosaic.version = 14 : i64} {
  func.func @_final_tc(%arg0: memref<2x1280x128xf32, #tpu.memory_space<vmem>>, %arg1: memref<1x128xf32, #tpu.memory_space<vmem>>, %arg2: memref<8x1280xi32, #tpu.memory_space<vmem>>, %arg3: memref<16x2xf32, #tpu.memory_space<vmem>>, %arg4: memref<1x2xf32, #tpu.memory_space<vmem>>, %arg5: memref<64x2xf32, #tpu.memory_space<vmem>>) attributes {dimension_semantics = [], scalar_prefetch = 0 : i64, scratch_operands = 0 : i64, tpu.core_type = #tpu.core_type<tc>} {
    %get3A = arith.constant 0 : index
    %get3A_0 = arith.constant 0 : index
    %get3A_1 = arith.constant 0 : index
    %get3A_2 = vector.load %arg0[%get3A, %get3A_0, %get3A_1] : memref<2x1280x128xf32, #tpu.memory_space<vmem>>, vector<1x1280x128xf32>
    %get3A_3 = vector.shape_cast %get3A_2 : vector<1x1280x128xf32> to vector<1280x128xf32>
    %get3A_4 = arith.constant 1 : index
    %get3A_5 = arith.constant 0 : index
    %get3A_6 = arith.constant 0 : index
    %get3A_7 = vector.load %arg0[%get3A_4, %get3A_5, %get3A_6] : memref<2x1280x128xf32, #tpu.memory_space<vmem>>, vector<1x1280x128xf32>
    %get3A_8 = vector.shape_cast %get3A_7 : vector<1x1280x128xf32> to vector<1280x128xf32>
    %add3A = arith.addf %get3A_3, %get3A_8 : vector<1280x128xf32>
    %get3A_9 = arith.constant 0 : index
    %get3A_10 = arith.constant 0 : index
    %get3A_11 = vector.load %arg1[%get3A_9, %get3A_10] : memref<1x128xf32, #tpu.memory_space<vmem>>, vector<1x128xf32>
    %add3A_12 = vector.broadcast %get3A_11 : vector<1x128xf32> to vector<1280x128xf32>
    %add3A_13 = arith.addf %add3A, %add3A_12 : vector<1280x128xf32>
    %max3A = arith.constant 0.000000e+00 : f32
    %max3A_14 = vector.broadcast %max3A : f32 to vector<1280x128xf32>
    %max3A_15 = arith.maximumf %add3A_13, %max3A_14 : vector<1280x128xf32>
    %iota3A = tpu.iota {dimensions = array<i32: 0>} : vector<64x1280xi32>
    %broadcast_in_dim3A = arith.constant 0.000000e+00 : f32
    %broadcast_in_dim3A_16 = vector.broadcast %broadcast_in_dim3A : f32 to vector<64x16xf32>
    %broadcast_in_dim3A_17 = arith.constant 0.000000e+00 : f32
    %broadcast_in_dim3A_18 = vector.broadcast %broadcast_in_dim3A_17 : f32 to vector<64x1xf32>
    %get3A_19 = arith.constant 0 : index
    %get3A_20 = arith.constant 0 : index
    %get3A_21 = vector.load %arg2[%get3A_19, %get3A_20] : memref<8x1280xi32, #tpu.memory_space<vmem>>, vector<1x1280xi32>
    %eq3A = vector.broadcast %get3A_21 : vector<1x1280xi32> to vector<64x1280xi32>
    %eq3A_22 = arith.cmpi eq, %eq3A, %iota3A : vector<64x1280xi32>
    %convert_element_type3A = arith.extui %eq3A_22 : vector<64x1280xi1> to vector<64x1280xi32>
    %convert_element_type3A_23 = arith.sitofp %convert_element_type3A : vector<64x1280xi32> to vector<64x1280xf32>
    %slice3A = vector.extract_strided_slice %max3A_15 {offsets = [0, 0], sizes = [1280, 16], strides = [1, 1]} : vector<1280x128xf32> to vector<1280x16xf32>
    %dot_general3A = arith.constant dense<0.000000e+00> : vector<64x16xf32>
    %dot_general3A_24 = tpu.matmul %convert_element_type3A_23, %slice3A, %dot_general3A {dimension_numbers = #tpu.dot_dimension_numbers<[1], [0], [0], [1], [0, 0, 1, 1], [], []>, transpose_lhs_hint = false} : vector<64x1280xf32>, vector<1280x16xf32>, vector<64x16xf32> -> vector<64x16xf32>
    %add3A_25 = arith.addf %broadcast_in_dim3A_16, %dot_general3A_24 : vector<64x16xf32>
    %reduce_sum3A = arith.constant dense<0.000000e+00> : vector<64xf32>
    %reduce_sum3A_26 = vector.multi_reduction <add>, %convert_element_type3A_23, %reduce_sum3A [1] : vector<64x1280xf32> to vector<64xf32>
    %broadcast_in_dim3A_27 = vector.shape_cast %reduce_sum3A_26 : vector<64xf32> to vector<64x1xf32>
    %add3A_28 = arith.addf %broadcast_in_dim3A_18, %broadcast_in_dim3A_27 : vector<64x1xf32>
    %get3A_29 = arith.constant 1 : index
    %get3A_30 = arith.constant 0 : index
    %get3A_31 = vector.load %arg2[%get3A_29, %get3A_30] : memref<8x1280xi32, #tpu.memory_space<vmem>>, vector<1x1280xi32>
    %eq3A_32 = vector.broadcast %get3A_31 : vector<1x1280xi32> to vector<64x1280xi32>
    %eq3A_33 = arith.cmpi eq, %eq3A_32, %iota3A : vector<64x1280xi32>
    %convert_element_type3A_34 = arith.extui %eq3A_33 : vector<64x1280xi1> to vector<64x1280xi32>
    %convert_element_type3A_35 = arith.sitofp %convert_element_type3A_34 : vector<64x1280xi32> to vector<64x1280xf32>
    %slice3A_36 = vector.extract_strided_slice %max3A_15 {offsets = [0, 16], sizes = [1280, 16], strides = [1, 1]} : vector<1280x128xf32> to vector<1280x16xf32>
    %dot_general3A_37 = arith.constant dense<0.000000e+00> : vector<64x16xf32>
    %dot_general3A_38 = tpu.matmul %convert_element_type3A_35, %slice3A_36, %dot_general3A_37 {dimension_numbers = #tpu.dot_dimension_numbers<[1], [0], [0], [1], [0, 0, 1, 1], [], []>, transpose_lhs_hint = false} : vector<64x1280xf32>, vector<1280x16xf32>, vector<64x16xf32> -> vector<64x16xf32>
    %add3A_39 = arith.addf %add3A_25, %dot_general3A_38 : vector<64x16xf32>
    %reduce_sum3A_40 = arith.constant dense<0.000000e+00> : vector<64xf32>
    %reduce_sum3A_41 = vector.multi_reduction <add>, %convert_element_type3A_35, %reduce_sum3A_40 [1] : vector<64x1280xf32> to vector<64xf32>
    %broadcast_in_dim3A_42 = vector.shape_cast %reduce_sum3A_41 : vector<64xf32> to vector<64x1xf32>
    %add3A_43 = arith.addf %add3A_28, %broadcast_in_dim3A_42 : vector<64x1xf32>
    %get3A_44 = arith.constant 2 : index
    %get3A_45 = arith.constant 0 : index
    %get3A_46 = vector.load %arg2[%get3A_44, %get3A_45] : memref<8x1280xi32, #tpu.memory_space<vmem>>, vector<1x1280xi32>
    %eq3A_47 = vector.broadcast %get3A_46 : vector<1x1280xi32> to vector<64x1280xi32>
    %eq3A_48 = arith.cmpi eq, %eq3A_47, %iota3A : vector<64x1280xi32>
    %convert_element_type3A_49 = arith.extui %eq3A_48 : vector<64x1280xi1> to vector<64x1280xi32>
    %convert_element_type3A_50 = arith.sitofp %convert_element_type3A_49 : vector<64x1280xi32> to vector<64x1280xf32>
    %slice3A_51 = vector.extract_strided_slice %max3A_15 {offsets = [0, 32], sizes = [1280, 16], strides = [1, 1]} : vector<1280x128xf32> to vector<1280x16xf32>
    %dot_general3A_52 = arith.constant dense<0.000000e+00> : vector<64x16xf32>
    %dot_general3A_53 = tpu.matmul %convert_element_type3A_50, %slice3A_51, %dot_general3A_52 {dimension_numbers = #tpu.dot_dimension_numbers<[1], [0], [0], [1], [0, 0, 1, 1], [], []>, transpose_lhs_hint = false} : vector<64x1280xf32>, vector<1280x16xf32>, vector<64x16xf32> -> vector<64x16xf32>
    %add3A_54 = arith.addf %add3A_39, %dot_general3A_53 : vector<64x16xf32>
    %reduce_sum3A_55 = arith.constant dense<0.000000e+00> : vector<64xf32>
    %reduce_sum3A_56 = vector.multi_reduction <add>, %convert_element_type3A_50, %reduce_sum3A_55 [1] : vector<64x1280xf32> to vector<64xf32>
    %broadcast_in_dim3A_57 = vector.shape_cast %reduce_sum3A_56 : vector<64xf32> to vector<64x1xf32>
    %add3A_58 = arith.addf %add3A_43, %broadcast_in_dim3A_57 : vector<64x1xf32>
    %get3A_59 = arith.constant 3 : index
    %get3A_60 = arith.constant 0 : index
    %get3A_61 = vector.load %arg2[%get3A_59, %get3A_60] : memref<8x1280xi32, #tpu.memory_space<vmem>>, vector<1x1280xi32>
    %eq3A_62 = vector.broadcast %get3A_61 : vector<1x1280xi32> to vector<64x1280xi32>
    %eq3A_63 = arith.cmpi eq, %eq3A_62, %iota3A : vector<64x1280xi32>
    %convert_element_type3A_64 = arith.extui %eq3A_63 : vector<64x1280xi1> to vector<64x1280xi32>
    %convert_element_type3A_65 = arith.sitofp %convert_element_type3A_64 : vector<64x1280xi32> to vector<64x1280xf32>
    %slice3A_66 = vector.extract_strided_slice %max3A_15 {offsets = [0, 48], sizes = [1280, 16], strides = [1, 1]} : vector<1280x128xf32> to vector<1280x16xf32>
    %dot_general3A_67 = arith.constant dense<0.000000e+00> : vector<64x16xf32>
    %dot_general3A_68 = tpu.matmul %convert_element_type3A_65, %slice3A_66, %dot_general3A_67 {dimension_numbers = #tpu.dot_dimension_numbers<[1], [0], [0], [1], [0, 0, 1, 1], [], []>, transpose_lhs_hint = false} : vector<64x1280xf32>, vector<1280x16xf32>, vector<64x16xf32> -> vector<64x16xf32>
    %add3A_69 = arith.addf %add3A_54, %dot_general3A_68 : vector<64x16xf32>
    %reduce_sum3A_70 = arith.constant dense<0.000000e+00> : vector<64xf32>
    %reduce_sum3A_71 = vector.multi_reduction <add>, %convert_element_type3A_65, %reduce_sum3A_70 [1] : vector<64x1280xf32> to vector<64xf32>
    %broadcast_in_dim3A_72 = vector.shape_cast %reduce_sum3A_71 : vector<64xf32> to vector<64x1xf32>
    %add3A_73 = arith.addf %add3A_58, %broadcast_in_dim3A_72 : vector<64x1xf32>
    %get3A_74 = arith.constant 4 : index
    %get3A_75 = arith.constant 0 : index
    %get3A_76 = vector.load %arg2[%get3A_74, %get3A_75] : memref<8x1280xi32, #tpu.memory_space<vmem>>, vector<1x1280xi32>
    %eq3A_77 = vector.broadcast %get3A_76 : vector<1x1280xi32> to vector<64x1280xi32>
    %eq3A_78 = arith.cmpi eq, %eq3A_77, %iota3A : vector<64x1280xi32>
    %convert_element_type3A_79 = arith.extui %eq3A_78 : vector<64x1280xi1> to vector<64x1280xi32>
    %convert_element_type3A_80 = arith.sitofp %convert_element_type3A_79 : vector<64x1280xi32> to vector<64x1280xf32>
    %slice3A_81 = vector.extract_strided_slice %max3A_15 {offsets = [0, 64], sizes = [1280, 16], strides = [1, 1]} : vector<1280x128xf32> to vector<1280x16xf32>
    %dot_general3A_82 = arith.constant dense<0.000000e+00> : vector<64x16xf32>
    %dot_general3A_83 = tpu.matmul %convert_element_type3A_80, %slice3A_81, %dot_general3A_82 {dimension_numbers = #tpu.dot_dimension_numbers<[1], [0], [0], [1], [0, 0, 1, 1], [], []>, transpose_lhs_hint = false} : vector<64x1280xf32>, vector<1280x16xf32>, vector<64x16xf32> -> vector<64x16xf32>
    %add3A_84 = arith.addf %add3A_69, %dot_general3A_83 : vector<64x16xf32>
    %reduce_sum3A_85 = arith.constant dense<0.000000e+00> : vector<64xf32>
    %reduce_sum3A_86 = vector.multi_reduction <add>, %convert_element_type3A_80, %reduce_sum3A_85 [1] : vector<64x1280xf32> to vector<64xf32>
    %broadcast_in_dim3A_87 = vector.shape_cast %reduce_sum3A_86 : vector<64xf32> to vector<64x1xf32>
    %add3A_88 = arith.addf %add3A_73, %broadcast_in_dim3A_87 : vector<64x1xf32>
    %get3A_89 = arith.constant 5 : index
    %get3A_90 = arith.constant 0 : index
    %get3A_91 = vector.load %arg2[%get3A_89, %get3A_90] : memref<8x1280xi32, #tpu.memory_space<vmem>>, vector<1x1280xi32>
    %eq3A_92 = vector.broadcast %get3A_91 : vector<1x1280xi32> to vector<64x1280xi32>
    %eq3A_93 = arith.cmpi eq, %eq3A_92, %iota3A : vector<64x1280xi32>
    %convert_element_type3A_94 = arith.extui %eq3A_93 : vector<64x1280xi1> to vector<64x1280xi32>
    %convert_element_type3A_95 = arith.sitofp %convert_element_type3A_94 : vector<64x1280xi32> to vector<64x1280xf32>
    %slice3A_96 = vector.extract_strided_slice %max3A_15 {offsets = [0, 80], sizes = [1280, 16], strides = [1, 1]} : vector<1280x128xf32> to vector<1280x16xf32>
    %dot_general3A_97 = arith.constant dense<0.000000e+00> : vector<64x16xf32>
    %dot_general3A_98 = tpu.matmul %convert_element_type3A_95, %slice3A_96, %dot_general3A_97 {dimension_numbers = #tpu.dot_dimension_numbers<[1], [0], [0], [1], [0, 0, 1, 1], [], []>, transpose_lhs_hint = false} : vector<64x1280xf32>, vector<1280x16xf32>, vector<64x16xf32> -> vector<64x16xf32>
    %add3A_99 = arith.addf %add3A_84, %dot_general3A_98 : vector<64x16xf32>
    %reduce_sum3A_100 = arith.constant dense<0.000000e+00> : vector<64xf32>
    %reduce_sum3A_101 = vector.multi_reduction <add>, %convert_element_type3A_95, %reduce_sum3A_100 [1] : vector<64x1280xf32> to vector<64xf32>
    %broadcast_in_dim3A_102 = vector.shape_cast %reduce_sum3A_101 : vector<64xf32> to vector<64x1xf32>
    %add3A_103 = arith.addf %add3A_88, %broadcast_in_dim3A_102 : vector<64x1xf32>
    %get3A_104 = arith.constant 6 : index
    %get3A_105 = arith.constant 0 : index
    %get3A_106 = vector.load %arg2[%get3A_104, %get3A_105] : memref<8x1280xi32, #tpu.memory_space<vmem>>, vector<1x1280xi32>
    %eq3A_107 = vector.broadcast %get3A_106 : vector<1x1280xi32> to vector<64x1280xi32>
    %eq3A_108 = arith.cmpi eq, %eq3A_107, %iota3A : vector<64x1280xi32>
    %convert_element_type3A_109 = arith.extui %eq3A_108 : vector<64x1280xi1> to vector<64x1280xi32>
    %convert_element_type3A_110 = arith.sitofp %convert_element_type3A_109 : vector<64x1280xi32> to vector<64x1280xf32>
    %slice3A_111 = vector.extract_strided_slice %max3A_15 {offsets = [0, 96], sizes = [1280, 16], strides = [1, 1]} : vector<1280x128xf32> to vector<1280x16xf32>
    %dot_general3A_112 = arith.constant dense<0.000000e+00> : vector<64x16xf32>
    %dot_general3A_113 = tpu.matmul %convert_element_type3A_110, %slice3A_111, %dot_general3A_112 {dimension_numbers = #tpu.dot_dimension_numbers<[1], [0], [0], [1], [0, 0, 1, 1], [], []>, transpose_lhs_hint = false} : vector<64x1280xf32>, vector<1280x16xf32>, vector<64x16xf32> -> vector<64x16xf32>
    %add3A_114 = arith.addf %add3A_99, %dot_general3A_113 : vector<64x16xf32>
    %reduce_sum3A_115 = arith.constant dense<0.000000e+00> : vector<64xf32>
    %reduce_sum3A_116 = vector.multi_reduction <add>, %convert_element_type3A_110, %reduce_sum3A_115 [1] : vector<64x1280xf32> to vector<64xf32>
    %broadcast_in_dim3A_117 = vector.shape_cast %reduce_sum3A_116 : vector<64xf32> to vector<64x1xf32>
    %add3A_118 = arith.addf %add3A_103, %broadcast_in_dim3A_117 : vector<64x1xf32>
    %get3A_119 = arith.constant 7 : index
    %get3A_120 = arith.constant 0 : index
    %get3A_121 = vector.load %arg2[%get3A_119, %get3A_120] : memref<8x1280xi32, #tpu.memory_space<vmem>>, vector<1x1280xi32>
    %eq3A_122 = vector.broadcast %get3A_121 : vector<1x1280xi32> to vector<64x1280xi32>
    %eq3A_123 = arith.cmpi eq, %eq3A_122, %iota3A : vector<64x1280xi32>
    %convert_element_type3A_124 = arith.extui %eq3A_123 : vector<64x1280xi1> to vector<64x1280xi32>
    %convert_element_type3A_125 = arith.sitofp %convert_element_type3A_124 : vector<64x1280xi32> to vector<64x1280xf32>
    %slice3A_126 = vector.extract_strided_slice %max3A_15 {offsets = [0, 112], sizes = [1280, 16], strides = [1, 1]} : vector<1280x128xf32> to vector<1280x16xf32>
    %dot_general3A_127 = arith.constant dense<0.000000e+00> : vector<64x16xf32>
    %dot_general3A_128 = tpu.matmul %convert_element_type3A_125, %slice3A_126, %dot_general3A_127 {dimension_numbers = #tpu.dot_dimension_numbers<[1], [0], [0], [1], [0, 0, 1, 1], [], []>, transpose_lhs_hint = false} : vector<64x1280xf32>, vector<1280x16xf32>, vector<64x16xf32> -> vector<64x16xf32>
    %add3A_129 = arith.addf %add3A_114, %dot_general3A_128 : vector<64x16xf32>
    %reduce_sum3A_130 = arith.constant dense<0.000000e+00> : vector<64xf32>
    %reduce_sum3A_131 = vector.multi_reduction <add>, %convert_element_type3A_125, %reduce_sum3A_130 [1] : vector<64x1280xf32> to vector<64xf32>
    %broadcast_in_dim3A_132 = vector.shape_cast %reduce_sum3A_131 : vector<64xf32> to vector<64x1xf32>
    %add3A_133 = arith.addf %add3A_118, %broadcast_in_dim3A_132 : vector<64x1xf32>
    %max3A_134 = arith.constant 1.000000e+00 : f32
    %max3A_135 = vector.broadcast %max3A_134 : f32 to vector<64x1xf32>
    %max3A_136 = arith.maximumf %add3A_133, %max3A_135 : vector<64x1xf32>
    %div3A = vector.broadcast %max3A_136 : vector<64x1xf32> to vector<64x16xf32>
    %div3A_137 = arith.divf %add3A_129, %div3A : vector<64x16xf32>
    %get3A_138 = arith.constant 0 : index
    %get3A_139 = arith.constant 0 : index
    %get3A_140 = vector.load %arg3[%get3A_138, %get3A_139] : memref<16x2xf32, #tpu.memory_space<vmem>>, vector<16x2xf32>
    %dot_general3A_141 = arith.constant dense<0.000000e+00> : vector<64x2xf32>
    %dot_general3A_142 = tpu.matmul %div3A_137, %get3A_140, %dot_general3A_141 {dimension_numbers = #tpu.dot_dimension_numbers<[1], [0], [0], [1], [0, 0, 1, 1], [], []>, transpose_lhs_hint = false} : vector<64x16xf32>, vector<16x2xf32>, vector<64x2xf32> -> vector<64x2xf32>
    %get3A_143 = arith.constant 0 : index
    %get3A_144 = arith.constant 0 : index
    %get3A_145 = vector.load %arg4[%get3A_143, %get3A_144] : memref<1x2xf32, #tpu.memory_space<vmem>>, vector<1x2xf32>
    %add3A_146 = vector.broadcast %get3A_145 : vector<1x2xf32> to vector<64x2xf32>
    %add3A_147 = arith.addf %dot_general3A_142, %add3A_146 : vector<64x2xf32>
    %swap3A = arith.constant 0 : index
    %swap3A_148 = arith.constant 0 : index
    %swap3A_149 = vector.load %arg5[%swap3A, %swap3A_148] : memref<64x2xf32, #tpu.memory_space<vmem>>, vector<64x2xf32>
    tpu.vector_store %arg5[%swap3A, %swap3A_148], %add3A_147 {strides = array<i32>} : memref<64x2xf32, #tpu.memory_space<vmem>>, vector<64x2xf32>,
    return
  }
}

</mosaic_0001>

<sc_bundles>
// kernel: kernel.5.cloned.1.call-start
scs
__scs_entry_jumppad:
0x0: {  	(pc) =	sbr.rel $0x88, $3  }
0x1: {  	(tag) =	ssettag $0x0;
	lr =	simm.s32 $0x1  }
0x2: {  	[smem:$0x3F9A] =	sst lr;
	_ =	strace $0xD0000000  }
0x3: {  	_ = 	snop  }
0x4: {  	_ = 	snop  }
0x5: {  	_ = 	snop  }
0x6: {  	_ = 	snop  }
0x7: {  	_ = 	snop  }
__scs_overlays_trampoline_lowered:
0x8: {  	[smem:$0x3FA9] =	sst s0  }
0x9: {  	[smem:$0x3FAA] =	sst s1  }
0xa: {  	[smem:$0x3FAB] =	sst s2  }
0xb: {  	[smem:$0x3FAC] =	sst s3  }
0xc: {  	[smem:$0x3FAD] =	sst s4  }
0xd: {  	[smem:$0x3FAE] =	sst s5  }
0xe: {  	[smem:$0x3FAF] =	sst s6  }
0xf: {  	[smem:$0x3FB0] =	sst s7  }
0x10: {  	[smem:$0x3FB1] =	sst s8  }
0x11: {  	[smem:$0x3FB2] =	sst s9;
	s0 =	simm.s32 @!p0 $0x0  }
0x12: {  	s1 =	sld [smem:$0x3F98];
	s0 =	simm.s32 @p0 $0x1  }
0x13: {  	[smem:$0x3FB3] =	sst s0;
	s0 =	simm.s32 @!p1 $0x0  }
0x14: {  	s2 =	sld [smem:$0x3F97];
	s0 =	simm.s32 @p1 $0x1  }
0x15: {  	[smem:$0x3FB4] =	sst s0;
	s0 =	simm.s32 @!p2 $0x0  }
0x16: {  	s3 =	sld [smem:$0x3FDB];
	s0 =	simm.s32 @p2 $0x1  }
0x17: {  	s4 =	simm.s32 $0x1BF5;
	[smem:$0x3FB6] =	sst s0  }
0x18: {  	s0 =	sld [smem:$0x3F99];
	_ =	swait.ge [sflag:s4], $0x0  }
0x19: {  	s7 =	sld [smem:$0x3F9A]  }
0x1a: {  	s8 =	sadd.s32 $0xFFFFE003, lr  }
0x1b: {  	s9 =	sadd.s32 $0xFFFFFEF7, lr;
	s5 =	simm.s32 $0xFFFFFFFF;
	p2 =	slt.u32 s8, $0xFFFFF086  }
0x1c: {  	p1 =	slt.u32 s9, $0xF7A;
	s5 =	simm.s32 @!p2 $0x0  }
0x1d: {  	s5 =	simm.s32 @p1 $0x1;
	p0 =	seq.s32 s7, s2  }
0x1e: {  	s7 =	smul.u32 @!p0 $0xF7A, s2;
	p2 =	seq.s32 @!p0 s5, $0x0  }
0x1f: {  	s9 =	smul.u32 $0xF7A, s1;
	s8 =	simm.s32 @!p0 $0x1BF5;
	p2 =	por !p2, p0  }
0x20: {  	[sflag:s8] =	ssyncset.s32 @!p0 $0xFFFFF086;
	s6 =	sadd.s32 @!p0 s3, s7;
	s7 =	simm.s32 @!p0 $0x108  }
0x21: {  	s3 =	sadd.s32 s3, s9;
	s6 =	sadd.s32 @!p0 $0x88, s6;
	s7 =	simm.s32 @p2 $0x1082  }
0x22: {  	[simem:s7], [sflag:s8] =	dma.local @!p0 [hbm:s6], $0xF7A  }
0x23: {  	s9 =	sor.u32 $0xD0000000, s2;
	s6 =	simm.s32 $0x108;
	_ =	swait.ge @!p0 [sflag:s8], $0x0  }
0x24: {  	s3 =	sadd.s32 $0x88, s3;
	s6 =	simm.s32 @!p1 $0x1082;
	[sflag:s4] =	ssyncset.s32 $0xFFFFF086  }
0x25: {  	[simem:s6], [sflag:s4] =	dma.local [hbm:s3], $0xF7A  }
0x26: {  	[smem:$0x3F9A] =	sst s1;
	(tag) =	ssettag s2;
	_ =	strace s9  }
0x27: {  	s1 =	sld [smem:$0x3FAA]  }
0x28: {  	s2 =	sld [smem:$0x3FAB]  }
0x29: {  	s4 =	sld [smem:$0x3FAD]  }
0x2a: {  	p0 =	seq.s32 s5, $0x0;
	s5 =	sld [smem:$0x3FAE]  }
0x2b: {  	s6 =	sld [smem:$0x3FAF]  }
0x2c: {  	s7 =	sld [smem:$0x3FB0]  }
0x2d: {  	s3 =	simm.s32 $0x108;
	s8 =	sld [smem:$0x3FB1]  }
0x2e: {  	s3 =	simm.s32 @!p0 $0x1082;
	s9 =	sld [smem:$0x3FB2]  }
0x2f: {  	lr =	sadd.s32 s0, s3;
	s0 =	sld [smem:$0x3FA9]  }
0x30: {  	s3 =	sld [smem:$0x3FAC]  }
0x31: {  	[smem:$0x3FB5] =	sst s10  }
0x32: {  	s10 =	sld [smem:$0x3FB3];
	_ =	sdelay $0x3  }
0x33: {  	p0 =	seq.s32 s10, $0x1;
	s10 =	sld [smem:$0x3FB5];
	_ =	sdelay $0x3  }
0x34: {  	[smem:$0x3FB5] =	sst s10  }
0x35: {  	s10 =	sld [smem:$0x3FB4];
	_ =	sdelay $0x3  }
0x36: {  	p1 =	seq.s32 s10, $0x1;
	s10 =	sld [smem:$0x3FB5];
	_ =	sdelay $0x3  }
0x37: {  	[smem:$0x3FB5] =	sst s10  }
0x38: {  	s10 =	sld [smem:$0x3FB6]  }
0x39: {  	_ = 	snop;
	(pc) =	sbr.ind lr, $3  }
0x3a: {  	_ = 	snop  }
0x3b: {  	_ = 	snop  }
0x3c: {  	p2 =	seq.s32 s10, $0x1;
	s10 =	sld [smem:$0x3FB5]  }
0x3d: {  	_ =	shalt  }
0x3e: {  	_ =	shalt  }
0x3f: {  	_ =	shalt  }
0x40: {  	_ =	shalt  }
0x41: {  	_ =	shalt  }
0x42: {  	_ =	shalt  }
0x43: {  	_ =	shalt  }
0x44: {  	_ =	shalt  }
0x45: {  	_ =	shalt  }
0x46: {  	_ =	shalt  }
0x47: {  	_ =	shalt  }
0x48: {  	_ =	shalt  }
0x49: {  	_ =	shalt  }
0x4a: {  	_ =	shalt  }
0x4b: {  	_ =	shalt  }
0x4c: {  	_ =	shalt  }
0x4d: {  	_ =	shalt  }
0x4e: {  	_ =	shalt  }
0x4f: {  	_ =	shalt  }
0x50: {  	_ =	shalt  }
0x51: {  	_ =	shalt  }
0x52: {  	_ =	shalt  }
0x53: {  	_ =	shalt  }
0x54: {  	_ =	shalt  }
0x55: {  	_ =	shalt  }
0x56: {  	_ =	shalt  }
0x57: {  	_ =	shalt  }
0x58: {  	_ =	shalt  }
0x59: {  	_ =	shalt  }
0x5a: {  	_ =	shalt  }
0x5b: {  	_ =	shalt  }
0x5c: {  	_ =	shalt  }
0x5d: {  	_ =	shalt  }
0x5e: {  	_ =	shalt  }
0x5f: {  	_ =	shalt  }
0x60: {  	_ =	shalt  }
0x61: {  	_ =	shalt  }
0x62: {  	_ =	shalt  }
0x63: {  	_ =	shalt  }
0x64: {  	_ =	shalt  }
0x65: {  	_ =	shalt  }
0x66: {  	_ =	shalt  }
0x67: {  	_ =	shalt  }
0x68: {  	_ =	shalt  }
0x69: {  	_ =	shalt  }
0x6a: {  	_ =	shalt  }
0x6b: {  	_ =	shalt  }
0x6c: {  	_ =	shalt  }
0x6d: {  	_ =	shalt  }
0x6e: {  	_ =	shalt  }
0x6f: {  	_ =	shalt  }
0x70: {  	_ =	shalt  }
0x71: {  	_ =	shalt  }
0x72: {  	_ =	shalt  }
0x73: {  	_ =	shalt  }
0x74: {  	_ =	shalt  }
0x75: {  	_ =	shalt  }
0x76: {  	_ =	shalt  }
0x77: {  	_ =	shalt  }
0x78: {  	_ =	shalt  }
0x79: {  	_ =	shalt  }
0x7a: {  	_ =	shalt  }
0x7b: {  	_ =	shalt  }
0x7c: {  	_ =	shalt  }
0x7d: {  	_ =	shalt  }
0x7e: {  	_ =	shalt  }
0x7f: {  	_ =	shalt  }
0x80: {  	_ =	shalt  }
0x81: {  	_ =	shalt  }
0x82: {  	_ =	shalt  }
0x83: {  	_ =	shalt  }
0x84: {  	_ =	shalt  }
0x85: {  	_ =	shalt  }
0x86: {  	_ =	shalt  }
0x87: {  	_ =	shalt  }
.Lfunc_end0:
.L_simem_size_0:
called_computation_lowered:
.L_overlay_start_0:
0x88: {  	s2 =	sld [smem:$0x3FD9]  }
0x89: {  	s3 =	sld [smem:$0x3FFE];
	_ =	sdelay $0x1  }
0x8a: {  	s1 =	srdreg.scid  }
0x8b: {  	s0 =	sand.u32 $0x1, s1  }
0x8c: {  	s17 =	sshll.u32 s0, $0xA;
	s2 =	sadd.s32 s3, s2  }
0x8d: {  	s2 =	sadd.s32 s2, s17  }
0x8e: {  	[smem:$0x3FC1] =	sst s2  }
0x8f: {  	_ = 	snop  }
0x90: {  	s2 =	sld [smem:$0x3FD0];
	(tm) =	ssettm $0x1  }
0x91: {  	s18 =	sld [smem:$0x3FFB];
	_ =	sdelay $0x3  }
0x92: {  	_ =	strace s18  }
0x93: {  	s3 =	sld [smem:$0x3FFC];
	_ =	sdelay $0x3  }
0x94: {  	_ =	strace s3  }
0x95: {  	s3 =	sld [smem:$0x3FFD];
	_ =	sdelay $0x3  }
0x96: {  	_ =	strace s3  }
0x97: {  	_ =	strace $0x8FFFFFFF  }
0x98: {  	s19 =	sld [smem:$0x3FDB];
	_ =	sdelay $0x1  }
0x99: {  	s4 =	simm.s32 $_scs_section_size  }
0x9a: {  	s5 =	simm.s32 $_size__tile_overlayer_lowered;
	s6 =	simm.s32 $_tile_overlayer_lowered  }
0x9b: {  	s22 =	simm.s32 $0x1BFF;
	s21 =	sshll.u32 s6, $0x1;
	s3 =	sadd.s32 s4, s19  }
0x9c: {  	s7 =	simm.s32 $0x0;
	s20 =	sshll.u32 s5, $0x1;
	s5 =	sadd.s32 s21, s3  }
0x9d: {  	[timem:s7], [sflag:s22] =	dma.local [hbm:s5], s20  }
0x9e: {  	_ =	swait.ge [sflag:s22], s20  }
0x9f: {  	s4 =	ssub.s32 $0x0, s20;
	[sflag:s22] =	ssyncset.done $0x0  }
0xa0: {  	[sflag:s22] =	ssyncadd.s32 s4;
	_ =	sdelay $0x1  }
0xa1: {  	s23 =	simm.s32 $0x1B8B  }
0xa2: {  	_ =	swait.ge [sflag:s23], $0x1  }
0xa3: {  	[sflag:s23] =	ssyncset.done $0x0  }
0xa4: {  	s25 =	simm.s32 $0x1B8E;
	s24 =	sld [smem:$0x3FFE];
	[sflag:s23] =	ssyncadd.s32 $0xFFFFFFFF  }
0xa5: {  	s26 =	simm.s32 $execute0_lowered;
	[smem:$0x3FD2] =	sst s25  }
0xa6: {  	s5 =	sshll.u32 s26, $0x1;
	_ =	strace $0x80000046;
	[dreg:$0x1] =	wrdreg $0xFFFFFFFF  }
0xa7: {  	s28 =	simm.s32 $_size_execute0_lowered;
	s3 =	sadd.s32 s3, s5;
	[dreg:$0x0] =	wrdreg $0x0  }
0xa8: {  	s5 =	sshll.u32 s28, $0x1;
	[dreg:$0x2] =	wrdreg s3  }
0xa9: {  	[dreg:$0x3] =	wrdreg s5  }
0xaa: {  	[dreg:$0x4] =	wrdreg $0xC0  }
0xab: {  	_ =	task [dreg:s7], $0x5FFFF  }
0xac: {  	[dreg:$0x1] =	wrdreg $0xFFFFFFFF  }
0xad: {  	[dreg:$0x0] =	wrdreg $0x60  }
0xae: {  	[dreg:$0x2] =	wrdreg s24  }
0xaf: {  	[dreg:$0x3] =	wrdreg s2  }
0xb0: {  	[dreg:$0x4] =	wrdreg $0x10B000  }
0xb1: {  	[dreg:$0x5] =	wrdreg $0x10D800  }
0xb2: {  	[dreg:$0x6] =	wrdreg $0x135800  }
0xb3: {  	[dreg:$0x7] =	wrdreg $0x9  }
0xb4: {  	_ =	task.clear_ibuf [dreg:s7], $0x8FFFF;
	_ =	strace $0x90000046  }
0xb5: {  	s29 =	simm.s32 $0x9;
	_ =	strace $0x80000048  }
0xb6: {  	_ =	swait.ge [sflag:s29], $0x1  }
0xb7: {  	[sflag:s29] =	ssyncadd.s32 $0xFFFFFFFF  }
0xb8: {  	_ =	strace $0x90000048  }
0xb9: {  	_ =	sfence  }
0xba: {  	s30 =	sld [smem:$0x0];
	_ =	sdelay $0x2  }
0xbb: {  	s31 =	sshll.u32 s1, $0xD;
	s1 =	sshrl.u32 s1, $0x2  }
0xbc: {  	s3 =	sand.u32 $0x4000, s31;
	s1 =	sadd.s32 s1, s30  }
0xbd: {  	s0 =	sor.u32 s3, s0;
	s1 =	sshll.u32 s1, $0x11  }
0xbe: {  	s0 =	sor.u32 s1, s0  }
0xbf: {  	s0 =	sadd.s32 $0x8F2B, s0  }
0xc0: {  	[sflag:s0] =	ssyncadd.remote.s32 $0x1  }
0xc1: {  	_ =	sfence.sel $0xFFFF  }
0xc2: {  	[dreg:$0x0] =	wrdreg $0xFFFFFFFF;
	(pc) =	sbr.abs _section_cstart, $3  }
0xc3: {  	[dreg:$0x1] =	wrdreg $0xFFFFFFFF  }
0xc4: {  	_ =	task.clear_ibuf [dreg:s7], $0x2FFFF;
	_ =	strace $0x9FFFFFFF  }
0xc5: {  	(tm) =	ssettm $0x7FFFFFFF  }
tec
execute0_lowered:
.L_overlay_start_1:
0x0: {  	(tag) =	ssettag $0x1  }
0x1: {  	s0 =	rddreg [dreg:$0x0]  }
0x2: {  	s2 =	rddreg [dreg:$0x2]  }
0x3: {  	s3 =	rddreg [dreg:$0x3]  }
0x4: {  	s5 =	rddreg [dreg:$0x4]  }
0x5: {  	s19 =	simm.s32 $0x0;
	s13 =	stileid.u32;
	s4 =	srdreg.scid  }
0x6: {  	s28 =	simm.s32 $0x80;
	s29 =	simm.s32 $0x1;
	s30 =	simm.s32 $0x4  }
0x7: {  	s31 =	simm.s32 $0x5;
	s14 =	simm.s32 $0x8;
	s16 =	simm.s32 $0x9  }
0x8: {  	s17 =	simm.s32 $0xA;
	s15 =	simm.s32 $0x11;
	[smem:$0x7FF] =	sst s19  }
0x9: {  	s1 =	smul.u32 $0x2800, s13;
	s6 =	sadd.s32 $0x1400, s0;
	s4 =	sand.u32 $0x1, s4  }
0xa: {  	s9 =	sshll.u32 s13, $0x1;
	s10 =	sadd.s32 $0x1AA00, s0;
	s12 =	sadd.s32 $0x1A400, s0  }
0xb: {  	s21 =	smul.u32 $0xA00, s13;
	s25 =	sshll.u32 s13, $0x6;
	s13 =	simm.s32 $0xE  }
0xc: {  	_ =	strace $0x80000047;
	s8 =	smul.u32 $0x28000, s4;
	[dreg:$0x6] =	wrdreg s10  }
0xd: {  	s18 =	sor.u32 s4, s9;
	s9 =	ssub.s32 s9, s4;
	s11 =	ssub.s32 $0x2, s4  }
0xe: {  	[dreg:$0x7] =	wrdreg s12;
	p0 =	sne.s32 s4, $0x0;
	s12 =	simm.s32 $0x7  }
0xf: {  	s4 =	simm.s32 $0xD;
	s7 =	sshrl.u32 s1, $0x3;
	s10 =	smul.u32 $0x2800, s18  }
0x10: {  	s9 =	smul.u32 $0x2800, s9;
	s20 =	sshrl.u32 s11, $0x1;
	s22 =	sshrl.u32 s21, $0x2  }
0x11: {  	s23 =	sadd.s32 s1, s3;
	s21 =	simm.s32 $0xCA80;
	s18 =	simm.s32 $0xE300  }
0x12: {  	s7 =	sadd.s32 s7, s0;
	s8 =	sadd.s32 s1, s8;
	[dreg:$0xd] =	wrdreg s23  }
0x13: {  	s1 =	sadd.s32 s1, s5;
	s23 =	simm.s32 $0xF;
	s8 =	sshrl.u32 s8, $0x3  }
0x14: {  	s10 =	sshrl.u32 s10, $0x3;
	s9 =	sadd.s32 $0x52800, s9;
	s7 =	sadd.s32 $0x15400, s7  }
0x15: {  	[dreg:$0xe] =	wrdreg s1;
	s0 =	sadd.s32 s8, s0;
	s8 =	ssub.s32 s11, s20  }
0x16: {  	s10 =	sadd.s32 s6, s10;
	s9 =	sshrl.u32 s9, $0x3;
	[dreg:$0xb] =	wrdreg s7  }
0x17: {  	s11 =	simm.s32 $0x6;
	[dreg:$0x8] =	wrdreg s10;
	s10 =	sadd.s32 $0xA000, s10  }
0x18: {  	s7 =	simm.s32 $0x0;
	s6 =	sadd.s32 s6, s9;
	[dreg:$0x9] =	wrdreg s10  }
0x19: {  	s20 =	simm.s32 $0xEB00;
	s0 =	sadd.s32 $0x1AC00, s0;
	[dreg:$0xa] =	wrdreg s6  }
0x1a: {  	s24 =	smax.u32 s8, $0x1;
	s9 =	simm.s32 $0xC;
	[dreg:$0xf] =	wrdreg s0  }
0x1b: {  	s6 =	sadd.s32 s22, s2;
	[dreg:$0x10] =	wrdreg s24;
	s0 =	sor.u32 $0x1C12, s25  }
0x1c: {  	s24 =	simm.s32 $0xB;
	s10 =	simm.s32 $0xF300;
	[dreg:$0x11] =	wrdreg s0  }
0x1d: {  	s25 =	simm.s32 $0xFB00;
	[dreg:$0xc] =	wrdreg s6;
	s26 =	sshrl.u32 s6, $0x3  }
0x1e: {  	s6 =	simm.s32 $0x10;
	[dreg:$0x12] =	wrdreg s26;
	s26 =	simm.s32 $0x10300  }
.LBB2_1:
0x1f: {  	s0 =	rddreg [dreg:$0x9];
	s8 =	simm.s32 $0x2800  }
0x20: {  	[tilespmem:s8], [sflag:$0x2] =	stream.linear.gather [hbm4b:s0+s19], $0x2800, $0x38;
	[tilespmem:$0x15D80] =	vst v63  }
0x21: {  	s22 =	simm.s32 $0x5000;
	s0 =	rddreg [dreg:$0xa]  }
0x22: {  	[tilespmem:s22], [sflag:$0x3] =	stream.linear.gather [hbm4b:s0+s19], $0x2800, $0x38;
	[tilespmem:$0x15D80] =	vst v63  }
0x23: {  	s0 =	rddreg [dreg:$0x8]  }
0x24: {  	[tilespmem:s19], [sflag:$0x4] =	stream.linear.gather [hbm4b:s0+s19], $0x2800, $0x38;
	[tilespmem:$0x15D80] =	vst v63  }
0x25: {  	s1 =	simm.s32 $0xA000;
	s0 =	rddreg [dreg:$0xb]  }
0x26: {  	[tilespmem:s1], [sflag:$0x5] =	stream.linear.gather [hbm4b:s0+s19], $0x2800, $0x38;
	[tilespmem:$0x15D80] =	vst v63  }
0x27: {  	s22 =	simm.s32 $0x12;
	s1 =	rddreg [dreg:$0x1]  }
0x28: {  	[tilespmem:s21], [sflag:$0x12] =	stream.linear.gather [hbm4b:s1+s19], $0x80, $0x38;
	[tilespmem:$0x15D80] =	vst v63  }
0x29: {  	_ =	swait.ge [sflag:s22], $0x80  }
0x2a: {  	s0 =	rddreg [dreg:$0x6]  }
0x2b: {  	[sflag:s22] =	ssyncset.done $0x0;
	s19 =	rddreg [dreg:$0x11]  }
0x2c: {  	s1 =	rddreg [dreg:$0x12];
	[sflag:s22] =	ssyncadd.s32 $0xFFFFFF80  }
0x2d: {  	[spmem:s1], [sflag:s19] =	dma.local [hbm:s0], $0x50  }
0x2e: {  	_ =	swait.ge [sflag:s22], $0x50  }
0x2f: {  	[sflag:s22] =	ssyncset.done $0x0  }
0x30: {  	s19 =	simm.s32 $0x2;
	[sflag:s22] =	ssyncadd.s32 $0xFFFFFFB0  }
0x31: {  	_ =	swait.ge [sflag:s19], $0x2800  }
0x32: {  	[sflag:s19] =	ssyncset.done $0x0  }
0x33: {  	s1 =	simm.s32 $0x3;
	[sflag:s19] =	ssyncadd.s32 $0xFFFFD800  }
0x34: {  	_ =	swait.ge [sflag:s1], $0x2800  }
0x35: {  	[sflag:s1] =	ssyncset.done $0x0  }
0x36: {  	[sflag:s1] =	ssyncadd.s32 $0xFFFFD800  }
0x37: {  	[bflag:$0x0] =	sbarrier.arrive $0xFFFF  }
0x38: {  	[spmem:s2] =	stream.indirect.scatter.add.f32 [tilespmem:s21], [sflag:$0x1], $0x1, s8, s28, $0xb8;
	[tilespmem:$0x15D80] =	vst v63  }
0x39: {  	s19 =	simm.s32 $0x2880  }
0x3a: {  	[spmem:s2] =	stream.indirect.scatter.add.f32 [tilespmem:s21], [sflag:$0x1], $0x1, s19, s28, $0xb8;
	[tilespmem:$0x15D80] =	vst v63  }
0x3b: {  	s1 =	simm.s32 $0x2900  }
0x3c: {  	[spmem:s2] =	stream.indirect.scatter.add.f32 [tilespmem:s21], [sflag:$0x1], $0x1, s1, s28, $0xb8;
	[tilespmem:$0x15D80] =	vst v63  }
0x3d: {  	s8 =	simm.s32 $0x2980  }
0x3e: {  	[spmem:s2] =	stream.indirect.scatter.add.f32 [tilespmem:s21], [sflag:$0x1], $0x1, s8, s28, $0xb8;
	[tilespmem:$0x15D80] =	vst v63  }
0x3f: {  	s19 =	simm.s32 $0x2A00  }
0x40: {  	[spmem:s2] =	stream.indirect.scatter.add.f32 [tilespmem:s21], [sflag:$0x1], $0x1, s19, s28, $0xb8;
	[tilespmem:$0x15D80] =	vst v63  }
0x41: {  	s1 =	simm.s32 $0x2A80  }
0x42: {  	[spmem:s2] =	stream.indirect.scatter.add.f32 [tilespmem:s21], [sflag:$0x1], $0x1, s1, s28, $0xb8;
	[tilespmem:$0x15D80] =	vst v63  }
0x43: {  	s8 =	simm.s32 $0x2B00  }
0x44: {  	[spmem:s2] =	stream.indirect.scatter.add.f32 [tilespmem:s21], [sflag:$0x1], $0x1, s8, s28, $0xb8;
	[tilespmem:$0x15D80] =	vst v63  }
0x45: {  	s19 =	simm.s32 $0x2B80  }
0x46: {  	[spmem:s2] =	stream.indirect.scatter.add.f32 [tilespmem:s21], [sflag:$0x1], $0x1, s19, s28, $0xb8;
	[tilespmem:$0x15D80] =	vst v63  }
0x47: {  	_ =	swait.ge [sflag:s29], $0x80  }
0x48: {  	[sflag:s29] =	ssyncset.done $0x0  }
0x49: {  	s1 =	simm.s32 $0x1200;
	s19 =	simm.s32 $0x2C00;
	[sflag:s29] =	ssyncadd.s32 $0xFFFFFF80  }
.LBB2_2:
0x4a: {  	[spmem:s2] =	stream.indirect.scatter.add.f32 [tilespmem:s21], [sflag:$0x1], $0x1, s19, s28, $0xb8;
	[tilespmem:$0x15D80] =	vst v63  }
0x4b: {  	s19 =	smov.u32 s1;
	p1 =	sne.s32 s1, $0x9E00  }
.Ltmp0:
0x4c: {  	s1 =	sadd.s32 $0x200, s1;
	(pc) =	sbr.rel @p1 .LBB2_2-.Ltmp0, $4  }
0x4d: {  	_ = 	snop  }
0x4e: {  	_ =	swait.ge [sflag:s29], $0x80  }
0x4f: {  	s19 =	sshra.s32 s19, $0x2;
	[sflag:s29] =	ssyncset.done $0x0  }
0x50: {  	s19 =	sadd.s32 $0x2800, s19;
	[sflag:s29] =	ssyncadd.s32 $0xFFFFFF80  }
0x51: {  	[spmem:s2] =	stream.indirect.scatter.add.f32 [tilespmem:s21], [sflag:$0x1], $0x1, s19, s28, $0xb8;
	[tilespmem:$0x15D80] =	vst v63  }
0x52: {  	_ =	swait.ge [sflag:s29], $0x80  }
0x53: {  	[sflag:s29] =	ssyncset.done $0x0  }
0x54: {  	s1 =	simm.s32 $0x200;
	s19 =	simm.s32 $0x5000;
	[sflag:s29] =	ssyncadd.s32 $0xFFFFFF80  }
.LBB2_4:
0x55: {  	[spmem:s2] =	stream.indirect.scatter.add.f32 [tilespmem:s21], [sflag:$0x1], $0x1, s19, s28, $0xb8;
	[tilespmem:$0x15D80] =	vst v63  }
0x56: {  	s19 =	smov.u32 s1;
	p1 =	sne.s32 s1, $0x9E00  }
.Ltmp1:
0x57: {  	s1 =	sadd.s32 $0x200, s1;
	(pc) =	sbr.rel @p1 .LBB2_4-.Ltmp1, $4  }
0x58: {  	_ = 	snop  }
0x59: {  	_ =	swait.ge [sflag:s29], $0x80  }
0x5a: {  	s19 =	sshra.s32 s19, $0x2;
	[sflag:s29] =	ssyncset.done $0x0  }
0x5b: {  	s19 =	sadd.s32 $0x5000, s19;
	[sflag:s29] =	ssyncadd.s32 $0xFFFFFF80  }
0x5c: {  	[spmem:s2] =	stream.indirect.scatter.add.f32 [tilespmem:s21], [sflag:$0x1], $0x1, s19, s28, $0xb8;
	[tilespmem:$0x15D80] =	vst v63  }
0x5d: {  	_ =	swait.ge [sflag:s29], $0x80  }
0x5e: {  	[sflag:s29] =	ssyncset.done $0x0  }
0x5f: {  	[sflag:s29] =	ssyncadd.s32 $0xFFFFFF80  }
0x60: {  	_ =	swait.ge [sflag:s29], $0x80  }
0x61: {  	[sflag:s29] =	ssyncset.done $0x0  }
0x62: {  	[sflag:s29] =	ssyncadd.s32 $0xFFFFFF80  }
0x63: {  	_ =	swait.ge [sflag:s29], $0x80  }
0x64: {  	[sflag:s29] =	ssyncset.done $0x0  }
0x65: {  	[sflag:s29] =	ssyncadd.s32 $0xFFFFFF80  }
0x66: {  	_ =	swait.ge [sflag:s29], $0x80  }
0x67: {  	[sflag:s29] =	ssyncset.done $0x0  }
0x68: {  	[sflag:s29] =	ssyncadd.s32 $0xFFFFFF80  }
0x69: {  	_ =	swait.ge [sflag:s29], $0x80  }
0x6a: {  	[sflag:s29] =	ssyncset.done $0x0  }
0x6b: {  	[sflag:s29] =	ssyncadd.s32 $0xFFFFFF80  }
0x6c: {  	_ =	swait.ge [sflag:s29], $0x80  }
0x6d: {  	[sflag:s29] =	ssyncset.done $0x0  }
0x6e: {  	[sflag:s29] =	ssyncadd.s32 $0xFFFFFF80  }
0x6f: {  	_ =	swait.ge [sflag:s29], $0x80  }
0x70: {  	[sflag:s29] =	ssyncset.done $0x0  }
0x71: {  	[sflag:s29] =	ssyncadd.s32 $0xFFFFFF80  }
0x72: {  	_ =	swait.ge [sflag:s29], $0x80  }
0x73: {  	[sflag:s29] =	ssyncset.done $0x0  }
0x74: {  	[sflag:s29] =	ssyncadd.s32 $0xFFFFFF80  }
0x75: {  	_ =	swait.ge [sflag:s30], $0x2800  }
0x76: {  	[sflag:s30] =	ssyncset.done $0x0  }
0x77: {  	[sflag:s30] =	ssyncadd.s32 $0xFFFFD800  }
0x78: {  	_ =	swait.ge [sflag:s31], $0x2800  }
0x79: {  	[sflag:s31] =	ssyncset.done $0x0  }
0x7a: {  	[sflag:s31] =	ssyncadd.s32 $0xFFFFD800  }
0x7b: {  	[bflag:$0x0] =	sbarrier.arrive $0xFFFF  }
0x7c: {  	s1 =	simm.s32 $0xC800;
	s0 =	rddreg [dreg:$0xc]  }
0x7d: {  	[tilespmem:s1], [sflag:$0x12] =	stream.linear.gather [spmem:s0], $0x280, $0x38;
	[tilespmem:$0x15D80] =	vst v63  }
0x7e: {  	_ =	swait.ge [sflag:s22], $0x280  }
0x7f: {  	[sflag:s22] =	ssyncset.done $0x0  }
0x80: {  	s19 =	simm.s32 $0x40;
	s1 =	simm.s32 $0x0;
	[sflag:s22] =	ssyncadd.s32 $0xFFFFFD80  }
.LBB2_6:
0x81: {  	p1 =	sne.s32 s19, $0x9C0;
	v0 =	vld [tilespmem:s1+$0xC800];
	_ =	sdelay $0x4  }
0x82: {  	v0 =	vadd.f32 $1.000000000e+00, v0;
	_ =	sdelay $0x1  }
0x83: {  	v1 =	vshra.s32 v0, $0x1;
	v0 =	vmul.f32 $5.000000000e-01, v0  }
0x84: {  	v1 =	vsub.s32 $0x5F3759DF, v1  }
0x85: {  	v2 =	vmul.f32 v1, v0;
	_ =	sdelay $0x1  }
0x86: {  	v2 =	vmul.f32 v1, v2;
	_ =	sdelay $0x1  }
0x87: {  	v2 =	vsub.f32 $1.500000000e+00, v2;
	_ =	sdelay $0x1  }
0x88: {  	v1 =	vmul.f32 v1, v2;
	_ =	sdelay $0x1  }
0x89: {  	v2 =	vmul.f32 v1, v0;
	_ =	sdelay $0x1  }
0x8a: {  	v2 =	vmul.f32 v2, v1;
	_ =	sdelay $0x1  }
0x8b: {  	v2 =	vsub.f32 $1.500000000e+00, v2;
	_ =	sdelay $0x1  }
0x8c: {  	v1 =	vmul.f32 v2, v1;
	_ =	sdelay $0x1  }
0x8d: {  	v0 =	vmul.f32 v1, v0;
	_ =	sdelay $0x1  }
0x8e: {  	v0 =	vmul.f32 v0, v1;
	_ =	sdelay $0x1  }
.Ltmp2:
0x8f: {  	v0 =	vsub.f32 $1.500000000e+00, v0;
	(pc) =	sbr.rel @p1 .LBB2_6-.Ltmp2, $3  }
0x90: {  	_ = 	snop  }
0x91: {  	v0 =	vmul.f32 v0, v1;
	_ =	sdelay $0x1  }
0x92: {  	[tilespmem:s1+$0xC800] =	vst v0;
	s1 =	sshra.s32 s19, $0x2;
	s19 =	sadd.s32 $0x40, s19  }
0x93: {  	v0 =	vld [tilespmem:s1+$0xC800];
	_ =	sdelay $0x4  }
0x94: {  	v0 =	vadd.f32 $1.000000000e+00, v0;
	_ =	sdelay $0x1  }
0x95: {  	v1 =	vshra.s32 v0, $0x1;
	v0 =	vmul.f32 $5.000000000e-01, v0  }
0x96: {  	v1 =	vsub.s32 $0x5F3759DF, v1  }
0x97: {  	v2 =	vmul.f32 v1, v0;
	_ =	sdelay $0x1  }
0x98: {  	v2 =	vmul.f32 v1, v2;
	_ =	sdelay $0x1  }
0x99: {  	v2 =	vsub.f32 $1.500000000e+00, v2;
	_ =	sdelay $0x1  }
0x9a: {  	v1 =	vmul.f32 v1, v2;
	_ =	sdelay $0x1  }
0x9b: {  	v2 =	vmul.f32 v1, v0;
	_ =	sdelay $0x1  }
0x9c: {  	v2 =	vmul.f32 v2, v1;
	_ =	sdelay $0x1  }
0x9d: {  	v2 =	vsub.f32 $1.500000000e+00, v2;
	_ =	sdelay $0x1  }
0x9e: {  	v1 =	vmul.f32 v2, v1;
	_ =	sdelay $0x1  }
0x9f: {  	v0 =	vmul.f32 v1, v0;
	_ =	sdelay $0x1  }
0xa0: {  	v0 =	vmul.f32 v0, v1;
	_ =	sdelay $0x1  }
0xa1: {  	v0 =	vsub.f32 $1.500000000e+00, v0;
	_ =	sdelay $0x1  }
0xa2: {  	v0 =	vmul.f32 v0, v1;
	_ =	sdelay $0x1  }
0xa3: {  	s22 =	simm.s32 $0x0;
	[tilespmem:s1+$0xC800] =	vst v0  }
0xa4: {  	s1 =	simm.s32 $0xC800;
	v1 =	vld [tilespmem:s22+$0xA000]  }
0xa5: {  	[dreg:$0x13] =	wrdreg s7;
	s19 =	simm.s32 $0x400;
	v0 =	vld [tilespmem:s1+$0x0]  }
.LBB2_8:
0xa6: {  	p1 =	sne.s32 s19, $0x9C00;
	v2 =	vld [tilespmem:s22+$0xA010]  }
0xa7: {  	v3 =	vld [tilespmem:s22+$0xA020]  }
0xa8: {  	v4 =	vld [tilespmem:s22+$0xA030]  }
0xa9: {  	v5 =	vld [tilespmem:s22+$0xA040]  }
0xaa: {  	v6 =	vbroadcast v0, $0x0;
	v7 =	vbroadcast v0, $0x1;
	v8 =	vld [tilespmem:s22+$0xA050]  }
0xab: {  	v9 =	vbroadcast v0, $0x2;
	v10 =	vbroadcast v0, $0x3;
	v11 =	vld [tilespmem:s22+$0xA060]  }
0xac: {  	v1 =	vmul.f32 v6, v1;
	v2 =	vmul.f32 v2, v7;
	v6 =	vld [tilespmem:s22+$0xA070]  }
0xad: {  	v3 =	vmul.f32 v3, v9;
	v4 =	vmul.f32 v4, v10;
	v7 =	vld [tilespmem:s22+$0xA080]  }
0xae: {  	v9 =	vbroadcast v0, $0x5;
	[tilespmem:s22+$0x7800] =	vst v1;
	v1 =	vbroadcast v0, $0x4;
	v10 =	vld [tilespmem:s22+$0xA090]  }
0xaf: {  	v12 =	vbroadcast v0, $0x7;
	[tilespmem:s22+$0x7810] =	vst v2;
	v2 =	vbroadcast v0, $0x6;
	v13 =	vld [tilespmem:s22+$0xA0A0]  }
0xb0: {  	[tilespmem:s22+$0x7820] =	vst v3;
	v1 =	vmul.f32 v5, v1;
	v3 =	vmul.f32 v8, v9;
	v5 =	vld [tilespmem:s22+$0xA0B0]  }
0xb1: {  	[tilespmem:s22+$0x7830] =	vst v4;
	v2 =	vmul.f32 v11, v2;
	v4 =	vmul.f32 v6, v12;
	v6 =	vld [tilespmem:s22+$0xA0C0]  }
0xb2: {  	v8 =	vbroadcast v0, $0x9;
	[tilespmem:s22+$0x7840] =	vst v1;
	v1 =	vbroadcast v0, $0x8;
	v9 =	vld [tilespmem:s22+$0xA0D0]  }
0xb3: {  	v11 =	vbroadcast v0, $0xB;
	[tilespmem:s22+$0x7850] =	vst v3;
	v3 =	vbroadcast v0, $0xA;
	v12 =	vld [tilespmem:s22+$0xA0E0]  }
0xb4: {  	[tilespmem:s22+$0x7860] =	vst v2;
	v1 =	vmul.f32 v7, v1;
	v2 =	vmul.f32 v10, v8;
	v7 =	vld [tilespmem:s22+$0xA0F0]  }
0xb5: {  	[tilespmem:s22+$0x7870] =	vst v4;
	v3 =	vmul.f32 v13, v3;
	v4 =	vmul.f32 v5, v11  }
0xb6: {  	v5 =	vbroadcast v0, $0xD;
	[tilespmem:s22+$0x7880] =	vst v1;
	v1 =	vbroadcast v0, $0xC  }
0xb7: {  	[tilespmem:s22+$0x7890] =	vst v2;
	v2 =	vbroadcast v0, $0xE;
	v0 =	vbroadcast v0, $0xF  }
0xb8: {  	[tilespmem:s22+$0x78A0] =	vst v3;
	v1 =	vmul.f32 v6, v1;
	v3 =	vmul.f32 v9, v5  }
0xb9: {  	[tilespmem:s22+$0x78B0] =	vst v4;
	v2 =	vmul.f32 v12, v2;
	v0 =	vmul.f32 v7, v0  }
.Ltmp3:
0xba: {  	[tilespmem:s22+$0x78C0] =	vst v1;
	(pc) =	sbr.rel @p1 .LBB2_8-.Ltmp3, $4  }
0xbb: {  	[tilespmem:s22+$0x78D0] =	vst v3  }
0xbc: {  	s0 =	sshra.s32 s19, $0x2;
	[tilespmem:s22+$0x78E0] =	vst v2  }
0xbd: {  	s1 =	sadd.s32 $0x10, s1;
	v1 =	vld [tilespmem:s0+$0xA000];
	[tilespmem:s22+$0x78F0] =	vst v0;
	s22 =	smov.u32 s0  }
0xbe: {  	s19 =	sadd.s32 $0x400, s19;
	v0 =	vld [tilespmem:s1+$0x0]  }
0xbf: {  	_ =	sdelay $0x2  }
0xc0: {  	v2 =	vld [tilespmem:s22+$0xA010]  }
0xc1: {  	v3 =	vld [tilespmem:s22+$0xA020];
	v6 =	vbroadcast v0, $0x0  }
0xc2: {  	v4 =	vld [tilespmem:s22+$0xA030];
	v9 =	vbroadcast v0, $0x1;
	v11 =	vbroadcast v0, $0x2  }
0xc3: {  	v5 =	vld [tilespmem:s22+$0xA040];
	v44 =	vbroadcast v0, $0x3;
	v46 =	vbroadcast v0, $0x4  }
0xc4: {  	v7 =	vld [tilespmem:s22+$0xA050];
	v48 =	vbroadcast v0, $0x5;
	v1 =	vmul.f32 v6, v1  }
0xc5: {  	v8 =	vld [tilespmem:s22+$0xA060];
	v50 =	vbroadcast v0, $0x6;
	v2 =	vmul.f32 v2, v9  }
0xc6: {  	v42 =	vld [tilespmem:s22+$0xA070];
	v52 =	vbroadcast v0, $0x7;
	v3 =	vmul.f32 v3, v11;
	[tilespmem:s22+$0x7800] =	vst v1  }
0xc7: {  	v49 =	vld [tilespmem:s22+$0xA0C0];
	v53 =	vbroadcast v0, $0x8;
	v4 =	vmul.f32 v4, v44;
	[tilespmem:s22+$0x7810] =	vst v2  }
0xc8: {  	v51 =	vld [tilespmem:s22+$0xA0D0];
	v55 =	vbroadcast v0, $0x9;
	v5 =	vmul.f32 v5, v46;
	[tilespmem:s22+$0x7820] =	vst v3  }
0xc9: {  	v57 =	vld [tilespmem:s22+$0xA0F0];
	v56 =	vbroadcast v0, $0xA;
	v7 =	vmul.f32 v7, v48;
	[tilespmem:s22+$0x7830] =	vst v4  }
0xca: {  	v10 =	vld [tilespmem:s22+$0xA080];
	v58 =	vbroadcast v0, $0xC;
	v8 =	vmul.f32 v8, v50;
	[tilespmem:s22+$0x7840] =	vst v5  }
0xcb: {  	v43 =	vld [tilespmem:s22+$0xA090];
	v59 =	vbroadcast v0, $0xD;
	v6 =	vmul.f32 v42, v52;
	[tilespmem:s22+$0x7850] =	vst v7  }
0xcc: {  	v45 =	vld [tilespmem:s22+$0xA0A0];
	v62 =	vbroadcast v0, $0xF;
	v61 =	vmul.f32 v49, v58;
	[tilespmem:s22+$0x7860] =	vst v8  }
0xcd: {  	v47 =	vld [tilespmem:s22+$0xA0B0];
	v12 =	vbroadcast v0, $0xB;
	v63 =	vmul.f32 v51, v59;
	[tilespmem:s22+$0x7870] =	vst v6  }
0xce: {  	v54 =	vld [tilespmem:s22+$0xA0E0];
	v60 =	vbroadcast v0, $0xE;
	v0 =	vmul.f32 v57, v62;
	[tilespmem:s22+$0x78C0] =	vst v61  }
0xcf: {  	v7 =	vmul.f32 v10, v53;
	[tilespmem:s22+$0x78D0] =	vst v63  }
0xd0: {  	v1 =	vmul.f32 v43, v55;
	[tilespmem:s22+$0x78F0] =	vst v0  }
0xd1: {  	v2 =	vmul.f32 v45, v56;
	[tilespmem:s22+$0x7880] =	vst v7  }
0xd2: {  	v3 =	vmul.f32 v47, v12;
	[tilespmem:s22+$0x7890] =	vst v1  }
0xd3: {  	[tilespmem:s22+$0x78A0] =	vst v2;
	v1 =	vmul.f32 v54, v60  }
0xd4: {  	[tilespmem:s22+$0x78B0] =	vst v3  }
0xd5: {  	s0 =	rddreg [dreg:$0xd];
	s1 =	simm.s32 $0x7800;
	s8 =	simm.s32 $0x12;
	[tilespmem:s22+$0x78E0] =	vst v1  }
0xd6: {  	[spmem:s0] =	stream.linear.scatter [tilespmem:s1], [sflag:$0x12], $0x2800, $0x38;
	[tilespmem:$0x15D80] =	vst v63  }
0xd7: {  	_ =	swait.ge [sflag:s8], $0x2800  }
0xd8: {  	s19 =	rddreg [dreg:$0xe]  }
0xd9: {  	[sflag:s8] =	ssyncset.done $0x0;
	s1 =	rddreg [dreg:$0x7]  }
0xda: {  	s22 =	rddreg [dreg:$0x11];
	[sflag:s8] =	ssyncadd.s32 $0xFFFFD800;
	s0 =	sshrl.u32 @p0 s19, $0x3  }
0xdb: {  	[spmem:s0], [sflag:s22] =	dma.local @p0 [hbm:s1], $0x500  }
0xdc: {  	s0 =	simm.s32 @p0 $0x12  }
0xdd: {  	_ =	swait.ge @p0 [sflag:s0], $0x500  }
0xde: {  	[sflag:s0] =	ssyncset.done @p0 $0x0  }
0xdf: {  	[sflag:s0] =	ssyncadd.s32 @p0 $0xFFFFFB00;
	s0 =	simm.s32 @!p0 $0x7800  }
0xe0: {  	[spmem:s19] =	stream.linear.scatter @!p0 [tilespmem:s0], [sflag:$0x12], $0x2800, $0x38;
	[tilespmem:$0x15D80] =	vst v63  }
0xe1: {  	s0 =	simm.s32 @!p0 $0x12  }
0xe2: {  	_ =	swait.ge @!p0 [sflag:s0], $0x2800  }
0xe3: {  	[sflag:s0] =	ssyncset.done @!p0 $0x0  }
0xe4: {  	[sflag:s0] =	ssyncadd.s32 @!p0 $0xFFFFD800  }
0xe5: {  	s1 =	simm.s32 $0x0;
	s22 =	simm.s32 $0xCB00;
	[bflag:$0x0] =	sbarrier.arrive $0xFFFF  }
0xe6: {  	[tilespmem:s22], [sflag:$0x2] =	stream.indirect.gather [spmem:s3], $0x10, s1, s28, $0xb8;
	[tilespmem:$0x15D80] =	vst v63  }
0xe7: {  	s7 =	simm.s32 $0xD300  }
0xe8: {  	[tilespmem:s7], [sflag:$0x3] =	stream.indirect.gather [spmem:s3], $0x10, s28, s28, $0xb8;
	[tilespmem:$0x15D80] =	vst v63  }
0xe9: {  	s8 =	simm.s32 $0xDB00;
	s19 =	simm.s32 $0x100  }
0xea: {  	[tilespmem:s8], [sflag:$0x4] =	stream.indirect.gather [spmem:s3], $0x10, s19, s28, $0xb8;
	[tilespmem:$0x15D80] =	vst v63  }
0xeb: {  	s19 =	simm.s32 $0x180  }
0xec: {  	[tilespmem:s18], [sflag:$0x5] =	stream.indirect.gather [spmem:s3], $0x10, s19, s28, $0xb8;
	[tilespmem:$0x15D80] =	vst v63  }
0xed: {  	s19 =	simm.s32 $0x200  }
0xee: {  	[tilespmem:s20], [sflag:$0x6] =	stream.indirect.gather [spmem:s3], $0x10, s19, s28, $0xb8;
	[tilespmem:$0x15D80] =	vst v63  }
0xef: {  	s19 =	simm.s32 $0x280  }
0xf0: {  	[tilespmem:s10], [sflag:$0x7] =	stream.indirect.gather [spmem:s3], $0x10, s19, s28, $0xb8;
	[tilespmem:$0x15D80] =	vst v63  }
0xf1: {  	s19 =	simm.s32 $0x300  }
0xf2: {  	[tilespmem:s25], [sflag:$0x8] =	stream.indirect.gather [spmem:s3], $0x10, s19, s28, $0xb8;
	[tilespmem:$0x15D80] =	vst v63  }
0xf3: {  	s19 =	simm.s32 $0x380  }
0xf4: {  	[tilespmem:s26], [sflag:$0x9] =	stream.indirect.gather [spmem:s3], $0x10, s19, s28, $0xb8;
	[tilespmem:$0x15D80] =	vst v63  }
.LBB2_10:
0xf5: {  	s0 =	simm.s32 $0x2  }
0xf6: {  	_ =	swait.ge [sflag:s0], $0x800  }
0xf7: {  	s19 =	sshra.s32 s1, $0x2;
	[sflag:s0] =	ssyncset.done $0x0  }
0xf8: {  	[sflag:s0] =	ssyncadd.s32 $0xFFFFF800;
	s0 =	sadd.s32 $0x2800, s19  }
0xf9: {  	[spmem:s5] =	stream.indirect.scatter.add.f32 [tilespmem:s22], [sflag:$0xA], $0x10, s0, s28, $0xb8;
	[tilespmem:$0x15D80] =	vst v63  }
0xfa: {  	s0 =	simm.s32 $0x3  }
0xfb: {  	_ =	swait.ge [sflag:s0], $0x800  }
0xfc: {  	[sflag:s0] =	ssyncset.done $0x0  }
0xfd: {  	[sflag:s0] =	ssyncadd.s32 $0xFFFFF800;
	s0 =	sadd.s32 $0x2880, s19  }
0xfe: {  	[spmem:s5] =	stream.indirect.scatter.add.f32 [tilespmem:s7], [sflag:$0xB], $0x10, s0, s28, $0xb8;
	[tilespmem:$0x15D80] =	vst v63  }
0xff: {  	_ =	swait.ge [sflag:s30], $0x800  }
0x100: {  	[sflag:s30] =	ssyncset.done $0x0  }
0x101: {  	s0 =	sadd.s32 $0x2900, s19;
	[sflag:s30] =	ssyncadd.s32 $0xFFFFF800  }
0x102: {  	[spmem:s5] =	stream.indirect.scatter.add.f32 [tilespmem:s8], [sflag:$0xC], $0x10, s0, s28, $0xb8;
	[tilespmem:$0x15D80] =	vst v63  }
0x103: {  	_ =	swait.ge [sflag:s31], $0x800  }
0x104: {  	[sflag:s31] =	ssyncset.done $0x0  }
0x105: {  	s0 =	sadd.s32 $0x2980, s19;
	[sflag:s31] =	ssyncadd.s32 $0xFFFFF800  }
0x106: {  	[spmem:s5] =	stream.indirect.scatter.add.f32 [tilespmem:s18], [sflag:$0xD], $0x10, s0, s28, $0xb8;
	[tilespmem:$0x15D80] =	vst v63  }
0x107: {  	_ =	swait.ge [sflag:s11], $0x800  }
0x108: {  	[sflag:s11] =	ssyncset.done $0x0  }
0x109: {  	s0 =	sadd.s32 $0x2A00, s19;
	[sflag:s11] =	ssyncadd.s32 $0xFFFFF800  }
0x10a: {  	[spmem:s5] =	stream.indirect.scatter.add.f32 [tilespmem:s20], [sflag:$0xE], $0x10, s0, s28, $0xb8;
	[tilespmem:$0x15D80] =	vst v63  }
0x10b: {  	_ =	swait.ge [sflag:s12], $0x800  }
0x10c: {  	[sflag:s12] =	ssyncset.done $0x0  }
0x10d: {  	s0 =	sadd.s32 $0x2A80, s19;
	[sflag:s12] =	ssyncadd.s32 $0xFFFFF800  }
0x10e: {  	[spmem:s5] =	stream.indirect.scatter.add.f32 [tilespmem:s10], [sflag:$0xF], $0x10, s0, s28, $0xb8;
	[tilespmem:$0x15D80] =	vst v63  }
0x10f: {  	_ =	swait.ge [sflag:s14], $0x800  }
0x110: {  	[sflag:s14] =	ssyncset.done $0x0  }
0x111: {  	s0 =	sadd.s32 $0x2B00, s19;
	[sflag:s14] =	ssyncadd.s32 $0xFFFFF800  }
0x112: {  	[spmem:s5] =	stream.indirect.scatter.add.f32 [tilespmem:s25], [sflag:$0x10], $0x10, s0, s28, $0xb8;
	[tilespmem:$0x15D80] =	vst v63  }
0x113: {  	_ =	swait.ge [sflag:s16], $0x800  }
0x114: {  	p1 =	seq.s32 s1, $0x9000;
	[sflag:s16] =	ssyncset.done $0x0  }
.Ltmp4:
0x115: {  	s0 =	sadd.s32 $0x2B80, s19;
	[sflag:s16] =	ssyncadd.s32 $0xFFFFF800;
	(pc) =	sbr.rel @p1 .LBB2_12-.Ltmp4, $4  }
0x116: {  	[spmem:s5] =	stream.indirect.scatter.add.f32 [tilespmem:s26], [sflag:$0x11], $0x10, s0, s28, $0xb8;
	[tilespmem:$0x15D80] =	vst v63  }
0x117: {  	_ =	swait.ge [sflag:s17], $0x800  }
0x118: {  	[sflag:s17] =	ssyncset.done $0x0  }
0x119: {  	[sflag:s17] =	ssyncadd.s32 $0xFFFFF800  }
0x11a: {  	s0 =	sadd.s32 $0x400, s19  }
0x11b: {  	[tilespmem:s22], [sflag:$0x2] =	stream.indirect.gather [spmem:s3], $0x10, s0, s28, $0xb8;
	[tilespmem:$0x15D80] =	vst v63  }
0x11c: {  	_ =	swait.ge [sflag:s24], $0x800  }
0x11d: {  	[sflag:s24] =	ssyncset.done $0x0  }
0x11e: {  	s0 =	sadd.s32 $0x480, s19;
	[sflag:s24] =	ssyncadd.s32 $0xFFFFF800  }
0x11f: {  	[tilespmem:s7], [sflag:$0x3] =	stream.indirect.gather [spmem:s3], $0x10, s0, s28, $0xb8;
	[tilespmem:$0x15D80] =	vst v63  }
0x120: {  	_ =	swait.ge [sflag:s9], $0x800  }
0x121: {  	[sflag:s9] =	ssyncset.done $0x0  }
0x122: {  	s0 =	sadd.s32 $0x500, s19;
	[sflag:s9] =	ssyncadd.s32 $0xFFFFF800  }
0x123: {  	[tilespmem:s8], [sflag:$0x4] =	stream.indirect.gather [spmem:s3], $0x10, s0, s28, $0xb8;
	[tilespmem:$0x15D80] =	vst v63  }
0x124: {  	_ =	swait.ge [sflag:s4], $0x800  }
0x125: {  	[sflag:s4] =	ssyncset.done $0x0  }
0x126: {  	s0 =	sadd.s32 $0x580, s19;
	[sflag:s4] =	ssyncadd.s32 $0xFFFFF800  }
0x127: {  	[tilespmem:s18], [sflag:$0x5] =	stream.indirect.gather [spmem:s3], $0x10, s0, s28, $0xb8;
	[tilespmem:$0x15D80] =	vst v63  }
0x128: {  	_ =	swait.ge [sflag:s13], $0x800  }
0x129: {  	[sflag:s13] =	ssyncset.done $0x0  }
0x12a: {  	s0 =	sadd.s32 $0x600, s19;
	[sflag:s13] =	ssyncadd.s32 $0xFFFFF800  }
0x12b: {  	[tilespmem:s20], [sflag:$0x6] =	stream.indirect.gather [spmem:s3], $0x10, s0, s28, $0xb8;
	[tilespmem:$0x15D80] =	vst v63  }
0x12c: {  	_ =	swait.ge [sflag:s23], $0x800  }
0x12d: {  	[sflag:s23] =	ssyncset.done $0x0  }
0x12e: {  	s0 =	sadd.s32 $0x680, s19;
	[sflag:s23] =	ssyncadd.s32 $0xFFFFF800  }
0x12f: {  	[tilespmem:s10], [sflag:$0x7] =	stream.indirect.gather [spmem:s3], $0x10, s0, s28, $0xb8;
	[tilespmem:$0x15D80] =	vst v63  }
0x130: {  	_ =	swait.ge [sflag:s6], $0x800  }
0x131: {  	[sflag:s6] =	ssyncset.done $0x0  }
0x132: {  	s0 =	sadd.s32 $0x700, s19;
	[sflag:s6] =	ssyncadd.s32 $0xFFFFF800  }
0x133: {  	[tilespmem:s25], [sflag:$0x8] =	stream.indirect.gather [spmem:s3], $0x10, s0, s28, $0xb8;
	[tilespmem:$0x15D80] =	vst v63  }
.Ltmp5:
0x134: {  	_ = 	snop;
	(pc) =	sbr.rel .LBB2_10-.Ltmp5, $4  }
0x135: {  	_ =	swait.ge [sflag:s15], $0x800  }
0x136: {  	[sflag:s15] =	ssyncset.done $0x0  }
0x137: {  	s1 =	sadd.s32 $0x1000, s1;
	s19 =	sadd.s32 $0x780, s19;
	[sflag:s15] =	ssyncadd.s32 $0xFFFFF800  }
0x138: {  	[tilespmem:s26], [sflag:$0x9] =	stream.indirect.gather [spmem:s3], $0x10, s19, s28, $0xb8;
	[tilespmem:$0x15D80] =	vst v63  }
.LBB2_12:
0x139: {  	_ =	swait.ge [sflag:s24], $0x800  }
0x13a: {  	[sflag:s24] =	ssyncset.done $0x0  }
0x13b: {  	[sflag:s24] =	ssyncadd.s32 $0xFFFFF800  }
0x13c: {  	_ =	swait.ge [sflag:s9], $0x800  }
0x13d: {  	[sflag:s9] =	ssyncset.done $0x0  }
0x13e: {  	[sflag:s9] =	ssyncadd.s32 $0xFFFFF800  }
0x13f: {  	_ =	swait.ge [sflag:s4], $0x800  }
0x140: {  	[sflag:s4] =	ssyncset.done $0x0  }
0x141: {  	[sflag:s4] =	ssyncadd.s32 $0xFFFFF800  }
0x142: {  	_ =	swait.ge [sflag:s13], $0x800  }
0x143: {  	[sflag:s13] =	ssyncset.done $0x0  }
0x144: {  	[sflag:s13] =	ssyncadd.s32 $0xFFFFF800  }
0x145: {  	_ =	swait.ge [sflag:s23], $0x800  }
0x146: {  	[sflag:s23] =	ssyncset.done $0x0  }
0x147: {  	[sflag:s23] =	ssyncadd.s32 $0xFFFFF800  }
0x148: {  	_ =	swait.ge [sflag:s6], $0x800  }
0x149: {  	[sflag:s6] =	ssyncset.done $0x0  }
0x14a: {  	[sflag:s6] =	ssyncadd.s32 $0xFFFFF800  }
0x14b: {  	_ =	swait.ge [sflag:s15], $0x800  }
0x14c: {  	[sflag:s15] =	ssyncset.done $0x0  }
0x14d: {  	[sflag:s15] =	ssyncadd.s32 $0xFFFFF800  }
0x14e: {  	[bflag:$0x0] =	sbarrier.arrive $0xFFFF  }
0x14f: {  	s1 =	simm.s32 $0x7800;
	s22 =	simm.s32 $0x12;
	s0 =	rddreg [dreg:$0xe]  }
0x150: {  	[tilespmem:s1], [sflag:$0x12] =	stream.linear.gather [spmem:s0], $0x2800, $0x38;
	[tilespmem:$0x15D80] =	vst v63  }
0x151: {  	_ =	swait.ge [sflag:s22], $0x2800  }
0x152: {  	[sflag:s22] =	ssyncset.done $0x0  }
0x153: {  	[sflag:s22] =	ssyncadd.s32 $0xFFFFD800;
	s22 =	simm.s32 $0x0  }
0x154: {  	s1 =	simm.s32 $0xC800;
	v1 =	vld [tilespmem:s22+$0x7800]  }
0x155: {  	s19 =	simm.s32 $0x400;
	v0 =	vld [tilespmem:s1+$0x0]  }
.LBB2_13:
0x156: {  	p1 =	sne.s32 s19, $0x9C00;
	v2 =	vld [tilespmem:s22+$0x7810]  }
0x157: {  	v3 =	vld [tilespmem:s22+$0x7820]  }
0x158: {  	v4 =	vld [tilespmem:s22+$0x7830]  }
0x159: {  	v5 =	vld [tilespmem:s22+$0x7840]  }
0x15a: {  	v6 =	vbroadcast v0, $0x0;
	v7 =	vbroadcast v0, $0x1;
	v8 =	vld [tilespmem:s22+$0x7850]  }
0x15b: {  	v9 =	vbroadcast v0, $0x2;
	v10 =	vbroadcast v0, $0x3;
	v11 =	vld [tilespmem:s22+$0x7860]  }
0x15c: {  	v1 =	vmul.f32 v6, v1;
	v2 =	vmul.f32 v2, v7;
	v6 =	vld [tilespmem:s22+$0x7870]  }
0x15d: {  	v3 =	vmul.f32 v3, v9;
	v4 =	vmul.f32 v4, v10;
	v7 =	vld [tilespmem:s22+$0x7880]  }
0x15e: {  	v9 =	vbroadcast v0, $0x5;
	[tilespmem:s22+$0xA000] =	vst v1;
	v1 =	vbroadcast v0, $0x4;
	v10 =	vld [tilespmem:s22+$0x7890]  }
0x15f: {  	v12 =	vbroadcast v0, $0x7;
	[tilespmem:s22+$0xA010] =	vst v2;
	v2 =	vbroadcast v0, $0x6;
	v13 =	vld [tilespmem:s22+$0x78A0]  }
0x160: {  	[tilespmem:s22+$0xA020] =	vst v3;
	v1 =	vmul.f32 v5, v1;
	v3 =	vmul.f32 v8, v9;
	v5 =	vld [tilespmem:s22+$0x78B0]  }
0x161: {  	[tilespmem:s22+$0xA030] =	vst v4;
	v2 =	vmul.f32 v11, v2;
	v4 =	vmul.f32 v6, v12;
	v6 =	vld [tilespmem:s22+$0x78C0]  }
0x162: {  	v8 =	vbroadcast v0, $0x9;
	[tilespmem:s22+$0xA040] =	vst v1;
	v1 =	vbroadcast v0, $0x8;
	v9 =	vld [tilespmem:s22+$0x78D0]  }
0x163: {  	v11 =	vbroadcast v0, $0xB;
	[tilespmem:s22+$0xA050] =	vst v3;
	v3 =	vbroadcast v0, $0xA;
	v12 =	vld [tilespmem:s22+$0x78E0]  }
0x164: {  	[tilespmem:s22+$0xA060] =	vst v2;
	v1 =	vmul.f32 v7, v1;
	v2 =	vmul.f32 v10, v8;
	v7 =	vld [tilespmem:s22+$0x78F0]  }
0x165: {  	[tilespmem:s22+$0xA070] =	vst v4;
	v3 =	vmul.f32 v13, v3;
	v4 =	vmul.f32 v5, v11  }
0x166: {  	v5 =	vbroadcast v0, $0xD;
	[tilespmem:s22+$0xA080] =	vst v1;
	v1 =	vbroadcast v0, $0xC  }
0x167: {  	[tilespmem:s22+$0xA090] =	vst v2;
	v2 =	vbroadcast v0, $0xE;
	v0 =	vbroadcast v0, $0xF  }
0x168: {  	[tilespmem:s22+$0xA0A0] =	vst v3;
	v1 =	vmul.f32 v6, v1;
	v3 =	vmul.f32 v9, v5  }
0x169: {  	[tilespmem:s22+$0xA0B0] =	vst v4;
	v2 =	vmul.f32 v12, v2;
	v0 =	vmul.f32 v7, v0  }
.Ltmp6:
0x16a: {  	[tilespmem:s22+$0xA0C0] =	vst v1;
	(pc) =	sbr.rel @p1 .LBB2_13-.Ltmp6, $4  }
0x16b: {  	[tilespmem:s22+$0xA0D0] =	vst v3  }
0x16c: {  	s0 =	sshra.s32 s19, $0x2;
	[tilespmem:s22+$0xA0E0] =	vst v2  }
0x16d: {  	s1 =	sadd.s32 $0x10, s1;
	v1 =	vld [tilespmem:s0+$0x7800];
	[tilespmem:s22+$0xA0F0] =	vst v0;
	s22 =	smov.u32 s0  }
0x16e: {  	s19 =	sadd.s32 $0x400, s19;
	v0 =	vld [tilespmem:s1+$0x0]  }
0x16f: {  	_ =	sdelay $0x2  }
0x170: {  	v2 =	vld [tilespmem:s22+$0x7810]  }
0x171: {  	v3 =	vld [tilespmem:s22+$0x7820];
	v6 =	vbroadcast v0, $0x0  }
0x172: {  	v4 =	vld [tilespmem:s22+$0x7830];
	v9 =	vbroadcast v0, $0x1;
	v11 =	vbroadcast v0, $0x2  }
0x173: {  	v5 =	vld [tilespmem:s22+$0x7840];
	v44 =	vbroadcast v0, $0x3;
	v46 =	vbroadcast v0, $0x4  }
0x174: {  	v7 =	vld [tilespmem:s22+$0x7850];
	v48 =	vbroadcast v0, $0x5;
	v1 =	vmul.f32 v6, v1  }
0x175: {  	v8 =	vld [tilespmem:s22+$0x7860];
	v50 =	vbroadcast v0, $0x6;
	v2 =	vmul.f32 v2, v9  }
0x176: {  	v42 =	vld [tilespmem:s22+$0x7870];
	v52 =	vbroadcast v0, $0x7;
	v3 =	vmul.f32 v3, v11;
	[tilespmem:s22+$0xA000] =	vst v1  }
0x177: {  	v49 =	vld [tilespmem:s22+$0x78C0];
	v53 =	vbroadcast v0, $0x8;
	v4 =	vmul.f32 v4, v44;
	[tilespmem:s22+$0xA010] =	vst v2  }
0x178: {  	v51 =	vld [tilespmem:s22+$0x78D0];
	v55 =	vbroadcast v0, $0x9;
	v5 =	vmul.f32 v5, v46;
	[tilespmem:s22+$0xA020] =	vst v3  }
0x179: {  	v57 =	vld [tilespmem:s22+$0x78F0];
	v56 =	vbroadcast v0, $0xA;
	v7 =	vmul.f32 v7, v48;
	[tilespmem:s22+$0xA030] =	vst v4  }
0x17a: {  	v10 =	vld [tilespmem:s22+$0x7880];
	v58 =	vbroadcast v0, $0xC;
	v8 =	vmul.f32 v8, v50;
	[tilespmem:s22+$0xA040] =	vst v5  }
0x17b: {  	v43 =	vld [tilespmem:s22+$0x7890];
	v59 =	vbroadcast v0, $0xD;
	v6 =	vmul.f32 v42, v52;
	[tilespmem:s22+$0xA050] =	vst v7  }
0x17c: {  	v45 =	vld [tilespmem:s22+$0x78A0];
	v62 =	vbroadcast v0, $0xF;
	v61 =	vmul.f32 v49, v58;
	[tilespmem:s22+$0xA060] =	vst v8  }
0x17d: {  	v47 =	vld [tilespmem:s22+$0x78B0];
	v12 =	vbroadcast v0, $0xB;
	v63 =	vmul.f32 v51, v59;
	[tilespmem:s22+$0xA070] =	vst v6  }
0x17e: {  	v54 =	vld [tilespmem:s22+$0x78E0];
	v60 =	vbroadcast v0, $0xE;
	v0 =	vmul.f32 v57, v62;
	[tilespmem:s22+$0xA0C0] =	vst v61  }
0x17f: {  	v7 =	vmul.f32 v10, v53;
	[tilespmem:s22+$0xA0D0] =	vst v63  }
0x180: {  	v1 =	vmul.f32 v43, v55;
	[tilespmem:s22+$0xA0F0] =	vst v0  }
0x181: {  	v2 =	vmul.f32 v45, v56;
	[tilespmem:s22+$0xA080] =	vst v7  }
0x182: {  	v3 =	vmul.f32 v47, v12;
	[tilespmem:s22+$0xA090] =	vst v1  }
0x183: {  	[tilespmem:s22+$0xA0A0] =	vst v2;
	v1 =	vmul.f32 v54, v60  }
0x184: {  	s19 =	simm.s32 $0x0;
	[tilespmem:s22+$0xA0B0] =	vst v3  }
0x185: {  	s0 =	rddreg [dreg:$0xf];
	s1 =	simm.s32 $0xA000;
	s8 =	simm.s32 $0x12;
	[tilespmem:s22+$0xA0E0] =	vst v1  }
0x186: {  	[hbm4b:s0+s19] =	stream.linear.scatter [tilespmem:s1], [sflag:$0x12], $0x2800, $0x38;
	[tilespmem:$0x15D80] =	vst v63  }
0x187: {  	_ =	swait.ge [sflag:s8], $0x2800  }
0x188: {  	s7 =	rddreg [dreg:$0x13]  }
0x189: {  	s22 =	rddreg [dreg:$0x10];
	s7 =	sadd.s32 $0x1, s7  }
0x18a: {  	p1 =	sne.s32 s7, s22  }
.Ltmp7:
0x18b: {  	_ = 	snop;
	(pc) =	sbr.rel @p1 .LBB2_1-.Ltmp7, $3  }
0x18c: {  	_ =	sdelay $0x1  }
0x18d: {  	[sflag:s8] =	ssyncset.done $0x0  }
0x18e: {  	[sflag:s8] =	ssyncadd.s32 $0xFFFFD800  }
0x18f: {  	_ =	sfence.sel $0x180000  }
0x190: {  	[bflag:$0x0] =	sbarrier.arrive $0xFFFF  }
0x191: {  	_ =	strace $0x90000047  }
0x192: {  	s0 =	stileid.u32;
	[bflag:$0x2] =	sbarrier.arrive $0xFFFF  }
0x193: {  	p0 =	sne.s32 s0, $0x0;
	s0 =	rddreg [dreg:$0x5]  }
0x194: {  	s0 =	sadd.s32 @!p0 $0x100000, s0  }
0x195: {  	[sflag:s0] =	ssyncadd.tile.s32 @!p0 $0x1;
	_ =	shalt  }
.Lfunc_end2:
_tile_overlayer_lowered:
.L_overlay_start_2:
0x196: {  	(tag) =	ssettag $0x2  }
0x197: {  	s0 =	rddreg [dreg:$0x0];
	s2 =	stileid.u32  }
0x198: {  	s1 =	rddreg [dreg:$0x1];
	p0 =	sne.s32 s2, $0x0  }
0x199: {  	s3 =	rddreg [dreg:$0x2];
	[bflag:$0x3] =	sbarrier.arrive $0xFFFF;
	s2 =	simm.s32 @!p0 $0x1C12  }
0x19a: {  	[timem:s3], [sflag:s2] =	dma.local @!p0 [hbm:s0], s1  }
0x19b: {  	s0 =	simm.s32 @!p0 $0x12  }
0x19c: {  	_ =	swait.ge @!p0 [sflag:s0], s1  }
0x19d: {  	s1 =	ssub.s32 @!p0 $0x0, s1;
	[sflag:s0] =	ssyncset.done @!p0 $0x0  }
0x19e: {  	[sflag:s0] =	ssyncadd.s32 @!p0 s1  }
0x19f: {  	[bflag:$0x3] =	sbarrier.arrive $0xFFFF  }
0x1a0: {  	_ =	shalt  }

</sc_bundles>
